<compile_context>
chip_gen: v7x
topology: tpu7x:2x2x1
jax: 0.10.2.dev20260603
libtpu: 0.0.44.dev20260713+nightly
codegen_flags: <defaults>
</compile_context>

<pallas_src>
import functools

import jax
import jax.numpy as jnp
from jax import lax
from jax.experimental import pallas as pl
from jax.experimental.pallas import tpu as pltpu
from jax.experimental.pallas import tpu_sc as plsc

NCLS = 19
CPAD = 20
HC = 128
HF = 512
BROWS = 10
BAND = CPAD * BROWS * HC
NSUB = 16
ROWS_PER_TILE = HF // NSUB



def _cls_body(preds_ref, masks_ref, cls_ref):
    best = preds_ref[0, 0]
    besti = jnp.zeros(best.shape, jnp.int32)
    for k in range(1, NCLS):
        pk = preds_ref[0, k]
        m = pk > best
        best = jnp.where(m, pk, best)
        besti = jnp.where(m, k, besti)
    mask = masks_ref[0]
    cls_ref[0] = jnp.where(besti == mask, mask, NCLS).astype(jnp.int32)


def _compute_cls(preds, masks):
    b = preds.shape[0]
    rb = 256
    grid = (b, HF // rb)
    return pl.pallas_call(
        _cls_body,
        grid=grid,
        in_specs=[
            pl.BlockSpec((1, NCLS, rb, HF), lambda i, j: (i, 0, j, 0)),
            pl.BlockSpec((1, rb, HF), lambda i, j: (i, j, 0)),
        ],
        out_specs=pl.BlockSpec((1, rb, HF), lambda i, j: (i, j, 0)),
        out_shape=jax.ShapeDtypeStruct((b, HF, HF), jnp.int32),
    )(preds, masks)



def _sc_body(cls_hbm, out_hbm, cls_v, band_v):
    c = lax.axis_index("c")
    s = lax.axis_index("s")
    npix = ROWS_PER_TILE * HF
    pltpu.sync_copy(cls_hbm.at[c, pl.ds(s * npix, npix)], cls_v)

    zero16 = jnp.zeros((16,), jnp.float32)

    @plsc.parallel_loop(0, BAND // 256)
    def _zero(i):
        for u in range(16):
            band_v[pl.ds(i * 256 + u * 16, 16)] = zero16

    lane = lax.iota(jnp.int32, 16)
    lane4 = lane * 4
    band_base_row = 8 * s - 1
    wtab = (0.375, 0.125, 0.875, 0.625)

    colm = []
    for m in range(8):
        c0 = lane + (16 * m - 1)
        if m == 0:
            c0 = jnp.maximum(c0, 0)
        c1 = lane + 16 * m
        c2 = lane + (16 * m + 1)
        if m == 7:
            c2 = jnp.minimum(c2, HC - 1)
        colm.append((c0, c1, c2))
    m_lo = lane == 0
    m_lo_rest = lane != 0
    m_hi = lane == 15
    m_hi_rest = lane != 15

    @plsc.parallel_loop(0, ROWS_PER_TILE, unroll=4)
    def _row(i):
        ih = s * ROWS_PER_TILE + i
        jh = ih // 4
        rh = ih % 4
        jha = jnp.clip(jh + jnp.where(rh < 2, -1, 0), 0, HC - 1)
        jhb = jnp.clip(jh + jnp.where(rh < 2, 0, 1), 0, HC - 1)
        wha = jnp.where(rh == 0, 0.375,
              jnp.where(rh == 1, 0.125,
              jnp.where(rh == 2, 0.875, 0.625)))
        whb = 1.0 - wha
        rowa = jnp.full((16,), (jha - band_base_row) * HC, jnp.int32)
        rowb = jnp.full((16,), (jhb - band_base_row) * HC, jnp.int32)
        wa = [jnp.full((16,), wha * x, jnp.float32) for x in wtab]
        wb = [jnp.full((16,), whb * x, jnp.float32) for x in wtab]
        pix0 = lane4 + i * HF
        for m in range(8):
            c0, c1, c2 = colm[m]
            ra = (rowa + c0, rowa + c1, rowa + c2)
            rb = (rowb + c0, rowb + c1, rowb + c2)
            cls4 = [plsc.load_gather(cls_v, [pix0 + (64 * m + r)])
                    for r in range(4)]
            base4 = [cv * (BROWS * HC) for cv in cls4]
            for r in range(4):
                la = 0 if r < 2 else 1
                base = base4[r]
                for rowv, wv in ((ra, wa), (rb, wb)):
                    for tap, wgt in ((la, wv[r]), (la + 1, wv[3 - r])):
                        idx = base + rowv[tap]
                        if m == 0 and tap == 0:
                            plsc.addupdate_scatter(band_v, [idx], wgt, mask=m_lo)
                            plsc.addupdate_scatter(band_v, [idx], wgt, mask=m_lo_rest)
                        elif m == 7 and tap == 2:
                            plsc.addupdate_scatter(band_v, [idx], wgt, mask=m_hi)
                            plsc.addupdate_scatter(band_v, [idx], wgt, mask=m_hi_rest)
                        else:
                            plsc.addupdate_scatter(band_v, [idx], wgt)

    pltpu.sync_copy(band_v, out_hbm.at[c, s])


def _scatter_bands(cls):
    b = cls.shape[0]
    mesh = plsc.VectorSubcoreMesh(
        core_axis_name="c", subcore_axis_name="s",
        num_cores=b, num_subcores=NSUB)
    fn = functools.partial(
        pl.kernel,
        out_type=jax.ShapeDtypeStruct((b, NSUB, BAND), jnp.float32),
        mesh=mesh,
        scratch_types=[
            pltpu.VMEM((ROWS_PER_TILE * HF,), jnp.int32),
            pltpu.VMEM((BAND,), jnp.float32),
        ],
        compiler_params=pltpu.CompilerParams(needs_layout_passes=False,
                                             disable_bounds_checks=True),
    )(_sc_body)
    return fn(cls)



def _proto_body(bands_ref, feats_ref, out_ref, w_ref):
    b = pl.program_id(0)
    nb = pl.num_programs(0)
    w_ref[...] = jnp.zeros((CPAD, HC * HC), jnp.float32)
    for s in range(NSUB):
        lo = (8 * s - 1) * HC
        a = max(lo, 0)
        e = min(lo + BROWS * HC, HC * HC)
        w_ref[:, a:e] = w_ref[:, a:e] + bands_ref[0, s][:, a - lo:e - lo]
    wf = w_ref[0:NCLS, :]
    sums = jnp.sum(wf, axis=1)
    num = lax.dot_general(wf, feats_ref[0], (((1,), (1,)), ((), ())),
                          preferred_element_type=jnp.float32)
    contrib = num / (sums + 1e-6)[:, None] * (1.0 / nb)

    @pl.when(b == 0)
    def _init():
        out_ref[...] = contrib

    @pl.when(b != 0)
    def _acc():
        out_ref[...] = out_ref[...] + contrib


def _prototypes(bands, feats2d):
    b, c = feats2d.shape[0], feats2d.shape[1]
    return pl.pallas_call(
        _proto_body,
        grid=(b,),
        in_specs=[
            pl.BlockSpec((1, NSUB, CPAD, BROWS * HC), lambda i: (i, 0, 0, 0)),
            pl.BlockSpec((1, c, HC * HC), lambda i: (i, 0, 0)),
        ],
        out_specs=pl.BlockSpec((NCLS, c), lambda i: (0, 0)),
        out_shape=jax.ShapeDtypeStruct((NCLS, c), jnp.float32),
        scratch_shapes=[pltpu.VMEM((CPAD, HC * HC), jnp.float32)],
    )(bands, feats2d)


def kernel(feats, preds, masks):
    b, c = feats.shape[0], feats.shape[1]
    masks = masks.astype(jnp.int32)
    cls = _compute_cls(preds, masks)
    bands = _scatter_bands(cls.reshape(b, HF * HF))
    bands = bands.reshape(b, NSUB, CPAD, BROWS * HC)
    feats2d = feats.reshape(b, c, HC * HC)
    return _prototypes(bands, feats2d)

# --- scband reference (transcript-rebuilt; emitter-appended) ---
"""Pipeline reference for scband-correct-prototype-manager-72533407695472 (READ-ONLY COPY).

The authoritative reference and input builder live on the scoring server;
editing this copy changes nothing except your own understanding.
"""

import jax, jax.numpy as jnp
import numpy as np

NCLASS = 19

def one_hot_2d(label, nclass):
    # label: int[h, w]. Clamp values > nclass to nclass, one-hot to nclass+1 channels, drop last.
    label = jnp.where(label > nclass, nclass, label)
    oh = jax.nn.one_hot(label, nclass + 1, axis=0, dtype=jnp.float32)  # (nclass+1, h, w)
    return oh[:-1, :, :]

def setup_inputs(seed: int = 0) -> dict:
    key = jax.random.key(seed)
    k1, k2, k3 = jax.random.split(key, 3)
    feats = jax.random.normal(k1, (2, 96, 128, 128), dtype=jnp.float32)
    preds = jax.random.normal(k2, (2, 19, 512, 512), dtype=jnp.float32)
    masks = jax.random.randint(k3, (2, 512, 512), 0, 19).astype(jnp.int64)
    return {"feats": feats, "preds": preds, "masks": masks}

def reference(feats, preds, masks):
    nclass = NCLASS
    b, c = feats.shape[0], feats.shape[1]
    H, W = masks.shape[-2], masks.shape[-1]
    # preds = argmax over class dim (forward entry point)
    pred_lbl = jnp.argmax(preds, axis=1)  # (b, H, W)
    # F.interpolate(feats, size=masks.shape[-2:], mode='bilinear') (align_corners=False)
    feats_r = jax.image.resize(feats, (b, c, H, W), method='bilinear')
    def per_sample(feat, pred, mask):
        # feat: (c, H, W); pred, mask: (H, W) int
        m = one_hot_2d(mask, nclass) * one_hot_2d(pred, nclass)  # (nclass, H, W)
        sums = m.sum(axis=(1, 2))  # (nclass,)
        # per-class masked feature sum: segment-style reduce over pixels
        num = jnp.einsum('chw,khw->kc', feat, m)  # (nclass, c)
        # classes absent from mask have num==0 and sums==0 -> prototype row 0,
        # matching the torch loop over torch.unique(cur_mask)
        return num / (sums[:, None] + 1e-6)
    protos = jax.vmap(per_sample)(feats_r, pred_lbl, masks)  # (b, nclass, c)
    prototypes = protos.sum(axis=0) / b
    # module is uninitialized -> initialize() sets self.prototypes = new_prototypes and returns them
    return prototypes

if __name__ == "__main__":
    import jax
    _d = setup_inputs()
    print(jax.jit(kernel)(*tuple(_d.values())))

</pallas_src>

<mosaic_0001>
#map = affine_map<(d0, d1) -> (0, 0)>
#map1 = affine_map<(d0, d1) -> (0, 0, 0)>
module attributes {stable_mosaic.version = 14 : i64} {
  func.func @_sc_body(%arg0: i32, %arg1: i32, %arg2: memref<2x262144xi32, #tpu.memory_space<hbm>>, %arg3: memref<2x16x25600xf32, #tpu.memory_space<hbm>>, %arg4: memref<16384xi32, #tpu.memory_space<vmem>>, %arg5: memref<25600xf32, #tpu.memory_space<vmem>>) attributes {dimension_semantics = [#tpu.dimension_semantics<core_parallel>, #tpu.dimension_semantics<subcore_parallel>], iteration_bounds = array<i64: 2, 16>, scalar_prefetch = 0 : i64, scratch_operands = 2 : i64, tpu.core_type = #tpu.core_type<sc_vector_subcore>, window_params = [{transform_indices = #map}, {transform_indices = #map1}]} {
    %mul3A = arith.constant 16384 : i32
    %mul3A_0 = arith.muli %arg1, %mul3A : i32
    "tpu.region"() ({
      %run_scoped3A = tpu.sem_alloc : memref<!tpu.dma_semaphore, #tpu.memory_space<semaphore_mem>>
      %dma_start3A = tpu.memref_slice %arg2[%arg0, %mul3A_0] : memref<2x262144xi32, #tpu.memory_space<hbm>> -> memref<1x16384xi32, #tpu.memory_space<hbm>>
      %dma_start3A_98 = tpu.memref_squeeze %dma_start3A : memref<1x16384xi32, #tpu.memory_space<hbm>> -> memref<16384xi32, #tpu.memory_space<hbm>>
      %dma_start3A_99 = tpu.memref_slice %arg2[%arg0, %mul3A_0] : memref<2x262144xi32, #tpu.memory_space<hbm>> -> memref<1x16384xi32, #tpu.memory_space<hbm>>
      %dma_start3A_100 = tpu.memref_squeeze %dma_start3A_99 : memref<1x16384xi32, #tpu.memory_space<hbm>> -> memref<16384xi32, #tpu.memory_space<hbm>>
      tpu.enqueue_dma source(%dma_start3A_100 : memref<16384xi32, #tpu.memory_space<hbm>>) target(%arg4 : memref<16384xi32, #tpu.memory_space<vmem>>) target_semaphore(%run_scoped3A : memref<!tpu.dma_semaphore, #tpu.memory_space<semaphore_mem>>)
      %dma_wait3A = tpu.memref_slice %arg2[%arg0, %mul3A_0] : memref<2x262144xi32, #tpu.memory_space<hbm>> -> memref<1x16384xi32, #tpu.memory_space<hbm>>
      %dma_wait3A_101 = tpu.memref_squeeze %dma_wait3A : memref<1x16384xi32, #tpu.memory_space<hbm>> -> memref<16384xi32, #tpu.memory_space<hbm>>
      %dma_wait3A_102 = tpu.memref_slice %arg2[%arg0, %mul3A_0] : memref<2x262144xi32, #tpu.memory_space<hbm>> -> memref<1x16384xi32, #tpu.memory_space<hbm>>
      %dma_wait3A_103 = tpu.memref_squeeze %dma_wait3A_102 : memref<1x16384xi32, #tpu.memory_space<hbm>> -> memref<16384xi32, #tpu.memory_space<hbm>>
      tpu.wait_dma2 semaphore(%run_scoped3A : memref<!tpu.dma_semaphore, #tpu.memory_space<semaphore_mem>>) src(%dma_wait3A_103 : memref<16384xi32, #tpu.memory_space<hbm>>) dst(%arg4 : memref<16384xi32, #tpu.memory_space<vmem>>)
      tpu.yield
    }) : () -> ()
    %broadcast_in_dim3A = arith.constant 0.000000e+00 : f32
    %broadcast_in_dim3A_1 = vector.broadcast %broadcast_in_dim3A : f32 to vector<16xf32>
    %parallel_loop3A = arith.constant 0 : i32
    %parallel_loop3A_2 = arith.constant 100 : i32
    %parallel_loop3A_3 = arith.constant 1 : i32
    scf.for %parallel_loop3A_98 = %parallel_loop3A to %parallel_loop3A_2 step %parallel_loop3A_3  : i32 {
      %parallel_loop3A_99 = arith.constant 256 : i32
      %parallel_loop3A_100 = arith.muli %parallel_loop3A_98, %parallel_loop3A_99 : i32
      %parallel_loop3A_101 = arith.constant 0 : i32
      %parallel_loop3A_102 = arith.addi %parallel_loop3A_100, %parallel_loop3A_101 : i32
      %parallel_loop3A_103 = arith.index_cast %parallel_loop3A_102 : i32 to index
      %parallel_loop3A_104 = tpu.vector_load %arg5[%parallel_loop3A_103] {strides = array<i32>} : memref<25600xf32, #tpu.memory_space<vmem>>, vector<16xf32>,
      tpu.vector_store %arg5[%parallel_loop3A_103], %broadcast_in_dim3A_1 {strides = array<i32>} : memref<25600xf32, #tpu.memory_space<vmem>>, vector<16xf32>,
      %parallel_loop3A_105 = arith.constant 256 : i32
      %parallel_loop3A_106 = arith.muli %parallel_loop3A_98, %parallel_loop3A_105 : i32
      %parallel_loop3A_107 = arith.constant 16 : i32
      %parallel_loop3A_108 = arith.addi %parallel_loop3A_106, %parallel_loop3A_107 : i32
      %parallel_loop3A_109 = arith.index_cast %parallel_loop3A_108 : i32 to index
      %parallel_loop3A_110 = tpu.vector_load %arg5[%parallel_loop3A_109] {strides = array<i32>} : memref<25600xf32, #tpu.memory_space<vmem>>, vector<16xf32>,
      tpu.vector_store %arg5[%parallel_loop3A_109], %broadcast_in_dim3A_1 {strides = array<i32>} : memref<25600xf32, #tpu.memory_space<vmem>>, vector<16xf32>,
      %parallel_loop3A_111 = arith.constant 256 : i32
      %parallel_loop3A_112 = arith.muli %parallel_loop3A_98, %parallel_loop3A_111 : i32
      %parallel_loop3A_113 = arith.constant 32 : i32
      %parallel_loop3A_114 = arith.addi %parallel_loop3A_112, %parallel_loop3A_113 : i32
      %parallel_loop3A_115 = arith.index_cast %parallel_loop3A_114 : i32 to index
      %parallel_loop3A_116 = tpu.vector_load %arg5[%parallel_loop3A_115] {strides = array<i32>} : memref<25600xf32, #tpu.memory_space<vmem>>, vector<16xf32>,
      tpu.vector_store %arg5[%parallel_loop3A_115], %broadcast_in_dim3A_1 {strides = array<i32>} : memref<25600xf32, #tpu.memory_space<vmem>>, vector<16xf32>,
      %parallel_loop3A_117 = arith.constant 256 : i32
      %parallel_loop3A_118 = arith.muli %parallel_loop3A_98, %parallel_loop3A_117 : i32
      %parallel_loop3A_119 = arith.constant 48 : i32
      %parallel_loop3A_120 = arith.addi %parallel_loop3A_118, %parallel_loop3A_119 : i32
      %parallel_loop3A_121 = arith.index_cast %parallel_loop3A_120 : i32 to index
      %parallel_loop3A_122 = tpu.vector_load %arg5[%parallel_loop3A_121] {strides = array<i32>} : memref<25600xf32, #tpu.memory_space<vmem>>, vector<16xf32>,
      tpu.vector_store %arg5[%parallel_loop3A_121], %broadcast_in_dim3A_1 {strides = array<i32>} : memref<25600xf32, #tpu.memory_space<vmem>>, vector<16xf32>,
      %parallel_loop3A_123 = arith.constant 256 : i32
      %parallel_loop3A_124 = arith.muli %parallel_loop3A_98, %parallel_loop3A_123 : i32
      %parallel_loop3A_125 = arith.constant 64 : i32
      %parallel_loop3A_126 = arith.addi %parallel_loop3A_124, %parallel_loop3A_125 : i32
      %parallel_loop3A_127 = arith.index_cast %parallel_loop3A_126 : i32 to index
      %parallel_loop3A_128 = tpu.vector_load %arg5[%parallel_loop3A_127] {strides = array<i32>} : memref<25600xf32, #tpu.memory_space<vmem>>, vector<16xf32>,
      tpu.vector_store %arg5[%parallel_loop3A_127], %broadcast_in_dim3A_1 {strides = array<i32>} : memref<25600xf32, #tpu.memory_space<vmem>>, vector<16xf32>,
      %parallel_loop3A_129 = arith.constant 256 : i32
      %parallel_loop3A_130 = arith.muli %parallel_loop3A_98, %parallel_loop3A_129 : i32
      %parallel_loop3A_131 = arith.constant 80 : i32
      %parallel_loop3A_132 = arith.addi %parallel_loop3A_130, %parallel_loop3A_131 : i32
      %parallel_loop3A_133 = arith.index_cast %parallel_loop3A_132 : i32 to index
      %parallel_loop3A_134 = tpu.vector_load %arg5[%parallel_loop3A_133] {strides = array<i32>} : memref<25600xf32, #tpu.memory_space<vmem>>, vector<16xf32>,
      tpu.vector_store %arg5[%parallel_loop3A_133], %broadcast_in_dim3A_1 {strides = array<i32>} : memref<25600xf32, #tpu.memory_space<vmem>>, vector<16xf32>,
      %parallel_loop3A_135 = arith.constant 256 : i32
      %parallel_loop3A_136 = arith.muli %parallel_loop3A_98, %parallel_loop3A_135 : i32
      %parallel_loop3A_137 = arith.constant 96 : i32
      %parallel_loop3A_138 = arith.addi %parallel_loop3A_136, %parallel_loop3A_137 : i32
      %parallel_loop3A_139 = arith.index_cast %parallel_loop3A_138 : i32 to index
      %parallel_loop3A_140 = tpu.vector_load %arg5[%parallel_loop3A_139] {strides = array<i32>} : memref<25600xf32, #tpu.memory_space<vmem>>, vector<16xf32>,
      tpu.vector_store %arg5[%parallel_loop3A_139], %broadcast_in_dim3A_1 {strides = array<i32>} : memref<25600xf32, #tpu.memory_space<vmem>>, vector<16xf32>,
      %parallel_loop3A_141 = arith.constant 256 : i32
      %parallel_loop3A_142 = arith.muli %parallel_loop3A_98, %parallel_loop3A_141 : i32
      %parallel_loop3A_143 = arith.constant 112 : i32
      %parallel_loop3A_144 = arith.addi %parallel_loop3A_142, %parallel_loop3A_143 : i32
      %parallel_loop3A_145 = arith.index_cast %parallel_loop3A_144 : i32 to index
      %parallel_loop3A_146 = tpu.vector_load %arg5[%parallel_loop3A_145] {strides = array<i32>} : memref<25600xf32, #tpu.memory_space<vmem>>, vector<16xf32>,
      tpu.vector_store %arg5[%parallel_loop3A_145], %broadcast_in_dim3A_1 {strides = array<i32>} : memref<25600xf32, #tpu.memory_space<vmem>>, vector<16xf32>,
      %parallel_loop3A_147 = arith.constant 256 : i32
      %parallel_loop3A_148 = arith.muli %parallel_loop3A_98, %parallel_loop3A_147 : i32
      %parallel_loop3A_149 = arith.constant 128 : i32
      %parallel_loop3A_150 = arith.addi %parallel_loop3A_148, %parallel_loop3A_149 : i32
      %parallel_loop3A_151 = arith.index_cast %parallel_loop3A_150 : i32 to index
      %parallel_loop3A_152 = tpu.vector_load %arg5[%parallel_loop3A_151] {strides = array<i32>} : memref<25600xf32, #tpu.memory_space<vmem>>, vector<16xf32>,
      tpu.vector_store %arg5[%parallel_loop3A_151], %broadcast_in_dim3A_1 {strides = array<i32>} : memref<25600xf32, #tpu.memory_space<vmem>>, vector<16xf32>,
      %parallel_loop3A_153 = arith.constant 256 : i32
      %parallel_loop3A_154 = arith.muli %parallel_loop3A_98, %parallel_loop3A_153 : i32
      %parallel_loop3A_155 = arith.constant 144 : i32
      %parallel_loop3A_156 = arith.addi %parallel_loop3A_154, %parallel_loop3A_155 : i32
      %parallel_loop3A_157 = arith.index_cast %parallel_loop3A_156 : i32 to index
      %parallel_loop3A_158 = tpu.vector_load %arg5[%parallel_loop3A_157] {strides = array<i32>} : memref<25600xf32, #tpu.memory_space<vmem>>, vector<16xf32>,
      tpu.vector_store %arg5[%parallel_loop3A_157], %broadcast_in_dim3A_1 {strides = array<i32>} : memref<25600xf32, #tpu.memory_space<vmem>>, vector<16xf32>,
      %parallel_loop3A_159 = arith.constant 256 : i32
      %parallel_loop3A_160 = arith.muli %parallel_loop3A_98, %parallel_loop3A_159 : i32
      %parallel_loop3A_161 = arith.constant 160 : i32
      %parallel_loop3A_162 = arith.addi %parallel_loop3A_160, %parallel_loop3A_161 : i32
      %parallel_loop3A_163 = arith.index_cast %parallel_loop3A_162 : i32 to index
      %parallel_loop3A_164 = tpu.vector_load %arg5[%parallel_loop3A_163] {strides = array<i32>} : memref<25600xf32, #tpu.memory_space<vmem>>, vector<16xf32>,
      tpu.vector_store %arg5[%parallel_loop3A_163], %broadcast_in_dim3A_1 {strides = array<i32>} : memref<25600xf32, #tpu.memory_space<vmem>>, vector<16xf32>,
      %parallel_loop3A_165 = arith.constant 256 : i32
      %parallel_loop3A_166 = arith.muli %parallel_loop3A_98, %parallel_loop3A_165 : i32
      %parallel_loop3A_167 = arith.constant 176 : i32
      %parallel_loop3A_168 = arith.addi %parallel_loop3A_166, %parallel_loop3A_167 : i32
      %parallel_loop3A_169 = arith.index_cast %parallel_loop3A_168 : i32 to index
      %parallel_loop3A_170 = tpu.vector_load %arg5[%parallel_loop3A_169] {strides = array<i32>} : memref<25600xf32, #tpu.memory_space<vmem>>, vector<16xf32>,
      tpu.vector_store %arg5[%parallel_loop3A_169], %broadcast_in_dim3A_1 {strides = array<i32>} : memref<25600xf32, #tpu.memory_space<vmem>>, vector<16xf32>,
      %parallel_loop3A_171 = arith.constant 256 : i32
      %parallel_loop3A_172 = arith.muli %parallel_loop3A_98, %parallel_loop3A_171 : i32
      %parallel_loop3A_173 = arith.constant 192 : i32
      %parallel_loop3A_174 = arith.addi %parallel_loop3A_172, %parallel_loop3A_173 : i32
      %parallel_loop3A_175 = arith.index_cast %parallel_loop3A_174 : i32 to index
      %parallel_loop3A_176 = tpu.vector_load %arg5[%parallel_loop3A_175] {strides = array<i32>} : memref<25600xf32, #tpu.memory_space<vmem>>, vector<16xf32>,
      tpu.vector_store %arg5[%parallel_loop3A_175], %broadcast_in_dim3A_1 {strides = array<i32>} : memref<25600xf32, #tpu.memory_space<vmem>>, vector<16xf32>,
      %parallel_loop3A_177 = arith.constant 256 : i32
      %parallel_loop3A_178 = arith.muli %parallel_loop3A_98, %parallel_loop3A_177 : i32
      %parallel_loop3A_179 = arith.constant 208 : i32
      %parallel_loop3A_180 = arith.addi %parallel_loop3A_178, %parallel_loop3A_179 : i32
      %parallel_loop3A_181 = arith.index_cast %parallel_loop3A_180 : i32 to index
      %parallel_loop3A_182 = tpu.vector_load %arg5[%parallel_loop3A_181] {strides = array<i32>} : memref<25600xf32, #tpu.memory_space<vmem>>, vector<16xf32>,
      tpu.vector_store %arg5[%parallel_loop3A_181], %broadcast_in_dim3A_1 {strides = array<i32>} : memref<25600xf32, #tpu.memory_space<vmem>>, vector<16xf32>,
      %parallel_loop3A_183 = arith.constant 256 : i32
      %parallel_loop3A_184 = arith.muli %parallel_loop3A_98, %parallel_loop3A_183 : i32
      %parallel_loop3A_185 = arith.constant 224 : i32
      %parallel_loop3A_186 = arith.addi %parallel_loop3A_184, %parallel_loop3A_185 : i32
      %parallel_loop3A_187 = arith.index_cast %parallel_loop3A_186 : i32 to index
      %parallel_loop3A_188 = tpu.vector_load %arg5[%parallel_loop3A_187] {strides = array<i32>} : memref<25600xf32, #tpu.memory_space<vmem>>, vector<16xf32>,
      tpu.vector_store %arg5[%parallel_loop3A_187], %broadcast_in_dim3A_1 {strides = array<i32>} : memref<25600xf32, #tpu.memory_space<vmem>>, vector<16xf32>,
      %parallel_loop3A_189 = arith.constant 256 : i32
      %parallel_loop3A_190 = arith.muli %parallel_loop3A_98, %parallel_loop3A_189 : i32
      %parallel_loop3A_191 = arith.constant 240 : i32
      %parallel_loop3A_192 = arith.addi %parallel_loop3A_190, %parallel_loop3A_191 : i32
      %parallel_loop3A_193 = arith.index_cast %parallel_loop3A_192 : i32 to index
      %parallel_loop3A_194 = tpu.vector_load %arg5[%parallel_loop3A_193] {strides = array<i32>} : memref<25600xf32, #tpu.memory_space<vmem>>, vector<16xf32>,
      tpu.vector_store %arg5[%parallel_loop3A_193], %broadcast_in_dim3A_1 {strides = array<i32>} : memref<25600xf32, #tpu.memory_space<vmem>>, vector<16xf32>,
    } {sc.loop_unroll_factor = 1 : i64, sc.parallel_access}
    %iota3A = tpu.iota {dimensions = array<i32: 0>} : vector<16xi32>
    %mul3A_4 = arith.constant 4 : i32
    %mul3A_5 = vector.broadcast %mul3A_4 : i32 to vector<16xi32>
    %mul3A_6 = arith.muli %iota3A, %mul3A_5 : vector<16xi32>
    %mul3A_7 = arith.constant 8 : i32
    %mul3A_8 = arith.muli %mul3A_7, %arg1 : i32
    %sub3A = arith.constant 1 : i32
    %sub3A_9 = arith.subi %mul3A_8, %sub3A : i32
    %add3A = arith.constant -1 : i32
    %add3A_10 = vector.broadcast %add3A : i32 to vector<16xi32>
    %add3A_11 = arith.addi %iota3A, %add3A_10 : vector<16xi32>
    %max3A = arith.constant 0 : i32
    %max3A_12 = vector.broadcast %max3A : i32 to vector<16xi32>
    %max3A_13 = arith.maxsi %add3A_11, %max3A_12 : vector<16xi32>
    %add3A_14 = arith.constant 0 : i32
    %add3A_15 = vector.broadcast %add3A_14 : i32 to vector<16xi32>
    %add3A_16 = arith.addi %iota3A, %add3A_15 : vector<16xi32>
    %add3A_17 = arith.constant 1 : i32
    %add3A_18 = vector.broadcast %add3A_17 : i32 to vector<16xi32>
    %add3A_19 = arith.addi %iota3A, %add3A_18 : vector<16xi32>
    %add3A_20 = arith.constant 15 : i32
    %add3A_21 = vector.broadcast %add3A_20 : i32 to vector<16xi32>
    %add3A_22 = arith.addi %iota3A, %add3A_21 : vector<16xi32>
    %add3A_23 = arith.constant 16 : i32
    %add3A_24 = vector.broadcast %add3A_23 : i32 to vector<16xi32>
    %add3A_25 = arith.addi %iota3A, %add3A_24 : vector<16xi32>
    %add3A_26 = arith.constant 17 : i32
    %add3A_27 = vector.broadcast %add3A_26 : i32 to vector<16xi32>
    %add3A_28 = arith.addi %iota3A, %add3A_27 : vector<16xi32>
    %add3A_29 = arith.constant 31 : i32
    %add3A_30 = vector.broadcast %add3A_29 : i32 to vector<16xi32>
    %add3A_31 = arith.addi %iota3A, %add3A_30 : vector<16xi32>
    %add3A_32 = arith.constant 32 : i32
    %add3A_33 = vector.broadcast %add3A_32 : i32 to vector<16xi32>
    %add3A_34 = arith.addi %iota3A, %add3A_33 : vector<16xi32>
    %add3A_35 = arith.constant 33 : i32
    %add3A_36 = vector.broadcast %add3A_35 : i32 to vector<16xi32>
    %add3A_37 = arith.addi %iota3A, %add3A_36 : vector<16xi32>
    %add3A_38 = arith.constant 47 : i32
    %add3A_39 = vector.broadcast %add3A_38 : i32 to vector<16xi32>
    %add3A_40 = arith.addi %iota3A, %add3A_39 : vector<16xi32>
    %add3A_41 = arith.constant 48 : i32
    %add3A_42 = vector.broadcast %add3A_41 : i32 to vector<16xi32>
    %add3A_43 = arith.addi %iota3A, %add3A_42 : vector<16xi32>
    %add3A_44 = arith.constant 49 : i32
    %add3A_45 = vector.broadcast %add3A_44 : i32 to vector<16xi32>
    %add3A_46 = arith.addi %iota3A, %add3A_45 : vector<16xi32>
    %add3A_47 = arith.constant 63 : i32
    %add3A_48 = vector.broadcast %add3A_47 : i32 to vector<16xi32>
    %add3A_49 = arith.addi %iota3A, %add3A_48 : vector<16xi32>
    %add3A_50 = arith.constant 64 : i32
    %add3A_51 = vector.broadcast %add3A_50 : i32 to vector<16xi32>
    %add3A_52 = arith.addi %iota3A, %add3A_51 : vector<16xi32>
    %add3A_53 = arith.constant 65 : i32
    %add3A_54 = vector.broadcast %add3A_53 : i32 to vector<16xi32>
    %add3A_55 = arith.addi %iota3A, %add3A_54 : vector<16xi32>
    %add3A_56 = arith.constant 79 : i32
    %add3A_57 = vector.broadcast %add3A_56 : i32 to vector<16xi32>
    %add3A_58 = arith.addi %iota3A, %add3A_57 : vector<16xi32>
    %add3A_59 = arith.constant 80 : i32
    %add3A_60 = vector.broadcast %add3A_59 : i32 to vector<16xi32>
    %add3A_61 = arith.addi %iota3A, %add3A_60 : vector<16xi32>
    %add3A_62 = arith.constant 81 : i32
    %add3A_63 = vector.broadcast %add3A_62 : i32 to vector<16xi32>
    %add3A_64 = arith.addi %iota3A, %add3A_63 : vector<16xi32>
    %add3A_65 = arith.constant 95 : i32
    %add3A_66 = vector.broadcast %add3A_65 : i32 to vector<16xi32>
    %add3A_67 = arith.addi %iota3A, %add3A_66 : vector<16xi32>
    %add3A_68 = arith.constant 96 : i32
    %add3A_69 = vector.broadcast %add3A_68 : i32 to vector<16xi32>
    %add3A_70 = arith.addi %iota3A, %add3A_69 : vector<16xi32>
    %add3A_71 = arith.constant 97 : i32
    %add3A_72 = vector.broadcast %add3A_71 : i32 to vector<16xi32>
    %add3A_73 = arith.addi %iota3A, %add3A_72 : vector<16xi32>
    %add3A_74 = arith.constant 111 : i32
    %add3A_75 = vector.broadcast %add3A_74 : i32 to vector<16xi32>
    %add3A_76 = arith.addi %iota3A, %add3A_75 : vector<16xi32>
    %add3A_77 = arith.constant 112 : i32
    %add3A_78 = vector.broadcast %add3A_77 : i32 to vector<16xi32>
    %add3A_79 = arith.addi %iota3A, %add3A_78 : vector<16xi32>
    %add3A_80 = arith.constant 113 : i32
    %add3A_81 = vector.broadcast %add3A_80 : i32 to vector<16xi32>
    %add3A_82 = arith.addi %iota3A, %add3A_81 : vector<16xi32>
    %min3A = arith.constant 127 : i32
    %min3A_83 = vector.broadcast %min3A : i32 to vector<16xi32>
    %min3A_84 = arith.minsi %add3A_82, %min3A_83 : vector<16xi32>
    %eq3A = arith.constant 0 : i32
    %eq3A_85 = vector.broadcast %eq3A : i32 to vector<16xi32>
    %eq3A_86 = arith.cmpi eq, %iota3A, %eq3A_85 : vector<16xi32>
    %ne3A = arith.constant 0 : i32
    %ne3A_87 = vector.broadcast %ne3A : i32 to vector<16xi32>
    %ne3A_88 = arith.cmpi ne, %iota3A, %ne3A_87 : vector<16xi32>
    %eq3A_89 = arith.constant 15 : i32
    %eq3A_90 = vector.broadcast %eq3A_89 : i32 to vector<16xi32>
    %eq3A_91 = arith.cmpi eq, %iota3A, %eq3A_90 : vector<16xi32>
    %ne3A_92 = arith.constant 15 : i32
    %ne3A_93 = vector.broadcast %ne3A_92 : i32 to vector<16xi32>
    %ne3A_94 = arith.cmpi ne, %iota3A, %ne3A_93 : vector<16xi32>
    %parallel_loop3A_95 = arith.constant 0 : i32
    %parallel_loop3A_96 = arith.constant 32 : i32
    %parallel_loop3A_97 = arith.constant 1 : i32
    scf.for %parallel_loop3A_98 = %parallel_loop3A_95 to %parallel_loop3A_96 step %parallel_loop3A_97  : i32 {
      %parallel_loop3A_99 = arith.constant 32 : i32
      %parallel_loop3A_100 = arith.muli %arg1, %parallel_loop3A_99 : i32
      %parallel_loop3A_101 = arith.addi %parallel_loop3A_100, %parallel_loop3A_98 : i32
      %parallel_loop3A_102 = arith.constant 4 : i32
      %parallel_loop3A_103 = arith.divsi %parallel_loop3A_101, %parallel_loop3A_102 : i32
      %parallel_loop3A_104 = arith.constant 0 : i32
      %parallel_loop3A_105 = arith.cmpi sgt, %parallel_loop3A_101, %parallel_loop3A_104 : i32
      %parallel_loop3A_106 = arith.extui %parallel_loop3A_105 : i1 to i32
      %parallel_loop3A_107 = arith.constant 0 : i32
      %parallel_loop3A_108 = arith.cmpi slt, %parallel_loop3A_101, %parallel_loop3A_107 : i32
      %parallel_loop3A_109 = arith.extui %parallel_loop3A_108 : i1 to i32
      %parallel_loop3A_110 = arith.subi %parallel_loop3A_106, %parallel_loop3A_109 : i32
      %parallel_loop3A_111 = arith.constant 0 : i32
      %parallel_loop3A_112 = arith.cmpi sgt, %parallel_loop3A_102, %parallel_loop3A_111 : i32
      %parallel_loop3A_113 = arith.extui %parallel_loop3A_112 : i1 to i32
      %parallel_loop3A_114 = arith.constant 0 : i32
      %parallel_loop3A_115 = arith.cmpi slt, %parallel_loop3A_102, %parallel_loop3A_114 : i32
      %parallel_loop3A_116 = arith.extui %parallel_loop3A_115 : i1 to i32
      %parallel_loop3A_117 = arith.subi %parallel_loop3A_113, %parallel_loop3A_116 : i32
      %parallel_loop3A_118 = arith.cmpi ne, %parallel_loop3A_110, %parallel_loop3A_117 : i32
      %parallel_loop3A_119 = arith.remsi %parallel_loop3A_101, %parallel_loop3A_102 : i32
      %parallel_loop3A_120 = arith.constant 0 : i32
      %parallel_loop3A_121 = arith.cmpi ne, %parallel_loop3A_119, %parallel_loop3A_120 : i32
      %parallel_loop3A_122 = arith.andi %parallel_loop3A_118, %parallel_loop3A_121 : i1
      %parallel_loop3A_123 = arith.constant 1 : i32
      %parallel_loop3A_124 = arith.subi %parallel_loop3A_103, %parallel_loop3A_123 : i32
      %parallel_loop3A_125 = arith.select %parallel_loop3A_122, %parallel_loop3A_124, %parallel_loop3A_103 : i32
      %parallel_loop3A_126 = arith.constant 4 : i32
      %parallel_loop3A_127 = arith.constant 0 : i32
      %parallel_loop3A_128 = arith.cmpi eq, %parallel_loop3A_126, %parallel_loop3A_127 : i32
      %parallel_loop3A_129 = arith.constant 1 : i32
      %parallel_loop3A_130 = arith.select %parallel_loop3A_128, %parallel_loop3A_129, %parallel_loop3A_126 : i32
      %parallel_loop3A_131 = arith.remsi %parallel_loop3A_101, %parallel_loop3A_130 : i32
      %parallel_loop3A_132 = arith.constant 0 : i32
      %parallel_loop3A_133 = arith.cmpi ne, %parallel_loop3A_131, %parallel_loop3A_132 : i32
      %parallel_loop3A_134 = arith.constant 0 : i32
      %parallel_loop3A_135 = arith.cmpi slt, %parallel_loop3A_131, %parallel_loop3A_134 : i32
      %parallel_loop3A_136 = arith.constant 0 : i32
      %parallel_loop3A_137 = arith.cmpi slt, %parallel_loop3A_130, %parallel_loop3A_136 : i32
      %parallel_loop3A_138 = arith.xori %parallel_loop3A_135, %parallel_loop3A_137 : i1
      %parallel_loop3A_139 = arith.andi %parallel_loop3A_138, %parallel_loop3A_133 : i1
      %parallel_loop3A_140 = arith.addi %parallel_loop3A_131, %parallel_loop3A_130 : i32
      %parallel_loop3A_141 = arith.select %parallel_loop3A_139, %parallel_loop3A_140, %parallel_loop3A_131 : i32
      %parallel_loop3A_142 = arith.constant 2 : i32
      %parallel_loop3A_143 = arith.cmpi slt, %parallel_loop3A_141, %parallel_loop3A_142 : i32
      %parallel_loop3A_144 = arith.constant -1 : i32
      %parallel_loop3A_145 = arith.constant 0 : i32
      %parallel_loop3A_146 = arith.select %parallel_loop3A_143, %parallel_loop3A_144, %parallel_loop3A_145 : i32
      %parallel_loop3A_147 = arith.addi %parallel_loop3A_125, %parallel_loop3A_146 : i32
      %parallel_loop3A_148 = arith.constant 0 : i32
      %parallel_loop3A_149 = arith.constant 127 : i32
      %parallel_loop3A_150 = arith.maxsi %parallel_loop3A_148, %parallel_loop3A_147 : i32
      %parallel_loop3A_151 = arith.minsi %parallel_loop3A_149, %parallel_loop3A_150 : i32
      %parallel_loop3A_152 = arith.constant 2 : i32
      %parallel_loop3A_153 = arith.cmpi slt, %parallel_loop3A_141, %parallel_loop3A_152 : i32
      %parallel_loop3A_154 = arith.constant 0 : i32
      %parallel_loop3A_155 = arith.constant 1 : i32
      %parallel_loop3A_156 = arith.select %parallel_loop3A_153, %parallel_loop3A_154, %parallel_loop3A_155 : i32
      %parallel_loop3A_157 = arith.addi %parallel_loop3A_125, %parallel_loop3A_156 : i32
      %parallel_loop3A_158 = arith.constant 0 : i32
      %parallel_loop3A_159 = arith.constant 127 : i32
      %parallel_loop3A_160 = arith.maxsi %parallel_loop3A_158, %parallel_loop3A_157 : i32
      %parallel_loop3A_161 = arith.minsi %parallel_loop3A_159, %parallel_loop3A_160 : i32
      %parallel_loop3A_162 = arith.constant 0 : i32
      %parallel_loop3A_163 = arith.cmpi eq, %parallel_loop3A_141, %parallel_loop3A_162 : i32
      %parallel_loop3A_164 = arith.constant 1 : i32
      %parallel_loop3A_165 = arith.cmpi eq, %parallel_loop3A_141, %parallel_loop3A_164 : i32
      %parallel_loop3A_166 = arith.constant 2 : i32
      %parallel_loop3A_167 = arith.cmpi eq, %parallel_loop3A_141, %parallel_loop3A_166 : i32
      %parallel_loop3A_168 = arith.constant 8.750000e-01 : f32
      %parallel_loop3A_169 = arith.constant 6.250000e-01 : f32
      %parallel_loop3A_170 = arith.select %parallel_loop3A_167, %parallel_loop3A_168, %parallel_loop3A_169 : f32
      %parallel_loop3A_171 = arith.constant 1.250000e-01 : f32
      %parallel_loop3A_172 = arith.select %parallel_loop3A_165, %parallel_loop3A_171, %parallel_loop3A_170 : f32
      %parallel_loop3A_173 = arith.constant 3.750000e-01 : f32
      %parallel_loop3A_174 = arith.select %parallel_loop3A_163, %parallel_loop3A_173, %parallel_loop3A_172 : f32
      %parallel_loop3A_175 = arith.constant 1.000000e+00 : f32
      %parallel_loop3A_176 = arith.subf %parallel_loop3A_175, %parallel_loop3A_174 : f32
      %parallel_loop3A_177 = arith.subi %parallel_loop3A_151, %sub3A_9 : i32
      %parallel_loop3A_178 = arith.constant 128 : i32
      %parallel_loop3A_179 = arith.muli %parallel_loop3A_177, %parallel_loop3A_178 : i32
      %parallel_loop3A_180 = vector.broadcast %parallel_loop3A_179 : i32 to vector<16xi32>
      %parallel_loop3A_181 = arith.subi %parallel_loop3A_161, %sub3A_9 : i32
      %parallel_loop3A_182 = arith.constant 128 : i32
      %parallel_loop3A_183 = arith.muli %parallel_loop3A_181, %parallel_loop3A_182 : i32
      %parallel_loop3A_184 = vector.broadcast %parallel_loop3A_183 : i32 to vector<16xi32>
      %parallel_loop3A_185 = arith.constant 3.750000e-01 : f32
      %parallel_loop3A_186 = arith.mulf %parallel_loop3A_174, %parallel_loop3A_185 : f32
      %parallel_loop3A_187 = vector.broadcast %parallel_loop3A_186 : f32 to vector<16xf32>
      %parallel_loop3A_188 = arith.constant 1.250000e-01 : f32
      %parallel_loop3A_189 = arith.mulf %parallel_loop3A_174, %parallel_loop3A_188 : f32
      %parallel_loop3A_190 = vector.broadcast %parallel_loop3A_189 : f32 to vector<16xf32>
      %parallel_loop3A_191 = arith.constant 8.750000e-01 : f32
      %parallel_loop3A_192 = arith.mulf %parallel_loop3A_174, %parallel_loop3A_191 : f32
      %parallel_loop3A_193 = vector.broadcast %parallel_loop3A_192 : f32 to vector<16xf32>
      %parallel_loop3A_194 = arith.constant 6.250000e-01 : f32
      %parallel_loop3A_195 = arith.mulf %parallel_loop3A_174, %parallel_loop3A_194 : f32
      %parallel_loop3A_196 = vector.broadcast %parallel_loop3A_195 : f32 to vector<16xf32>
      %parallel_loop3A_197 = arith.constant 3.750000e-01 : f32
      %parallel_loop3A_198 = arith.mulf %parallel_loop3A_176, %parallel_loop3A_197 : f32
      %parallel_loop3A_199 = vector.broadcast %parallel_loop3A_198 : f32 to vector<16xf32>
      %parallel_loop3A_200 = arith.constant 1.250000e-01 : f32
      %parallel_loop3A_201 = arith.mulf %parallel_loop3A_176, %parallel_loop3A_200 : f32
      %parallel_loop3A_202 = vector.broadcast %parallel_loop3A_201 : f32 to vector<16xf32>
      %parallel_loop3A_203 = arith.constant 8.750000e-01 : f32
      %parallel_loop3A_204 = arith.mulf %parallel_loop3A_176, %parallel_loop3A_203 : f32
      %parallel_loop3A_205 = vector.broadcast %parallel_loop3A_204 : f32 to vector<16xf32>
      %parallel_loop3A_206 = arith.constant 6.250000e-01 : f32
      %parallel_loop3A_207 = arith.mulf %parallel_loop3A_176, %parallel_loop3A_206 : f32
      %parallel_loop3A_208 = vector.broadcast %parallel_loop3A_207 : f32 to vector<16xf32>
      %parallel_loop3A_209 = arith.constant 512 : i32
      %parallel_loop3A_210 = arith.muli %parallel_loop3A_98, %parallel_loop3A_209 : i32
      %parallel_loop3A_211 = vector.broadcast %parallel_loop3A_210 : i32 to vector<16xi32>
      %parallel_loop3A_212 = arith.addi %mul3A_6, %parallel_loop3A_211 : vector<16xi32>
      %parallel_loop3A_213 = arith.addi %parallel_loop3A_180, %max3A_13 : vector<16xi32>
      %parallel_loop3A_214 = arith.addi %parallel_loop3A_180, %add3A_16 : vector<16xi32>
      %parallel_loop3A_215 = arith.addi %parallel_loop3A_180, %add3A_19 : vector<16xi32>
      %parallel_loop3A_216 = arith.addi %parallel_loop3A_184, %max3A_13 : vector<16xi32>
      %parallel_loop3A_217 = arith.addi %parallel_loop3A_184, %add3A_16 : vector<16xi32>
      %parallel_loop3A_218 = arith.addi %parallel_loop3A_184, %add3A_19 : vector<16xi32>
      %parallel_loop3A_219 = arith.constant 0 : i32
      %parallel_loop3A_220 = vector.broadcast %parallel_loop3A_219 : i32 to vector<16xi32>
      %parallel_loop3A_221 = arith.addi %parallel_loop3A_212, %parallel_loop3A_220 : vector<16xi32>
      %parallel_loop3A_222 = tpu.vector_load_idx %arg4[%parallel_loop3A_221] : memref<16384xi32, #tpu.memory_space<vmem>>[vector<16xi32>], vector<16xi32>,
      %parallel_loop3A_223 = arith.constant 1 : i32
      %parallel_loop3A_224 = vector.broadcast %parallel_loop3A_223 : i32 to vector<16xi32>
      %parallel_loop3A_225 = arith.addi %parallel_loop3A_212, %parallel_loop3A_224 : vector<16xi32>
      %parallel_loop3A_226 = tpu.vector_load_idx %arg4[%parallel_loop3A_225] : memref<16384xi32, #tpu.memory_space<vmem>>[vector<16xi32>], vector<16xi32>,
      %parallel_loop3A_227 = arith.constant 2 : i32
      %parallel_loop3A_228 = vector.broadcast %parallel_loop3A_227 : i32 to vector<16xi32>
      %parallel_loop3A_229 = arith.addi %parallel_loop3A_212, %parallel_loop3A_228 : vector<16xi32>
      %parallel_loop3A_230 = tpu.vector_load_idx %arg4[%parallel_loop3A_229] : memref<16384xi32, #tpu.memory_space<vmem>>[vector<16xi32>], vector<16xi32>,
      %parallel_loop3A_231 = arith.constant 3 : i32
      %parallel_loop3A_232 = vector.broadcast %parallel_loop3A_231 : i32 to vector<16xi32>
      %parallel_loop3A_233 = arith.addi %parallel_loop3A_212, %parallel_loop3A_232 : vector<16xi32>
      %parallel_loop3A_234 = tpu.vector_load_idx %arg4[%parallel_loop3A_233] : memref<16384xi32, #tpu.memory_space<vmem>>[vector<16xi32>], vector<16xi32>,
      %parallel_loop3A_235 = arith.constant 1280 : i32
      %parallel_loop3A_236 = vector.broadcast %parallel_loop3A_235 : i32 to vector<16xi32>
      %parallel_loop3A_237 = arith.muli %parallel_loop3A_222, %parallel_loop3A_236 : vector<16xi32>
      %parallel_loop3A_238 = arith.constant 1280 : i32
      %parallel_loop3A_239 = vector.broadcast %parallel_loop3A_238 : i32 to vector<16xi32>
      %parallel_loop3A_240 = arith.muli %parallel_loop3A_226, %parallel_loop3A_239 : vector<16xi32>
      %parallel_loop3A_241 = arith.constant 1280 : i32
      %parallel_loop3A_242 = vector.broadcast %parallel_loop3A_241 : i32 to vector<16xi32>
      %parallel_loop3A_243 = arith.muli %parallel_loop3A_230, %parallel_loop3A_242 : vector<16xi32>
      %parallel_loop3A_244 = arith.constant 1280 : i32
      %parallel_loop3A_245 = vector.broadcast %parallel_loop3A_244 : i32 to vector<16xi32>
      %parallel_loop3A_246 = arith.muli %parallel_loop3A_234, %parallel_loop3A_245 : vector<16xi32>
      %parallel_loop3A_247 = arith.addi %parallel_loop3A_237, %parallel_loop3A_213 : vector<16xi32>
      tpu.vector_store_idx %arg5[%parallel_loop3A_247], %parallel_loop3A_187 masked %eq3A_86 {add = true} : memref<25600xf32, #tpu.memory_space<vmem>>[vector<16xi32>], vector<16xf32>, vector<16xi1>
      tpu.vector_store_idx %arg5[%parallel_loop3A_247], %parallel_loop3A_187 masked %ne3A_88 {add = true} : memref<25600xf32, #tpu.memory_space<vmem>>[vector<16xi32>], vector<16xf32>, vector<16xi1>
      %parallel_loop3A_248 = arith.addi %parallel_loop3A_237, %parallel_loop3A_214 : vector<16xi32>
      tpu.vector_store_idx %arg5[%parallel_loop3A_248], %parallel_loop3A_196 {add = true} : memref<25600xf32, #tpu.memory_space<vmem>>[vector<16xi32>], vector<16xf32>,
      %parallel_loop3A_249 = arith.addi %parallel_loop3A_237, %parallel_loop3A_216 : vector<16xi32>
      tpu.vector_store_idx %arg5[%parallel_loop3A_249], %parallel_loop3A_199 masked %eq3A_86 {add = true} : memref<25600xf32, #tpu.memory_space<vmem>>[vector<16xi32>], vector<16xf32>, vector<16xi1>
      tpu.vector_store_idx %arg5[%parallel_loop3A_249], %parallel_loop3A_199 masked %ne3A_88 {add = true} : memref<25600xf32, #tpu.memory_space<vmem>>[vector<16xi32>], vector<16xf32>, vector<16xi1>
      %parallel_loop3A_250 = arith.addi %parallel_loop3A_237, %parallel_loop3A_217 : vector<16xi32>
      tpu.vector_store_idx %arg5[%parallel_loop3A_250], %parallel_loop3A_208 {add = true} : memref<25600xf32, #tpu.memory_space<vmem>>[vector<16xi32>], vector<16xf32>,
      %parallel_loop3A_251 = arith.addi %parallel_loop3A_240, %parallel_loop3A_213 : vector<16xi32>
      tpu.vector_store_idx %arg5[%parallel_loop3A_251], %parallel_loop3A_190 masked %eq3A_86 {add = true} : memref<25600xf32, #tpu.memory_space<vmem>>[vector<16xi32>], vector<16xf32>, vector<16xi1>
      tpu.vector_store_idx %arg5[%parallel_loop3A_251], %parallel_loop3A_190 masked %ne3A_88 {add = true} : memref<25600xf32, #tpu.memory_space<vmem>>[vector<16xi32>], vector<16xf32>, vector<16xi1>
      %parallel_loop3A_252 = arith.addi %parallel_loop3A_240, %parallel_loop3A_214 : vector<16xi32>
      tpu.vector_store_idx %arg5[%parallel_loop3A_252], %parallel_loop3A_193 {add = true} : memref<25600xf32, #tpu.memory_space<vmem>>[vector<16xi32>], vector<16xf32>,
      %parallel_loop3A_253 = arith.addi %parallel_loop3A_240, %parallel_loop3A_216 : vector<16xi32>
      tpu.vector_store_idx %arg5[%parallel_loop3A_253], %parallel_loop3A_202 masked %eq3A_86 {add = true} : memref<25600xf32, #tpu.memory_space<vmem>>[vector<16xi32>], vector<16xf32>, vector<16xi1>
      tpu.vector_store_idx %arg5[%parallel_loop3A_253], %parallel_loop3A_202 masked %ne3A_88 {add = true} : memref<25600xf32, #tpu.memory_space<vmem>>[vector<16xi32>], vector<16xf32>, vector<16xi1>
      %parallel_loop3A_254 = arith.addi %parallel_loop3A_240, %parallel_loop3A_217 : vector<16xi32>
      tpu.vector_store_idx %arg5[%parallel_loop3A_254], %parallel_loop3A_205 {add = true} : memref<25600xf32, #tpu.memory_space<vmem>>[vector<16xi32>], vector<16xf32>,
      %parallel_loop3A_255 = arith.addi %parallel_loop3A_243, %parallel_loop3A_214 : vector<16xi32>
      tpu.vector_store_idx %arg5[%parallel_loop3A_255], %parallel_loop3A_193 {add = true} : memref<25600xf32, #tpu.memory_space<vmem>>[vector<16xi32>], vector<16xf32>,
      %parallel_loop3A_256 = arith.addi %parallel_loop3A_243, %parallel_loop3A_215 : vector<16xi32>
      tpu.vector_store_idx %arg5[%parallel_loop3A_256], %parallel_loop3A_190 {add = true} : memref<25600xf32, #tpu.memory_space<vmem>>[vector<16xi32>], vector<16xf32>,
      %parallel_loop3A_257 = arith.addi %parallel_loop3A_243, %parallel_loop3A_217 : vector<16xi32>
      tpu.vector_store_idx %arg5[%parallel_loop3A_257], %parallel_loop3A_205 {add = true} : memref<25600xf32, #tpu.memory_space<vmem>>[vector<16xi32>], vector<16xf32>,
      %parallel_loop3A_258 = arith.addi %parallel_loop3A_243, %parallel_loop3A_218 : vector<16xi32>
      tpu.vector_store_idx %arg5[%parallel_loop3A_258], %parallel_loop3A_202 {add = true} : memref<25600xf32, #tpu.memory_space<vmem>>[vector<16xi32>], vector<16xf32>,
      %parallel_loop3A_259 = arith.addi %parallel_loop3A_246, %parallel_loop3A_214 : vector<16xi32>
      tpu.vector_store_idx %arg5[%parallel_loop3A_259], %parallel_loop3A_196 {add = true} : memref<25600xf32, #tpu.memory_space<vmem>>[vector<16xi32>], vector<16xf32>,
      %parallel_loop3A_260 = arith.addi %parallel_loop3A_246, %parallel_loop3A_215 : vector<16xi32>
      tpu.vector_store_idx %arg5[%parallel_loop3A_260], %parallel_loop3A_187 {add = true} : memref<25600xf32, #tpu.memory_space<vmem>>[vector<16xi32>], vector<16xf32>,
      %parallel_loop3A_261 = arith.addi %parallel_loop3A_246, %parallel_loop3A_217 : vector<16xi32>
      tpu.vector_store_idx %arg5[%parallel_loop3A_261], %parallel_loop3A_208 {add = true} : memref<25600xf32, #tpu.memory_space<vmem>>[vector<16xi32>], vector<16xf32>,
      %parallel_loop3A_262 = arith.addi %parallel_loop3A_246, %parallel_loop3A_218 : vector<16xi32>
      tpu.vector_store_idx %arg5[%parallel_loop3A_262], %parallel_loop3A_199 {add = true} : memref<25600xf32, #tpu.memory_space<vmem>>[vector<16xi32>], vector<16xf32>,
      %parallel_loop3A_263 = arith.addi %parallel_loop3A_180, %add3A_22 : vector<16xi32>
      %parallel_loop3A_264 = arith.addi %parallel_loop3A_180, %add3A_25 : vector<16xi32>
      %parallel_loop3A_265 = arith.addi %parallel_loop3A_180, %add3A_28 : vector<16xi32>
      %parallel_loop3A_266 = arith.addi %parallel_loop3A_184, %add3A_22 : vector<16xi32>
      %parallel_loop3A_267 = arith.addi %parallel_loop3A_184, %add3A_25 : vector<16xi32>
      %parallel_loop3A_268 = arith.addi %parallel_loop3A_184, %add3A_28 : vector<16xi32>
      %parallel_loop3A_269 = arith.constant 64 : i32
      %parallel_loop3A_270 = vector.broadcast %parallel_loop3A_269 : i32 to vector<16xi32>
      %parallel_loop3A_271 = arith.addi %parallel_loop3A_212, %parallel_loop3A_270 : vector<16xi32>
      %parallel_loop3A_272 = tpu.vector_load_idx %arg4[%parallel_loop3A_271] : memref<16384xi32, #tpu.memory_space<vmem>>[vector<16xi32>], vector<16xi32>,
      %parallel_loop3A_273 = arith.constant 65 : i32
      %parallel_loop3A_274 = vector.broadcast %parallel_loop3A_273 : i32 to vector<16xi32>
      %parallel_loop3A_275 = arith.addi %parallel_loop3A_212, %parallel_loop3A_274 : vector<16xi32>
      %parallel_loop3A_276 = tpu.vector_load_idx %arg4[%parallel_loop3A_275] : memref<16384xi32, #tpu.memory_space<vmem>>[vector<16xi32>], vector<16xi32>,
      %parallel_loop3A_277 = arith.constant 66 : i32
      %parallel_loop3A_278 = vector.broadcast %parallel_loop3A_277 : i32 to vector<16xi32>
      %parallel_loop3A_279 = arith.addi %parallel_loop3A_212, %parallel_loop3A_278 : vector<16xi32>
      %parallel_loop3A_280 = tpu.vector_load_idx %arg4[%parallel_loop3A_279] : memref<16384xi32, #tpu.memory_space<vmem>>[vector<16xi32>], vector<16xi32>,
      %parallel_loop3A_281 = arith.constant 67 : i32
      %parallel_loop3A_282 = vector.broadcast %parallel_loop3A_281 : i32 to vector<16xi32>
      %parallel_loop3A_283 = arith.addi %parallel_loop3A_212, %parallel_loop3A_282 : vector<16xi32>
      %parallel_loop3A_284 = tpu.vector_load_idx %arg4[%parallel_loop3A_283] : memref<16384xi32, #tpu.memory_space<vmem>>[vector<16xi32>], vector<16xi32>,
      %parallel_loop3A_285 = arith.constant 1280 : i32
      %parallel_loop3A_286 = vector.broadcast %parallel_loop3A_285 : i32 to vector<16xi32>
      %parallel_loop3A_287 = arith.muli %parallel_loop3A_272, %parallel_loop3A_286 : vector<16xi32>
      %parallel_loop3A_288 = arith.constant 1280 : i32
      %parallel_loop3A_289 = vector.broadcast %parallel_loop3A_288 : i32 to vector<16xi32>
      %parallel_loop3A_290 = arith.muli %parallel_loop3A_276, %parallel_loop3A_289 : vector<16xi32>
      %parallel_loop3A_291 = arith.constant 1280 : i32
      %parallel_loop3A_292 = vector.broadcast %parallel_loop3A_291 : i32 to vector<16xi32>
      %parallel_loop3A_293 = arith.muli %parallel_loop3A_280, %parallel_loop3A_292 : vector<16xi32>
      %parallel_loop3A_294 = arith.constant 1280 : i32
      %parallel_loop3A_295 = vector.broadcast %parallel_loop3A_294 : i32 to vector<16xi32>
      %parallel_loop3A_296 = arith.muli %parallel_loop3A_284, %parallel_loop3A_295 : vector<16xi32>
      %parallel_loop3A_297 = arith.addi %parallel_loop3A_287, %parallel_loop3A_263 : vector<16xi32>
      tpu.vector_store_idx %arg5[%parallel_loop3A_297], %parallel_loop3A_187 {add = true} : memref<25600xf32, #tpu.memory_space<vmem>>[vector<16xi32>], vector<16xf32>,
      %parallel_loop3A_298 = arith.addi %parallel_loop3A_287, %parallel_loop3A_264 : vector<16xi32>
      tpu.vector_store_idx %arg5[%parallel_loop3A_298], %parallel_loop3A_196 {add = true} : memref<25600xf32, #tpu.memory_space<vmem>>[vector<16xi32>], vector<16xf32>,
      %parallel_loop3A_299 = arith.addi %parallel_loop3A_287, %parallel_loop3A_266 : vector<16xi32>
      tpu.vector_store_idx %arg5[%parallel_loop3A_299], %parallel_loop3A_199 {add = true} : memref<25600xf32, #tpu.memory_space<vmem>>[vector<16xi32>], vector<16xf32>,
      %parallel_loop3A_300 = arith.addi %parallel_loop3A_287, %parallel_loop3A_267 : vector<16xi32>
      tpu.vector_store_idx %arg5[%parallel_loop3A_300], %parallel_loop3A_208 {add = true} : memref<25600xf32, #tpu.memory_space<vmem>>[vector<16xi32>], vector<16xf32>,
      %parallel_loop3A_301 = arith.addi %parallel_loop3A_290, %parallel_loop3A_263 : vector<16xi32>
      tpu.vector_store_idx %arg5[%parallel_loop3A_301], %parallel_loop3A_190 {add = true} : memref<25600xf32, #tpu.memory_space<vmem>>[vector<16xi32>], vector<16xf32>,
      %parallel_loop3A_302 = arith.addi %parallel_loop3A_290, %parallel_loop3A_264 : vector<16xi32>
      tpu.vector_store_idx %arg5[%parallel_loop3A_302], %parallel_loop3A_193 {add = true} : memref<25600xf32, #tpu.memory_space<vmem>>[vector<16xi32>], vector<16xf32>,
      %parallel_loop3A_303 = arith.addi %parallel_loop3A_290, %parallel_loop3A_266 : vector<16xi32>
      tpu.vector_store_idx %arg5[%parallel_loop3A_303], %parallel_loop3A_202 {add = true} : memref<25600xf32, #tpu.memory_space<vmem>>[vector<16xi32>], vector<16xf32>,
      %parallel_loop3A_304 = arith.addi %parallel_loop3A_290, %parallel_loop3A_267 : vector<16xi32>
      tpu.vector_store_idx %arg5[%parallel_loop3A_304], %parallel_loop3A_205 {add = true} : memref<25600xf32, #tpu.memory_space<vmem>>[vector<16xi32>], vector<16xf32>,
      %parallel_loop3A_305 = arith.addi %parallel_loop3A_293, %parallel_loop3A_264 : vector<16xi32>
      tpu.vector_store_idx %arg5[%parallel_loop3A_305], %parallel_loop3A_193 {add = true} : memref<25600xf32, #tpu.memory_space<vmem>>[vector<16xi32>], vector<16xf32>,
      %parallel_loop3A_306 = arith.addi %parallel_loop3A_293, %parallel_loop3A_265 : vector<16xi32>
      tpu.vector_store_idx %arg5[%parallel_loop3A_306], %parallel_loop3A_190 {add = true} : memref<25600xf32, #tpu.memory_space<vmem>>[vector<16xi32>], vector<16xf32>,
      %parallel_loop3A_307 = arith.addi %parallel_loop3A_293, %parallel_loop3A_267 : vector<16xi32>
      tpu.vector_store_idx %arg5[%parallel_loop3A_307], %parallel_loop3A_205 {add = true} : memref<25600xf32, #tpu.memory_space<vmem>>[vector<16xi32>], vector<16xf32>,
      %parallel_loop3A_308 = arith.addi %parallel_loop3A_293, %parallel_loop3A_268 : vector<16xi32>
      tpu.vector_store_idx %arg5[%parallel_loop3A_308], %parallel_loop3A_202 {add = true} : memref<25600xf32, #tpu.memory_space<vmem>>[vector<16xi32>], vector<16xf32>,
      %parallel_loop3A_309 = arith.addi %parallel_loop3A_296, %parallel_loop3A_264 : vector<16xi32>
      tpu.vector_store_idx %arg5[%parallel_loop3A_309], %parallel_loop3A_196 {add = true} : memref<25600xf32, #tpu.memory_space<vmem>>[vector<16xi32>], vector<16xf32>,
      %parallel_loop3A_310 = arith.addi %parallel_loop3A_296, %parallel_loop3A_265 : vector<16xi32>
      tpu.vector_store_idx %arg5[%parallel_loop3A_310], %parallel_loop3A_187 {add = true} : memref<25600xf32, #tpu.memory_space<vmem>>[vector<16xi32>], vector<16xf32>,
      %parallel_loop3A_311 = arith.addi %parallel_loop3A_296, %parallel_loop3A_267 : vector<16xi32>
      tpu.vector_store_idx %arg5[%parallel_loop3A_311], %parallel_loop3A_208 {add = true} : memref<25600xf32, #tpu.memory_space<vmem>>[vector<16xi32>], vector<16xf32>,
      %parallel_loop3A_312 = arith.addi %parallel_loop3A_296, %parallel_loop3A_268 : vector<16xi32>
      tpu.vector_store_idx %arg5[%parallel_loop3A_312], %parallel_loop3A_199 {add = true} : memref<25600xf32, #tpu.memory_space<vmem>>[vector<16xi32>], vector<16xf32>,
      %parallel_loop3A_313 = arith.addi %parallel_loop3A_180, %add3A_31 : vector<16xi32>
      %parallel_loop3A_314 = arith.addi %parallel_loop3A_180, %add3A_34 : vector<16xi32>
      %parallel_loop3A_315 = arith.addi %parallel_loop3A_180, %add3A_37 : vector<16xi32>
      %parallel_loop3A_316 = arith.addi %parallel_loop3A_184, %add3A_31 : vector<16xi32>
      %parallel_loop3A_317 = arith.addi %parallel_loop3A_184, %add3A_34 : vector<16xi32>
      %parallel_loop3A_318 = arith.addi %parallel_loop3A_184, %add3A_37 : vector<16xi32>
      %parallel_loop3A_319 = arith.constant 128 : i32
      %parallel_loop3A_320 = vector.broadcast %parallel_loop3A_319 : i32 to vector<16xi32>
      %parallel_loop3A_321 = arith.addi %parallel_loop3A_212, %parallel_loop3A_320 : vector<16xi32>
      %parallel_loop3A_322 = tpu.vector_load_idx %arg4[%parallel_loop3A_321] : memref<16384xi32, #tpu.memory_space<vmem>>[vector<16xi32>], vector<16xi32>,
      %parallel_loop3A_323 = arith.constant 129 : i32
      %parallel_loop3A_324 = vector.broadcast %parallel_loop3A_323 : i32 to vector<16xi32>
      %parallel_loop3A_325 = arith.addi %parallel_loop3A_212, %parallel_loop3A_324 : vector<16xi32>
      %parallel_loop3A_326 = tpu.vector_load_idx %arg4[%parallel_loop3A_325] : memref<16384xi32, #tpu.memory_space<vmem>>[vector<16xi32>], vector<16xi32>,
      %parallel_loop3A_327 = arith.constant 130 : i32
      %parallel_loop3A_328 = vector.broadcast %parallel_loop3A_327 : i32 to vector<16xi32>
      %parallel_loop3A_329 = arith.addi %parallel_loop3A_212, %parallel_loop3A_328 : vector<16xi32>
      %parallel_loop3A_330 = tpu.vector_load_idx %arg4[%parallel_loop3A_329] : memref<16384xi32, #tpu.memory_space<vmem>>[vector<16xi32>], vector<16xi32>,
      %parallel_loop3A_331 = arith.constant 131 : i32
      %parallel_loop3A_332 = vector.broadcast %parallel_loop3A_331 : i32 to vector<16xi32>
      %parallel_loop3A_333 = arith.addi %parallel_loop3A_212, %parallel_loop3A_332 : vector<16xi32>
      %parallel_loop3A_334 = tpu.vector_load_idx %arg4[%parallel_loop3A_333] : memref<16384xi32, #tpu.memory_space<vmem>>[vector<16xi32>], vector<16xi32>,
      %parallel_loop3A_335 = arith.constant 1280 : i32
      %parallel_loop3A_336 = vector.broadcast %parallel_loop3A_335 : i32 to vector<16xi32>
      %parallel_loop3A_337 = arith.muli %parallel_loop3A_322, %parallel_loop3A_336 : vector<16xi32>
      %parallel_loop3A_338 = arith.constant 1280 : i32
      %parallel_loop3A_339 = vector.broadcast %parallel_loop3A_338 : i32 to vector<16xi32>
      %parallel_loop3A_340 = arith.muli %parallel_loop3A_326, %parallel_loop3A_339 : vector<16xi32>
      %parallel_loop3A_341 = arith.constant 1280 : i32
      %parallel_loop3A_342 = vector.broadcast %parallel_loop3A_341 : i32 to vector<16xi32>
      %parallel_loop3A_343 = arith.muli %parallel_loop3A_330, %parallel_loop3A_342 : vector<16xi32>
      %parallel_loop3A_344 = arith.constant 1280 : i32
      %parallel_loop3A_345 = vector.broadcast %parallel_loop3A_344 : i32 to vector<16xi32>
      %parallel_loop3A_346 = arith.muli %parallel_loop3A_334, %parallel_loop3A_345 : vector<16xi32>
      %parallel_loop3A_347 = arith.addi %parallel_loop3A_337, %parallel_loop3A_313 : vector<16xi32>
      tpu.vector_store_idx %arg5[%parallel_loop3A_347], %parallel_loop3A_187 {add = true} : memref<25600xf32, #tpu.memory_space<vmem>>[vector<16xi32>], vector<16xf32>,
      %parallel_loop3A_348 = arith.addi %parallel_loop3A_337, %parallel_loop3A_314 : vector<16xi32>
      tpu.vector_store_idx %arg5[%parallel_loop3A_348], %parallel_loop3A_196 {add = true} : memref<25600xf32, #tpu.memory_space<vmem>>[vector<16xi32>], vector<16xf32>,
      %parallel_loop3A_349 = arith.addi %parallel_loop3A_337, %parallel_loop3A_316 : vector<16xi32>
      tpu.vector_store_idx %arg5[%parallel_loop3A_349], %parallel_loop3A_199 {add = true} : memref<25600xf32, #tpu.memory_space<vmem>>[vector<16xi32>], vector<16xf32>,
      %parallel_loop3A_350 = arith.addi %parallel_loop3A_337, %parallel_loop3A_317 : vector<16xi32>
      tpu.vector_store_idx %arg5[%parallel_loop3A_350], %parallel_loop3A_208 {add = true} : memref<25600xf32, #tpu.memory_space<vmem>>[vector<16xi32>], vector<16xf32>,
      %parallel_loop3A_351 = arith.addi %parallel_loop3A_340, %parallel_loop3A_313 : vector<16xi32>
      tpu.vector_store_idx %arg5[%parallel_loop3A_351], %parallel_loop3A_190 {add = true} : memref<25600xf32, #tpu.memory_space<vmem>>[vector<16xi32>], vector<16xf32>,
      %parallel_loop3A_352 = arith.addi %parallel_loop3A_340, %parallel_loop3A_314 : vector<16xi32>
      tpu.vector_store_idx %arg5[%parallel_loop3A_352], %parallel_loop3A_193 {add = true} : memref<25600xf32, #tpu.memory_space<vmem>>[vector<16xi32>], vector<16xf32>,
      %parallel_loop3A_353 = arith.addi %parallel_loop3A_340, %parallel_loop3A_316 : vector<16xi32>
      tpu.vector_store_idx %arg5[%parallel_loop3A_353], %parallel_loop3A_202 {add = true} : memref<25600xf32, #tpu.memory_space<vmem>>[vector<16xi32>], vector<16xf32>,
      %parallel_loop3A_354 = arith.addi %parallel_loop3A_340, %parallel_loop3A_317 : vector<16xi32>
      tpu.vector_store_idx %arg5[%parallel_loop3A_354], %parallel_loop3A_205 {add = true} : memref<25600xf32, #tpu.memory_space<vmem>>[vector<16xi32>], vector<16xf32>,
      %parallel_loop3A_355 = arith.addi %parallel_loop3A_343, %parallel_loop3A_314 : vector<16xi32>
      tpu.vector_store_idx %arg5[%parallel_loop3A_355], %parallel_loop3A_193 {add = true} : memref<25600xf32, #tpu.memory_space<vmem>>[vector<16xi32>], vector<16xf32>,
      %parallel_loop3A_356 = arith.addi %parallel_loop3A_343, %parallel_loop3A_315 : vector<16xi32>
      tpu.vector_store_idx %arg5[%parallel_loop3A_356], %parallel_loop3A_190 {add = true} : memref<25600xf32, #tpu.memory_space<vmem>>[vector<16xi32>], vector<16xf32>,
      %parallel_loop3A_357 = arith.addi %parallel_loop3A_343, %parallel_loop3A_317 : vector<16xi32>
      tpu.vector_store_idx %arg5[%parallel_loop3A_357], %parallel_loop3A_205 {add = true} : memref<25600xf32, #tpu.memory_space<vmem>>[vector<16xi32>], vector<16xf32>,
      %parallel_loop3A_358 = arith.addi %parallel_loop3A_343, %parallel_loop3A_318 : vector<16xi32>
      tpu.vector_store_idx %arg5[%parallel_loop3A_358], %parallel_loop3A_202 {add = true} : memref<25600xf32, #tpu.memory_space<vmem>>[vector<16xi32>], vector<16xf32>,
      %parallel_loop3A_359 = arith.addi %parallel_loop3A_346, %parallel_loop3A_314 : vector<16xi32>
      tpu.vector_store_idx %arg5[%parallel_loop3A_359], %parallel_loop3A_196 {add = true} : memref<25600xf32, #tpu.memory_space<vmem>>[vector<16xi32>], vector<16xf32>,
      %parallel_loop3A_360 = arith.addi %parallel_loop3A_346, %parallel_loop3A_315 : vector<16xi32>
      tpu.vector_store_idx %arg5[%parallel_loop3A_360], %parallel_loop3A_187 {add = true} : memref<25600xf32, #tpu.memory_space<vmem>>[vector<16xi32>], vector<16xf32>,
      %parallel_loop3A_361 = arith.addi %parallel_loop3A_346, %parallel_loop3A_317 : vector<16xi32>
      tpu.vector_store_idx %arg5[%parallel_loop3A_361], %parallel_loop3A_208 {add = true} : memref<25600xf32, #tpu.memory_space<vmem>>[vector<16xi32>], vector<16xf32>,
      %parallel_loop3A_362 = arith.addi %parallel_loop3A_346, %parallel_loop3A_318 : vector<16xi32>
      tpu.vector_store_idx %arg5[%parallel_loop3A_362], %parallel_loop3A_199 {add = true} : memref<25600xf32, #tpu.memory_space<vmem>>[vector<16xi32>], vector<16xf32>,
      %parallel_loop3A_363 = arith.addi %parallel_loop3A_180, %add3A_40 : vector<16xi32>
      %parallel_loop3A_364 = arith.addi %parallel_loop3A_180, %add3A_43 : vector<16xi32>
      %parallel_loop3A_365 = arith.addi %parallel_loop3A_180, %add3A_46 : vector<16xi32>
      %parallel_loop3A_366 = arith.addi %parallel_loop3A_184, %add3A_40 : vector<16xi32>
      %parallel_loop3A_367 = arith.addi %parallel_loop3A_184, %add3A_43 : vector<16xi32>
      %parallel_loop3A_368 = arith.addi %parallel_loop3A_184, %add3A_46 : vector<16xi32>
      %parallel_loop3A_369 = arith.constant 192 : i32
      %parallel_loop3A_370 = vector.broadcast %parallel_loop3A_369 : i32 to vector<16xi32>
      %parallel_loop3A_371 = arith.addi %parallel_loop3A_212, %parallel_loop3A_370 : vector<16xi32>
      %parallel_loop3A_372 = tpu.vector_load_idx %arg4[%parallel_loop3A_371] : memref<16384xi32, #tpu.memory_space<vmem>>[vector<16xi32>], vector<16xi32>,
      %parallel_loop3A_373 = arith.constant 193 : i32
      %parallel_loop3A_374 = vector.broadcast %parallel_loop3A_373 : i32 to vector<16xi32>
      %parallel_loop3A_375 = arith.addi %parallel_loop3A_212, %parallel_loop3A_374 : vector<16xi32>
      %parallel_loop3A_376 = tpu.vector_load_idx %arg4[%parallel_loop3A_375] : memref<16384xi32, #tpu.memory_space<vmem>>[vector<16xi32>], vector<16xi32>,
      %parallel_loop3A_377 = arith.constant 194 : i32
      %parallel_loop3A_378 = vector.broadcast %parallel_loop3A_377 : i32 to vector<16xi32>
      %parallel_loop3A_379 = arith.addi %parallel_loop3A_212, %parallel_loop3A_378 : vector<16xi32>
      %parallel_loop3A_380 = tpu.vector_load_idx %arg4[%parallel_loop3A_379] : memref<16384xi32, #tpu.memory_space<vmem>>[vector<16xi32>], vector<16xi32>,
      %parallel_loop3A_381 = arith.constant 195 : i32
      %parallel_loop3A_382 = vector.broadcast %parallel_loop3A_381 : i32 to vector<16xi32>
      %parallel_loop3A_383 = arith.addi %parallel_loop3A_212, %parallel_loop3A_382 : vector<16xi32>
      %parallel_loop3A_384 = tpu.vector_load_idx %arg4[%parallel_loop3A_383] : memref<16384xi32, #tpu.memory_space<vmem>>[vector<16xi32>], vector<16xi32>,
      %parallel_loop3A_385 = arith.constant 1280 : i32
      %parallel_loop3A_386 = vector.broadcast %parallel_loop3A_385 : i32 to vector<16xi32>
      %parallel_loop3A_387 = arith.muli %parallel_loop3A_372, %parallel_loop3A_386 : vector<16xi32>
      %parallel_loop3A_388 = arith.constant 1280 : i32
      %parallel_loop3A_389 = vector.broadcast %parallel_loop3A_388 : i32 to vector<16xi32>
      %parallel_loop3A_390 = arith.muli %parallel_loop3A_376, %parallel_loop3A_389 : vector<16xi32>
      %parallel_loop3A_391 = arith.constant 1280 : i32
      %parallel_loop3A_392 = vector.broadcast %parallel_loop3A_391 : i32 to vector<16xi32>
      %parallel_loop3A_393 = arith.muli %parallel_loop3A_380, %parallel_loop3A_392 : vector<16xi32>
      %parallel_loop3A_394 = arith.constant 1280 : i32
      %parallel_loop3A_395 = vector.broadcast %parallel_loop3A_394 : i32 to vector<16xi32>
      %parallel_loop3A_396 = arith.muli %parallel_loop3A_384, %parallel_loop3A_395 : vector<16xi32>
      %parallel_loop3A_397 = arith.addi %parallel_loop3A_387, %parallel_loop3A_363 : vector<16xi32>
      tpu.vector_store_idx %arg5[%parallel_loop3A_397], %parallel_loop3A_187 {add = true} : memref<25600xf32, #tpu.memory_space<vmem>>[vector<16xi32>], vector<16xf32>,
      %parallel_loop3A_398 = arith.addi %parallel_loop3A_387, %parallel_loop3A_364 : vector<16xi32>
      tpu.vector_store_idx %arg5[%parallel_loop3A_398], %parallel_loop3A_196 {add = true} : memref<25600xf32, #tpu.memory_space<vmem>>[vector<16xi32>], vector<16xf32>,
      %parallel_loop3A_399 = arith.addi %parallel_loop3A_387, %parallel_loop3A_366 : vector<16xi32>
      tpu.vector_store_idx %arg5[%parallel_loop3A_399], %parallel_loop3A_199 {add = true} : memref<25600xf32, #tpu.memory_space<vmem>>[vector<16xi32>], vector<16xf32>,
      %parallel_loop3A_400 = arith.addi %parallel_loop3A_387, %parallel_loop3A_367 : vector<16xi32>
      tpu.vector_store_idx %arg5[%parallel_loop3A_400], %parallel_loop3A_208 {add = true} : memref<25600xf32, #tpu.memory_space<vmem>>[vector<16xi32>], vector<16xf32>,
      %parallel_loop3A_401 = arith.addi %parallel_loop3A_390, %parallel_loop3A_363 : vector<16xi32>
      tpu.vector_store_idx %arg5[%parallel_loop3A_401], %parallel_loop3A_190 {add = true} : memref<25600xf32, #tpu.memory_space<vmem>>[vector<16xi32>], vector<16xf32>,
      %parallel_loop3A_402 = arith.addi %parallel_loop3A_390, %parallel_loop3A_364 : vector<16xi32>
      tpu.vector_store_idx %arg5[%parallel_loop3A_402], %parallel_loop3A_193 {add = true} : memref<25600xf32, #tpu.memory_space<vmem>>[vector<16xi32>], vector<16xf32>,
      %parallel_loop3A_403 = arith.addi %parallel_loop3A_390, %parallel_loop3A_366 : vector<16xi32>
      tpu.vector_store_idx %arg5[%parallel_loop3A_403], %parallel_loop3A_202 {add = true} : memref<25600xf32, #tpu.memory_space<vmem>>[vector<16xi32>], vector<16xf32>,
      %parallel_loop3A_404 = arith.addi %parallel_loop3A_390, %parallel_loop3A_367 : vector<16xi32>
      tpu.vector_store_idx %arg5[%parallel_loop3A_404], %parallel_loop3A_205 {add = true} : memref<25600xf32, #tpu.memory_space<vmem>>[vector<16xi32>], vector<16xf32>,
      %parallel_loop3A_405 = arith.addi %parallel_loop3A_393, %parallel_loop3A_364 : vector<16xi32>
      tpu.vector_store_idx %arg5[%parallel_loop3A_405], %parallel_loop3A_193 {add = true} : memref<25600xf32, #tpu.memory_space<vmem>>[vector<16xi32>], vector<16xf32>,
      %parallel_loop3A_406 = arith.addi %parallel_loop3A_393, %parallel_loop3A_365 : vector<16xi32>
      tpu.vector_store_idx %arg5[%parallel_loop3A_406], %parallel_loop3A_190 {add = true} : memref<25600xf32, #tpu.memory_space<vmem>>[vector<16xi32>], vector<16xf32>,
      %parallel_loop3A_407 = arith.addi %parallel_loop3A_393, %parallel_loop3A_367 : vector<16xi32>
      tpu.vector_store_idx %arg5[%parallel_loop3A_407], %parallel_loop3A_205 {add = true} : memref<25600xf32, #tpu.memory_space<vmem>>[vector<16xi32>], vector<16xf32>,
      %parallel_loop3A_408 = arith.addi %parallel_loop3A_393, %parallel_loop3A_368 : vector<16xi32>
      tpu.vector_store_idx %arg5[%parallel_loop3A_408], %parallel_loop3A_202 {add = true} : memref<25600xf32, #tpu.memory_space<vmem>>[vector<16xi32>], vector<16xf32>,
      %parallel_loop3A_409 = arith.addi %parallel_loop3A_396, %parallel_loop3A_364 : vector<16xi32>
      tpu.vector_store_idx %arg5[%parallel_loop3A_409], %parallel_loop3A_196 {add = true} : memref<25600xf32, #tpu.memory_space<vmem>>[vector<16xi32>], vector<16xf32>,
      %parallel_loop3A_410 = arith.addi %parallel_loop3A_396, %parallel_loop3A_365 : vector<16xi32>
      tpu.vector_store_idx %arg5[%parallel_loop3A_410], %parallel_loop3A_187 {add = true} : memref<25600xf32, #tpu.memory_space<vmem>>[vector<16xi32>], vector<16xf32>,
      %parallel_loop3A_411 = arith.addi %parallel_loop3A_396, %parallel_loop3A_367 : vector<16xi32>
      tpu.vector_store_idx %arg5[%parallel_loop3A_411], %parallel_loop3A_208 {add = true} : memref<25600xf32, #tpu.memory_space<vmem>>[vector<16xi32>], vector<16xf32>,
      %parallel_loop3A_412 = arith.addi %parallel_loop3A_396, %parallel_loop3A_368 : vector<16xi32>
      tpu.vector_store_idx %arg5[%parallel_loop3A_412], %parallel_loop3A_199 {add = true} : memref<25600xf32, #tpu.memory_space<vmem>>[vector<16xi32>], vector<16xf32>,
      %parallel_loop3A_413 = arith.addi %parallel_loop3A_180, %add3A_49 : vector<16xi32>
      %parallel_loop3A_414 = arith.addi %parallel_loop3A_180, %add3A_52 : vector<16xi32>
      %parallel_loop3A_415 = arith.addi %parallel_loop3A_180, %add3A_55 : vector<16xi32>
      %parallel_loop3A_416 = arith.addi %parallel_loop3A_184, %add3A_49 : vector<16xi32>
      %parallel_loop3A_417 = arith.addi %parallel_loop3A_184, %add3A_52 : vector<16xi32>
      %parallel_loop3A_418 = arith.addi %parallel_loop3A_184, %add3A_55 : vector<16xi32>
      %parallel_loop3A_419 = arith.constant 256 : i32
      %parallel_loop3A_420 = vector.broadcast %parallel_loop3A_419 : i32 to vector<16xi32>
      %parallel_loop3A_421 = arith.addi %parallel_loop3A_212, %parallel_loop3A_420 : vector<16xi32>
      %parallel_loop3A_422 = tpu.vector_load_idx %arg4[%parallel_loop3A_421] : memref<16384xi32, #tpu.memory_space<vmem>>[vector<16xi32>], vector<16xi32>,
      %parallel_loop3A_423 = arith.constant 257 : i32
      %parallel_loop3A_424 = vector.broadcast %parallel_loop3A_423 : i32 to vector<16xi32>
      %parallel_loop3A_425 = arith.addi %parallel_loop3A_212, %parallel_loop3A_424 : vector<16xi32>
      %parallel_loop3A_426 = tpu.vector_load_idx %arg4[%parallel_loop3A_425] : memref<16384xi32, #tpu.memory_space<vmem>>[vector<16xi32>], vector<16xi32>,
      %parallel_loop3A_427 = arith.constant 258 : i32
      %parallel_loop3A_428 = vector.broadcast %parallel_loop3A_427 : i32 to vector<16xi32>
      %parallel_loop3A_429 = arith.addi %parallel_loop3A_212, %parallel_loop3A_428 : vector<16xi32>
      %parallel_loop3A_430 = tpu.vector_load_idx %arg4[%parallel_loop3A_429] : memref<16384xi32, #tpu.memory_space<vmem>>[vector<16xi32>], vector<16xi32>,
      %parallel_loop3A_431 = arith.constant 259 : i32
      %parallel_loop3A_432 = vector.broadcast %parallel_loop3A_431 : i32 to vector<16xi32>
      %parallel_loop3A_433 = arith.addi %parallel_loop3A_212, %parallel_loop3A_432 : vector<16xi32>
      %parallel_loop3A_434 = tpu.vector_load_idx %arg4[%parallel_loop3A_433] : memref<16384xi32, #tpu.memory_space<vmem>>[vector<16xi32>], vector<16xi32>,
      %parallel_loop3A_435 = arith.constant 1280 : i32
      %parallel_loop3A_436 = vector.broadcast %parallel_loop3A_435 : i32 to vector<16xi32>
      %parallel_loop3A_437 = arith.muli %parallel_loop3A_422, %parallel_loop3A_436 : vector<16xi32>
      %parallel_loop3A_438 = arith.constant 1280 : i32
      %parallel_loop3A_439 = vector.broadcast %parallel_loop3A_438 : i32 to vector<16xi32>
      %parallel_loop3A_440 = arith.muli %parallel_loop3A_426, %parallel_loop3A_439 : vector<16xi32>
      %parallel_loop3A_441 = arith.constant 1280 : i32
      %parallel_loop3A_442 = vector.broadcast %parallel_loop3A_441 : i32 to vector<16xi32>
      %parallel_loop3A_443 = arith.muli %parallel_loop3A_430, %parallel_loop3A_442 : vector<16xi32>
      %parallel_loop3A_444 = arith.constant 1280 : i32
      %parallel_loop3A_445 = vector.broadcast %parallel_loop3A_444 : i32 to vector<16xi32>
      %parallel_loop3A_446 = arith.muli %parallel_loop3A_434, %parallel_loop3A_445 : vector<16xi32>
      %parallel_loop3A_447 = arith.addi %parallel_loop3A_437, %parallel_loop3A_413 : vector<16xi32>
      tpu.vector_store_idx %arg5[%parallel_loop3A_447], %parallel_loop3A_187 {add = true} : memref<25600xf32, #tpu.memory_space<vmem>>[vector<16xi32>], vector<16xf32>,
      %parallel_loop3A_448 = arith.addi %parallel_loop3A_437, %parallel_loop3A_414 : vector<16xi32>
      tpu.vector_store_idx %arg5[%parallel_loop3A_448], %parallel_loop3A_196 {add = true} : memref<25600xf32, #tpu.memory_space<vmem>>[vector<16xi32>], vector<16xf32>,
      %parallel_loop3A_449 = arith.addi %parallel_loop3A_437, %parallel_loop3A_416 : vector<16xi32>
      tpu.vector_store_idx %arg5[%parallel_loop3A_449], %parallel_loop3A_199 {add = true} : memref<25600xf32, #tpu.memory_space<vmem>>[vector<16xi32>], vector<16xf32>,
      %parallel_loop3A_450 = arith.addi %parallel_loop3A_437, %parallel_loop3A_417 : vector<16xi32>
      tpu.vector_store_idx %arg5[%parallel_loop3A_450], %parallel_loop3A_208 {add = true} : memref<25600xf32, #tpu.memory_space<vmem>>[vector<16xi32>], vector<16xf32>,
      %parallel_loop3A_451 = arith.addi %parallel_loop3A_440, %parallel_loop3A_413 : vector<16xi32>
      tpu.vector_store_idx %arg5[%parallel_loop3A_451], %parallel_loop3A_190 {add = true} : memref<25600xf32, #tpu.memory_space<vmem>>[vector<16xi32>], vector<16xf32>,
      %parallel_loop3A_452 = arith.addi %parallel_loop3A_440, %parallel_loop3A_414 : vector<16xi32>
      tpu.vector_store_idx %arg5[%parallel_loop3A_452], %parallel_loop3A_193 {add = true} : memref<25600xf32, #tpu.memory_space<vmem>>[vector<16xi32>], vector<16xf32>,
      %parallel_loop3A_453 = arith.addi %parallel_loop3A_440, %parallel_loop3A_416 : vector<16xi32>
      tpu.vector_store_idx %arg5[%parallel_loop3A_453], %parallel_loop3A_202 {add = true} : memref<25600xf32, #tpu.memory_space<vmem>>[vector<16xi32>], vector<16xf32>,
      %parallel_loop3A_454 = arith.addi %parallel_loop3A_440, %parallel_loop3A_417 : vector<16xi32>
      tpu.vector_store_idx %arg5[%parallel_loop3A_454], %parallel_loop3A_205 {add = true} : memref<25600xf32, #tpu.memory_space<vmem>>[vector<16xi32>], vector<16xf32>,
      %parallel_loop3A_455 = arith.addi %parallel_loop3A_443, %parallel_loop3A_414 : vector<16xi32>
      tpu.vector_store_idx %arg5[%parallel_loop3A_455], %parallel_loop3A_193 {add = true} : memref<25600xf32, #tpu.memory_space<vmem>>[vector<16xi32>], vector<16xf32>,
      %parallel_loop3A_456 = arith.addi %parallel_loop3A_443, %parallel_loop3A_415 : vector<16xi32>
      tpu.vector_store_idx %arg5[%parallel_loop3A_456], %parallel_loop3A_190 {add = true} : memref<25600xf32, #tpu.memory_space<vmem>>[vector<16xi32>], vector<16xf32>,
      %parallel_loop3A_457 = arith.addi %parallel_loop3A_443, %parallel_loop3A_417 : vector<16xi32>
      tpu.vector_store_idx %arg5[%parallel_loop3A_457], %parallel_loop3A_205 {add = true} : memref<25600xf32, #tpu.memory_space<vmem>>[vector<16xi32>], vector<16xf32>,
      %parallel_loop3A_458 = arith.addi %parallel_loop3A_443, %parallel_loop3A_418 : vector<16xi32>
      tpu.vector_store_idx %arg5[%parallel_loop3A_458], %parallel_loop3A_202 {add = true} : memref<25600xf32, #tpu.memory_space<vmem>>[vector<16xi32>], vector<16xf32>,
      %parallel_loop3A_459 = arith.addi %parallel_loop3A_446, %parallel_loop3A_414 : vector<16xi32>
      tpu.vector_store_idx %arg5[%parallel_loop3A_459], %parallel_loop3A_196 {add = true} : memref<25600xf32, #tpu.memory_space<vmem>>[vector<16xi32>], vector<16xf32>,
      %parallel_loop3A_460 = arith.addi %parallel_loop3A_446, %parallel_loop3A_415 : vector<16xi32>
      tpu.vector_store_idx %arg5[%parallel_loop3A_460], %parallel_loop3A_187 {add = true} : memref<25600xf32, #tpu.memory_space<vmem>>[vector<16xi32>], vector<16xf32>,
      %parallel_loop3A_461 = arith.addi %parallel_loop3A_446, %parallel_loop3A_417 : vector<16xi32>
      tpu.vector_store_idx %arg5[%parallel_loop3A_461], %parallel_loop3A_208 {add = true} : memref<25600xf32, #tpu.memory_space<vmem>>[vector<16xi32>], vector<16xf32>,
      %parallel_loop3A_462 = arith.addi %parallel_loop3A_446, %parallel_loop3A_418 : vector<16xi32>
      tpu.vector_store_idx %arg5[%parallel_loop3A_462], %parallel_loop3A_199 {add = true} : memref<25600xf32, #tpu.memory_space<vmem>>[vector<16xi32>], vector<16xf32>,
      %parallel_loop3A_463 = arith.addi %parallel_loop3A_180, %add3A_58 : vector<16xi32>
      %parallel_loop3A_464 = arith.addi %parallel_loop3A_180, %add3A_61 : vector<16xi32>
      %parallel_loop3A_465 = arith.addi %parallel_loop3A_180, %add3A_64 : vector<16xi32>
      %parallel_loop3A_466 = arith.addi %parallel_loop3A_184, %add3A_58 : vector<16xi32>
      %parallel_loop3A_467 = arith.addi %parallel_loop3A_184, %add3A_61 : vector<16xi32>
      %parallel_loop3A_468 = arith.addi %parallel_loop3A_184, %add3A_64 : vector<16xi32>
      %parallel_loop3A_469 = arith.constant 320 : i32
      %parallel_loop3A_470 = vector.broadcast %parallel_loop3A_469 : i32 to vector<16xi32>
      %parallel_loop3A_471 = arith.addi %parallel_loop3A_212, %parallel_loop3A_470 : vector<16xi32>
      %parallel_loop3A_472 = tpu.vector_load_idx %arg4[%parallel_loop3A_471] : memref<16384xi32, #tpu.memory_space<vmem>>[vector<16xi32>], vector<16xi32>,
      %parallel_loop3A_473 = arith.constant 321 : i32
      %parallel_loop3A_474 = vector.broadcast %parallel_loop3A_473 : i32 to vector<16xi32>
      %parallel_loop3A_475 = arith.addi %parallel_loop3A_212, %parallel_loop3A_474 : vector<16xi32>
      %parallel_loop3A_476 = tpu.vector_load_idx %arg4[%parallel_loop3A_475] : memref<16384xi32, #tpu.memory_space<vmem>>[vector<16xi32>], vector<16xi32>,
      %parallel_loop3A_477 = arith.constant 322 : i32
      %parallel_loop3A_478 = vector.broadcast %parallel_loop3A_477 : i32 to vector<16xi32>
      %parallel_loop3A_479 = arith.addi %parallel_loop3A_212, %parallel_loop3A_478 : vector<16xi32>
      %parallel_loop3A_480 = tpu.vector_load_idx %arg4[%parallel_loop3A_479] : memref<16384xi32, #tpu.memory_space<vmem>>[vector<16xi32>], vector<16xi32>,
      %parallel_loop3A_481 = arith.constant 323 : i32
      %parallel_loop3A_482 = vector.broadcast %parallel_loop3A_481 : i32 to vector<16xi32>
      %parallel_loop3A_483 = arith.addi %parallel_loop3A_212, %parallel_loop3A_482 : vector<16xi32>
      %parallel_loop3A_484 = tpu.vector_load_idx %arg4[%parallel_loop3A_483] : memref<16384xi32, #tpu.memory_space<vmem>>[vector<16xi32>], vector<16xi32>,
      %parallel_loop3A_485 = arith.constant 1280 : i32
      %parallel_loop3A_486 = vector.broadcast %parallel_loop3A_485 : i32 to vector<16xi32>
      %parallel_loop3A_487 = arith.muli %parallel_loop3A_472, %parallel_loop3A_486 : vector<16xi32>
      %parallel_loop3A_488 = arith.constant 1280 : i32
      %parallel_loop3A_489 = vector.broadcast %parallel_loop3A_488 : i32 to vector<16xi32>
      %parallel_loop3A_490 = arith.muli %parallel_loop3A_476, %parallel_loop3A_489 : vector<16xi32>
      %parallel_loop3A_491 = arith.constant 1280 : i32
      %parallel_loop3A_492 = vector.broadcast %parallel_loop3A_491 : i32 to vector<16xi32>
      %parallel_loop3A_493 = arith.muli %parallel_loop3A_480, %parallel_loop3A_492 : vector<16xi32>
      %parallel_loop3A_494 = arith.constant 1280 : i32
      %parallel_loop3A_495 = vector.broadcast %parallel_loop3A_494 : i32 to vector<16xi32>
      %parallel_loop3A_496 = arith.muli %parallel_loop3A_484, %parallel_loop3A_495 : vector<16xi32>
      %parallel_loop3A_497 = arith.addi %parallel_loop3A_487, %parallel_loop3A_463 : vector<16xi32>
      tpu.vector_store_idx %arg5[%parallel_loop3A_497], %parallel_loop3A_187 {add = true} : memref<25600xf32, #tpu.memory_space<vmem>>[vector<16xi32>], vector<16xf32>,
      %parallel_loop3A_498 = arith.addi %parallel_loop3A_487, %parallel_loop3A_464 : vector<16xi32>
      tpu.vector_store_idx %arg5[%parallel_loop3A_498], %parallel_loop3A_196 {add = true} : memref<25600xf32, #tpu.memory_space<vmem>>[vector<16xi32>], vector<16xf32>,
      %parallel_loop3A_499 = arith.addi %parallel_loop3A_487, %parallel_loop3A_466 : vector<16xi32>
      tpu.vector_store_idx %arg5[%parallel_loop3A_499], %parallel_loop3A_199 {add = true} : memref<25600xf32, #tpu.memory_space<vmem>>[vector<16xi32>], vector<16xf32>,
      %parallel_loop3A_500 = arith.addi %parallel_loop3A_487, %parallel_loop3A_467 : vector<16xi32>
      tpu.vector_store_idx %arg5[%parallel_loop3A_500], %parallel_loop3A_208 {add = true} : memref<25600xf32, #tpu.memory_space<vmem>>[vector<16xi32>], vector<16xf32>,
      %parallel_loop3A_501 = arith.addi %parallel_loop3A_490, %parallel_loop3A_463 : vector<16xi32>
      tpu.vector_store_idx %arg5[%parallel_loop3A_501], %parallel_loop3A_190 {add = true} : memref<25600xf32, #tpu.memory_space<vmem>>[vector<16xi32>], vector<16xf32>,
      %parallel_loop3A_502 = arith.addi %parallel_loop3A_490, %parallel_loop3A_464 : vector<16xi32>
      tpu.vector_store_idx %arg5[%parallel_loop3A_502], %parallel_loop3A_193 {add = true} : memref<25600xf32, #tpu.memory_space<vmem>>[vector<16xi32>], vector<16xf32>,
      %parallel_loop3A_503 = arith.addi %parallel_loop3A_490, %parallel_loop3A_466 : vector<16xi32>
      tpu.vector_store_idx %arg5[%parallel_loop3A_503], %parallel_loop3A_202 {add = true} : memref<25600xf32, #tpu.memory_space<vmem>>[vector<16xi32>], vector<16xf32>,
      %parallel_loop3A_504 = arith.addi %parallel_loop3A_490, %parallel_loop3A_467 : vector<16xi32>
      tpu.vector_store_idx %arg5[%parallel_loop3A_504], %parallel_loop3A_205 {add = true} : memref<25600xf32, #tpu.memory_space<vmem>>[vector<16xi32>], vector<16xf32>,
      %parallel_loop3A_505 = arith.addi %parallel_loop3A_493, %parallel_loop3A_464 : vector<16xi32>
      tpu.vector_store_idx %arg5[%parallel_loop3A_505], %parallel_loop3A_193 {add = true} : memref<25600xf32, #tpu.memory_space<vmem>>[vector<16xi32>], vector<16xf32>,
      %parallel_loop3A_506 = arith.addi %parallel_loop3A_493, %parallel_loop3A_465 : vector<16xi32>
      tpu.vector_store_idx %arg5[%parallel_loop3A_506], %parallel_loop3A_190 {add = true} : memref<25600xf32, #tpu.memory_space<vmem>>[vector<16xi32>], vector<16xf32>,
      %parallel_loop3A_507 = arith.addi %parallel_loop3A_493, %parallel_loop3A_467 : vector<16xi32>
      tpu.vector_store_idx %arg5[%parallel_loop3A_507], %parallel_loop3A_205 {add = true} : memref<25600xf32, #tpu.memory_space<vmem>>[vector<16xi32>], vector<16xf32>,
      %parallel_loop3A_508 = arith.addi %parallel_loop3A_493, %parallel_loop3A_468 : vector<16xi32>
      tpu.vector_store_idx %arg5[%parallel_loop3A_508], %parallel_loop3A_202 {add = true} : memref<25600xf32, #tpu.memory_space<vmem>>[vector<16xi32>], vector<16xf32>,
      %parallel_loop3A_509 = arith.addi %parallel_loop3A_496, %parallel_loop3A_464 : vector<16xi32>
      tpu.vector_store_idx %arg5[%parallel_loop3A_509], %parallel_loop3A_196 {add = true} : memref<25600xf32, #tpu.memory_space<vmem>>[vector<16xi32>], vector<16xf32>,
      %parallel_loop3A_510 = arith.addi %parallel_loop3A_496, %parallel_loop3A_465 : vector<16xi32>
      tpu.vector_store_idx %arg5[%parallel_loop3A_510], %parallel_loop3A_187 {add = true} : memref<25600xf32, #tpu.memory_space<vmem>>[vector<16xi32>], vector<16xf32>,
      %parallel_loop3A_511 = arith.addi %parallel_loop3A_496, %parallel_loop3A_467 : vector<16xi32>
      tpu.vector_store_idx %arg5[%parallel_loop3A_511], %parallel_loop3A_208 {add = true} : memref<25600xf32, #tpu.memory_space<vmem>>[vector<16xi32>], vector<16xf32>,
      %parallel_loop3A_512 = arith.addi %parallel_loop3A_496, %parallel_loop3A_468 : vector<16xi32>
      tpu.vector_store_idx %arg5[%parallel_loop3A_512], %parallel_loop3A_199 {add = true} : memref<25600xf32, #tpu.memory_space<vmem>>[vector<16xi32>], vector<16xf32>,
      %parallel_loop3A_513 = arith.addi %parallel_loop3A_180, %add3A_67 : vector<16xi32>
      %parallel_loop3A_514 = arith.addi %parallel_loop3A_180, %add3A_70 : vector<16xi32>
      %parallel_loop3A_515 = arith.addi %parallel_loop3A_180, %add3A_73 : vector<16xi32>
      %parallel_loop3A_516 = arith.addi %parallel_loop3A_184, %add3A_67 : vector<16xi32>
      %parallel_loop3A_517 = arith.addi %parallel_loop3A_184, %add3A_70 : vector<16xi32>
      %parallel_loop3A_518 = arith.addi %parallel_loop3A_184, %add3A_73 : vector<16xi32>
      %parallel_loop3A_519 = arith.constant 384 : i32
      %parallel_loop3A_520 = vector.broadcast %parallel_loop3A_519 : i32 to vector<16xi32>
      %parallel_loop3A_521 = arith.addi %parallel_loop3A_212, %parallel_loop3A_520 : vector<16xi32>
      %parallel_loop3A_522 = tpu.vector_load_idx %arg4[%parallel_loop3A_521] : memref<16384xi32, #tpu.memory_space<vmem>>[vector<16xi32>], vector<16xi32>,
      %parallel_loop3A_523 = arith.constant 385 : i32
      %parallel_loop3A_524 = vector.broadcast %parallel_loop3A_523 : i32 to vector<16xi32>
      %parallel_loop3A_525 = arith.addi %parallel_loop3A_212, %parallel_loop3A_524 : vector<16xi32>
      %parallel_loop3A_526 = tpu.vector_load_idx %arg4[%parallel_loop3A_525] : memref<16384xi32, #tpu.memory_space<vmem>>[vector<16xi32>], vector<16xi32>,
      %parallel_loop3A_527 = arith.constant 386 : i32
      %parallel_loop3A_528 = vector.broadcast %parallel_loop3A_527 : i32 to vector<16xi32>
      %parallel_loop3A_529 = arith.addi %parallel_loop3A_212, %parallel_loop3A_528 : vector<16xi32>
      %parallel_loop3A_530 = tpu.vector_load_idx %arg4[%parallel_loop3A_529] : memref<16384xi32, #tpu.memory_space<vmem>>[vector<16xi32>], vector<16xi32>,
      %parallel_loop3A_531 = arith.constant 387 : i32
      %parallel_loop3A_532 = vector.broadcast %parallel_loop3A_531 : i32 to vector<16xi32>
      %parallel_loop3A_533 = arith.addi %parallel_loop3A_212, %parallel_loop3A_532 : vector<16xi32>
      %parallel_loop3A_534 = tpu.vector_load_idx %arg4[%parallel_loop3A_533] : memref<16384xi32, #tpu.memory_space<vmem>>[vector<16xi32>], vector<16xi32>,
      %parallel_loop3A_535 = arith.constant 1280 : i32
      %parallel_loop3A_536 = vector.broadcast %parallel_loop3A_535 : i32 to vector<16xi32>
      %parallel_loop3A_537 = arith.muli %parallel_loop3A_522, %parallel_loop3A_536 : vector<16xi32>
      %parallel_loop3A_538 = arith.constant 1280 : i32
      %parallel_loop3A_539 = vector.broadcast %parallel_loop3A_538 : i32 to vector<16xi32>
      %parallel_loop3A_540 = arith.muli %parallel_loop3A_526, %parallel_loop3A_539 : vector<16xi32>
      %parallel_loop3A_541 = arith.constant 1280 : i32
      %parallel_loop3A_542 = vector.broadcast %parallel_loop3A_541 : i32 to vector<16xi32>
      %parallel_loop3A_543 = arith.muli %parallel_loop3A_530, %parallel_loop3A_542 : vector<16xi32>
      %parallel_loop3A_544 = arith.constant 1280 : i32
      %parallel_loop3A_545 = vector.broadcast %parallel_loop3A_544 : i32 to vector<16xi32>
      %parallel_loop3A_546 = arith.muli %parallel_loop3A_534, %parallel_loop3A_545 : vector<16xi32>
      %parallel_loop3A_547 = arith.addi %parallel_loop3A_537, %parallel_loop3A_513 : vector<16xi32>
      tpu.vector_store_idx %arg5[%parallel_loop3A_547], %parallel_loop3A_187 {add = true} : memref<25600xf32, #tpu.memory_space<vmem>>[vector<16xi32>], vector<16xf32>,
      %parallel_loop3A_548 = arith.addi %parallel_loop3A_537, %parallel_loop3A_514 : vector<16xi32>
      tpu.vector_store_idx %arg5[%parallel_loop3A_548], %parallel_loop3A_196 {add = true} : memref<25600xf32, #tpu.memory_space<vmem>>[vector<16xi32>], vector<16xf32>,
      %parallel_loop3A_549 = arith.addi %parallel_loop3A_537, %parallel_loop3A_516 : vector<16xi32>
      tpu.vector_store_idx %arg5[%parallel_loop3A_549], %parallel_loop3A_199 {add = true} : memref<25600xf32, #tpu.memory_space<vmem>>[vector<16xi32>], vector<16xf32>,
      %parallel_loop3A_550 = arith.addi %parallel_loop3A_537, %parallel_loop3A_517 : vector<16xi32>
      tpu.vector_store_idx %arg5[%parallel_loop3A_550], %parallel_loop3A_208 {add = true} : memref<25600xf32, #tpu.memory_space<vmem>>[vector<16xi32>], vector<16xf32>,
      %parallel_loop3A_551 = arith.addi %parallel_loop3A_540, %parallel_loop3A_513 : vector<16xi32>
      tpu.vector_store_idx %arg5[%parallel_loop3A_551], %parallel_loop3A_190 {add = true} : memref<25600xf32, #tpu.memory_space<vmem>>[vector<16xi32>], vector<16xf32>,
      %parallel_loop3A_552 = arith.addi %parallel_loop3A_540, %parallel_loop3A_514 : vector<16xi32>
      tpu.vector_store_idx %arg5[%parallel_loop3A_552], %parallel_loop3A_193 {add = true} : memref<25600xf32, #tpu.memory_space<vmem>>[vector<16xi32>], vector<16xf32>,
      %parallel_loop3A_553 = arith.addi %parallel_loop3A_540, %parallel_loop3A_516 : vector<16xi32>
      tpu.vector_store_idx %arg5[%parallel_loop3A_553], %parallel_loop3A_202 {add = true} : memref<25600xf32, #tpu.memory_space<vmem>>[vector<16xi32>], vector<16xf32>,
      %parallel_loop3A_554 = arith.addi %parallel_loop3A_540, %parallel_loop3A_517 : vector<16xi32>
      tpu.vector_store_idx %arg5[%parallel_loop3A_554], %parallel_loop3A_205 {add = true} : memref<25600xf32, #tpu.memory_space<vmem>>[vector<16xi32>], vector<16xf32>,
      %parallel_loop3A_555 = arith.addi %parallel_loop3A_543, %parallel_loop3A_514 : vector<16xi32>
      tpu.vector_store_idx %arg5[%parallel_loop3A_555], %parallel_loop3A_193 {add = true} : memref<25600xf32, #tpu.memory_space<vmem>>[vector<16xi32>], vector<16xf32>,
      %parallel_loop3A_556 = arith.addi %parallel_loop3A_543, %parallel_loop3A_515 : vector<16xi32>
      tpu.vector_store_idx %arg5[%parallel_loop3A_556], %parallel_loop3A_190 {add = true} : memref<25600xf32, #tpu.memory_space<vmem>>[vector<16xi32>], vector<16xf32>,
      %parallel_loop3A_557 = arith.addi %parallel_loop3A_543, %parallel_loop3A_517 : vector<16xi32>
      tpu.vector_store_idx %arg5[%parallel_loop3A_557], %parallel_loop3A_205 {add = true} : memref<25600xf32, #tpu.memory_space<vmem>>[vector<16xi32>], vector<16xf32>,
      %parallel_loop3A_558 = arith.addi %parallel_loop3A_543, %parallel_loop3A_518 : vector<16xi32>
      tpu.vector_store_idx %arg5[%parallel_loop3A_558], %parallel_loop3A_202 {add = true} : memref<25600xf32, #tpu.memory_space<vmem>>[vector<16xi32>], vector<16xf32>,
      %parallel_loop3A_559 = arith.addi %parallel_loop3A_546, %parallel_loop3A_514 : vector<16xi32>
      tpu.vector_store_idx %arg5[%parallel_loop3A_559], %parallel_loop3A_196 {add = true} : memref<25600xf32, #tpu.memory_space<vmem>>[vector<16xi32>], vector<16xf32>,
      %parallel_loop3A_560 = arith.addi %parallel_loop3A_546, %parallel_loop3A_515 : vector<16xi32>
      tpu.vector_store_idx %arg5[%parallel_loop3A_560], %parallel_loop3A_187 {add = true} : memref<25600xf32, #tpu.memory_space<vmem>>[vector<16xi32>], vector<16xf32>,
      %parallel_loop3A_561 = arith.addi %parallel_loop3A_546, %parallel_loop3A_517 : vector<16xi32>
      tpu.vector_store_idx %arg5[%parallel_loop3A_561], %parallel_loop3A_208 {add = true} : memref<25600xf32, #tpu.memory_space<vmem>>[vector<16xi32>], vector<16xf32>,
      %parallel_loop3A_562 = arith.addi %parallel_loop3A_546, %parallel_loop3A_518 : vector<16xi32>
      tpu.vector_store_idx %arg5[%parallel_loop3A_562], %parallel_loop3A_199 {add = true} : memref<25600xf32, #tpu.memory_space<vmem>>[vector<16xi32>], vector<16xf32>,
      %parallel_loop3A_563 = arith.addi %parallel_loop3A_180, %add3A_76 : vector<16xi32>
      %parallel_loop3A_564 = arith.addi %parallel_loop3A_180, %add3A_79 : vector<16xi32>
      %parallel_loop3A_565 = arith.addi %parallel_loop3A_180, %min3A_84 : vector<16xi32>
      %parallel_loop3A_566 = arith.addi %parallel_loop3A_184, %add3A_76 : vector<16xi32>
      %parallel_loop3A_567 = arith.addi %parallel_loop3A_184, %add3A_79 : vector<16xi32>
      %parallel_loop3A_568 = arith.addi %parallel_loop3A_184, %min3A_84 : vector<16xi32>
      %parallel_loop3A_569 = arith.constant 448 : i32
      %parallel_loop3A_570 = vector.broadcast %parallel_loop3A_569 : i32 to vector<16xi32>
      %parallel_loop3A_571 = arith.addi %parallel_loop3A_212, %parallel_loop3A_570 : vector<16xi32>
      %parallel_loop3A_572 = tpu.vector_load_idx %arg4[%parallel_loop3A_571] : memref<16384xi32, #tpu.memory_space<vmem>>[vector<16xi32>], vector<16xi32>,
      %parallel_loop3A_573 = arith.constant 449 : i32
      %parallel_loop3A_574 = vector.broadcast %parallel_loop3A_573 : i32 to vector<16xi32>
      %parallel_loop3A_575 = arith.addi %parallel_loop3A_212, %parallel_loop3A_574 : vector<16xi32>
      %parallel_loop3A_576 = tpu.vector_load_idx %arg4[%parallel_loop3A_575] : memref<16384xi32, #tpu.memory_space<vmem>>[vector<16xi32>], vector<16xi32>,
      %parallel_loop3A_577 = arith.constant 450 : i32
      %parallel_loop3A_578 = vector.broadcast %parallel_loop3A_577 : i32 to vector<16xi32>
      %parallel_loop3A_579 = arith.addi %parallel_loop3A_212, %parallel_loop3A_578 : vector<16xi32>
      %parallel_loop3A_580 = tpu.vector_load_idx %arg4[%parallel_loop3A_579] : memref<16384xi32, #tpu.memory_space<vmem>>[vector<16xi32>], vector<16xi32>,
      %parallel_loop3A_581 = arith.constant 451 : i32
      %parallel_loop3A_582 = vector.broadcast %parallel_loop3A_581 : i32 to vector<16xi32>
      %parallel_loop3A_583 = arith.addi %parallel_loop3A_212, %parallel_loop3A_582 : vector<16xi32>
      %parallel_loop3A_584 = tpu.vector_load_idx %arg4[%parallel_loop3A_583] : memref<16384xi32, #tpu.memory_space<vmem>>[vector<16xi32>], vector<16xi32>,
      %parallel_loop3A_585 = arith.constant 1280 : i32
      %parallel_loop3A_586 = vector.broadcast %parallel_loop3A_585 : i32 to vector<16xi32>
      %parallel_loop3A_587 = arith.muli %parallel_loop3A_572, %parallel_loop3A_586 : vector<16xi32>
      %parallel_loop3A_588 = arith.constant 1280 : i32
      %parallel_loop3A_589 = vector.broadcast %parallel_loop3A_588 : i32 to vector<16xi32>
      %parallel_loop3A_590 = arith.muli %parallel_loop3A_576, %parallel_loop3A_589 : vector<16xi32>
      %parallel_loop3A_591 = arith.constant 1280 : i32
      %parallel_loop3A_592 = vector.broadcast %parallel_loop3A_591 : i32 to vector<16xi32>
      %parallel_loop3A_593 = arith.muli %parallel_loop3A_580, %parallel_loop3A_592 : vector<16xi32>
      %parallel_loop3A_594 = arith.constant 1280 : i32
      %parallel_loop3A_595 = vector.broadcast %parallel_loop3A_594 : i32 to vector<16xi32>
      %parallel_loop3A_596 = arith.muli %parallel_loop3A_584, %parallel_loop3A_595 : vector<16xi32>
      %parallel_loop3A_597 = arith.addi %parallel_loop3A_587, %parallel_loop3A_563 : vector<16xi32>
      tpu.vector_store_idx %arg5[%parallel_loop3A_597], %parallel_loop3A_187 {add = true} : memref<25600xf32, #tpu.memory_space<vmem>>[vector<16xi32>], vector<16xf32>,
      %parallel_loop3A_598 = arith.addi %parallel_loop3A_587, %parallel_loop3A_564 : vector<16xi32>
      tpu.vector_store_idx %arg5[%parallel_loop3A_598], %parallel_loop3A_196 {add = true} : memref<25600xf32, #tpu.memory_space<vmem>>[vector<16xi32>], vector<16xf32>,
      %parallel_loop3A_599 = arith.addi %parallel_loop3A_587, %parallel_loop3A_566 : vector<16xi32>
      tpu.vector_store_idx %arg5[%parallel_loop3A_599], %parallel_loop3A_199 {add = true} : memref<25600xf32, #tpu.memory_space<vmem>>[vector<16xi32>], vector<16xf32>,
      %parallel_loop3A_600 = arith.addi %parallel_loop3A_587, %parallel_loop3A_567 : vector<16xi32>
      tpu.vector_store_idx %arg5[%parallel_loop3A_600], %parallel_loop3A_208 {add = true} : memref<25600xf32, #tpu.memory_space<vmem>>[vector<16xi32>], vector<16xf32>,
      %parallel_loop3A_601 = arith.addi %parallel_loop3A_590, %parallel_loop3A_563 : vector<16xi32>
      tpu.vector_store_idx %arg5[%parallel_loop3A_601], %parallel_loop3A_190 {add = true} : memref<25600xf32, #tpu.memory_space<vmem>>[vector<16xi32>], vector<16xf32>,
      %parallel_loop3A_602 = arith.addi %parallel_loop3A_590, %parallel_loop3A_564 : vector<16xi32>
      tpu.vector_store_idx %arg5[%parallel_loop3A_602], %parallel_loop3A_193 {add = true} : memref<25600xf32, #tpu.memory_space<vmem>>[vector<16xi32>], vector<16xf32>,
      %parallel_loop3A_603 = arith.addi %parallel_loop3A_590, %parallel_loop3A_566 : vector<16xi32>
      tpu.vector_store_idx %arg5[%parallel_loop3A_603], %parallel_loop3A_202 {add = true} : memref<25600xf32, #tpu.memory_space<vmem>>[vector<16xi32>], vector<16xf32>,
      %parallel_loop3A_604 = arith.addi %parallel_loop3A_590, %parallel_loop3A_567 : vector<16xi32>
      tpu.vector_store_idx %arg5[%parallel_loop3A_604], %parallel_loop3A_205 {add = true} : memref<25600xf32, #tpu.memory_space<vmem>>[vector<16xi32>], vector<16xf32>,
      %parallel_loop3A_605 = arith.addi %parallel_loop3A_593, %parallel_loop3A_564 : vector<16xi32>
      tpu.vector_store_idx %arg5[%parallel_loop3A_605], %parallel_loop3A_193 {add = true} : memref<25600xf32, #tpu.memory_space<vmem>>[vector<16xi32>], vector<16xf32>,
      %parallel_loop3A_606 = arith.addi %parallel_loop3A_593, %parallel_loop3A_565 : vector<16xi32>
      tpu.vector_store_idx %arg5[%parallel_loop3A_606], %parallel_loop3A_190 masked %eq3A_91 {add = true} : memref<25600xf32, #tpu.memory_space<vmem>>[vector<16xi32>], vector<16xf32>, vector<16xi1>
      tpu.vector_store_idx %arg5[%parallel_loop3A_606], %parallel_loop3A_190 masked %ne3A_94 {add = true} : memref<25600xf32, #tpu.memory_space<vmem>>[vector<16xi32>], vector<16xf32>, vector<16xi1>
      %parallel_loop3A_607 = arith.addi %parallel_loop3A_593, %parallel_loop3A_567 : vector<16xi32>
      tpu.vector_store_idx %arg5[%parallel_loop3A_607], %parallel_loop3A_205 {add = true} : memref<25600xf32, #tpu.memory_space<vmem>>[vector<16xi32>], vector<16xf32>,
      %parallel_loop3A_608 = arith.addi %parallel_loop3A_593, %parallel_loop3A_568 : vector<16xi32>
      tpu.vector_store_idx %arg5[%parallel_loop3A_608], %parallel_loop3A_202 masked %eq3A_91 {add = true} : memref<25600xf32, #tpu.memory_space<vmem>>[vector<16xi32>], vector<16xf32>, vector<16xi1>
      tpu.vector_store_idx %arg5[%parallel_loop3A_608], %parallel_loop3A_202 masked %ne3A_94 {add = true} : memref<25600xf32, #tpu.memory_space<vmem>>[vector<16xi32>], vector<16xf32>, vector<16xi1>
      %parallel_loop3A_609 = arith.addi %parallel_loop3A_596, %parallel_loop3A_564 : vector<16xi32>
      tpu.vector_store_idx %arg5[%parallel_loop3A_609], %parallel_loop3A_196 {add = true} : memref<25600xf32, #tpu.memory_space<vmem>>[vector<16xi32>], vector<16xf32>,
      %parallel_loop3A_610 = arith.addi %parallel_loop3A_596, %parallel_loop3A_565 : vector<16xi32>
      tpu.vector_store_idx %arg5[%parallel_loop3A_610], %parallel_loop3A_187 masked %eq3A_91 {add = true} : memref<25600xf32, #tpu.memory_space<vmem>>[vector<16xi32>], vector<16xf32>, vector<16xi1>
      tpu.vector_store_idx %arg5[%parallel_loop3A_610], %parallel_loop3A_187 masked %ne3A_94 {add = true} : memref<25600xf32, #tpu.memory_space<vmem>>[vector<16xi32>], vector<16xf32>, vector<16xi1>
      %parallel_loop3A_611 = arith.addi %parallel_loop3A_596, %parallel_loop3A_567 : vector<16xi32>
      tpu.vector_store_idx %arg5[%parallel_loop3A_611], %parallel_loop3A_208 {add = true} : memref<25600xf32, #tpu.memory_space<vmem>>[vector<16xi32>], vector<16xf32>,
      %parallel_loop3A_612 = arith.addi %parallel_loop3A_596, %parallel_loop3A_568 : vector<16xi32>
      tpu.vector_store_idx %arg5[%parallel_loop3A_612], %parallel_loop3A_199 masked %eq3A_91 {add = true} : memref<25600xf32, #tpu.memory_space<vmem>>[vector<16xi32>], vector<16xf32>, vector<16xi1>
      tpu.vector_store_idx %arg5[%parallel_loop3A_612], %parallel_loop3A_199 masked %ne3A_94 {add = true} : memref<25600xf32, #tpu.memory_space<vmem>>[vector<16xi32>], vector<16xf32>, vector<16xi1>
    } {sc.loop_unroll_factor = 4 : i64, sc.parallel_access}
    "tpu.region"() ({
      %run_scoped3A = tpu.sem_alloc : memref<!tpu.dma_semaphore, #tpu.memory_space<semaphore_mem>>
      %dma_start3A = arith.constant 0 : i32
      %dma_start3A_98 = tpu.memref_slice %arg3[%arg0, %arg1, %dma_start3A] : memref<2x16x25600xf32, #tpu.memory_space<hbm>> -> memref<1x1x25600xf32, #tpu.memory_space<hbm>>
      %dma_start3A_99 = tpu.memref_squeeze %dma_start3A_98 : memref<1x1x25600xf32, #tpu.memory_space<hbm>> -> memref<25600xf32, #tpu.memory_space<hbm>>
      %dma_start3A_100 = arith.constant 0 : i32
      %dma_start3A_101 = tpu.memref_slice %arg3[%arg0, %arg1, %dma_start3A_100] : memref<2x16x25600xf32, #tpu.memory_space<hbm>> -> memref<1x1x25600xf32, #tpu.memory_space<hbm>>
      %dma_start3A_102 = tpu.memref_squeeze %dma_start3A_101 : memref<1x1x25600xf32, #tpu.memory_space<hbm>> -> memref<25600xf32, #tpu.memory_space<hbm>>
      tpu.enqueue_dma source(%arg5 : memref<25600xf32, #tpu.memory_space<vmem>>) target(%dma_start3A_102 : memref<25600xf32, #tpu.memory_space<hbm>>) target_semaphore(%run_scoped3A : memref<!tpu.dma_semaphore, #tpu.memory_space<semaphore_mem>>)
      %dma_wait3A = arith.constant 0 : i32
      %dma_wait3A_103 = tpu.memref_slice %arg3[%arg0, %arg1, %dma_wait3A] : memref<2x16x25600xf32, #tpu.memory_space<hbm>> -> memref<1x1x25600xf32, #tpu.memory_space<hbm>>
      %dma_wait3A_104 = tpu.memref_squeeze %dma_wait3A_103 : memref<1x1x25600xf32, #tpu.memory_space<hbm>> -> memref<25600xf32, #tpu.memory_space<hbm>>
      %dma_wait3A_105 = arith.constant 0 : i32
      %dma_wait3A_106 = tpu.memref_slice %arg3[%arg0, %arg1, %dma_wait3A_105] : memref<2x16x25600xf32, #tpu.memory_space<hbm>> -> memref<1x1x25600xf32, #tpu.memory_space<hbm>>
      %dma_wait3A_107 = tpu.memref_squeeze %dma_wait3A_106 : memref<1x1x25600xf32, #tpu.memory_space<hbm>> -> memref<25600xf32, #tpu.memory_space<hbm>>
      tpu.wait_dma2 semaphore(%run_scoped3A : memref<!tpu.dma_semaphore, #tpu.memory_space<semaphore_mem>>) src(%arg5 : memref<25600xf32, #tpu.memory_space<vmem>>) dst(%dma_wait3A_107 : memref<25600xf32, #tpu.memory_space<hbm>>)
      tpu.yield
    }) : () -> ()
    return
  }
}

module attributes {stable_mosaic.version = 14 : i64} {
  func.func @_cls_body(%arg0: i32, %arg1: i32, %arg2: memref<1x19x256x512xf32, #tpu.memory_space<vmem>>, %arg3: memref<1x256x512xi32, #tpu.memory_space<vmem>>, %arg4: memref<1x256x512xi32, #tpu.memory_space<vmem>>) attributes {dimension_semantics = [#tpu.dimension_semantics<arbitrary>, #tpu.dimension_semantics<arbitrary>], iteration_bounds = array<i64: 2, 2>, scalar_prefetch = 0 : i64, scratch_operands = 0 : i64, tpu.core_type = #tpu.core_type<tc>, window_params = [{transform_indices = @transform_0, window_bounds = array<i64: 1, 19, 256, 512>}, {transform_indices = @transform_1, window_bounds = array<i64: 1, 256, 512>}, {transform_indices = @transform_2, window_bounds = array<i64: 1, 256, 512>}]} {
    %get3A = arith.constant 0 : index
    %get3A_0 = arith.constant 0 : index
    %get3A_1 = arith.constant 0 : index
    %get3A_2 = arith.constant 0 : index
    %get3A_3 = vector.load %arg2[%get3A, %get3A_0, %get3A_1, %get3A_2] : memref<1x19x256x512xf32, #tpu.memory_space<vmem>>, vector<1x1x256x512xf32>
    %get3A_4 = vector.shape_cast %get3A_3 : vector<1x1x256x512xf32> to vector<256x512xf32>
    %broadcast_in_dim3A = arith.constant 0 : i32
    %broadcast_in_dim3A_5 = vector.broadcast %broadcast_in_dim3A : i32 to vector<256x512xi32>
    %get3A_6 = arith.constant 0 : index
    %get3A_7 = arith.constant 1 : index
    %get3A_8 = arith.constant 0 : index
    %get3A_9 = arith.constant 0 : index
    %get3A_10 = vector.load %arg2[%get3A_6, %get3A_7, %get3A_8, %get3A_9] : memref<1x19x256x512xf32, #tpu.memory_space<vmem>>, vector<1x1x256x512xf32>
    %get3A_11 = vector.shape_cast %get3A_10 : vector<1x1x256x512xf32> to vector<256x512xf32>
    %gt3A = arith.cmpf ogt, %get3A_11, %get3A_4 : vector<256x512xf32>
    %select_n3A = arith.select %gt3A, %get3A_11, %get3A_4 : vector<256x512xi1>, vector<256x512xf32>
    %jit3A = arith.constant 1 : i32
    %broadcast_in_dim3A_12 = vector.broadcast %jit3A : i32 to vector<256x512xi32>
    %select_n3A_13 = arith.select %gt3A, %broadcast_in_dim3A_12, %broadcast_in_dim3A_5 : vector<256x512xi1>, vector<256x512xi32>
    %get3A_14 = arith.constant 0 : index
    %get3A_15 = arith.constant 2 : index
    %get3A_16 = arith.constant 0 : index
    %get3A_17 = arith.constant 0 : index
    %get3A_18 = vector.load %arg2[%get3A_14, %get3A_15, %get3A_16, %get3A_17] : memref<1x19x256x512xf32, #tpu.memory_space<vmem>>, vector<1x1x256x512xf32>
    %get3A_19 = vector.shape_cast %get3A_18 : vector<1x1x256x512xf32> to vector<256x512xf32>
    %gt3A_20 = arith.cmpf ogt, %get3A_19, %select_n3A : vector<256x512xf32>
    %select_n3A_21 = arith.select %gt3A_20, %get3A_19, %select_n3A : vector<256x512xi1>, vector<256x512xf32>
    %jit3A_22 = arith.constant 2 : i32
    %broadcast_in_dim3A_23 = vector.broadcast %jit3A_22 : i32 to vector<256x512xi32>
    %select_n3A_24 = arith.select %gt3A_20, %broadcast_in_dim3A_23, %select_n3A_13 : vector<256x512xi1>, vector<256x512xi32>
    %get3A_25 = arith.constant 0 : index
    %get3A_26 = arith.constant 3 : index
    %get3A_27 = arith.constant 0 : index
    %get3A_28 = arith.constant 0 : index
    %get3A_29 = vector.load %arg2[%get3A_25, %get3A_26, %get3A_27, %get3A_28] : memref<1x19x256x512xf32, #tpu.memory_space<vmem>>, vector<1x1x256x512xf32>
    %get3A_30 = vector.shape_cast %get3A_29 : vector<1x1x256x512xf32> to vector<256x512xf32>
    %gt3A_31 = arith.cmpf ogt, %get3A_30, %select_n3A_21 : vector<256x512xf32>
    %select_n3A_32 = arith.select %gt3A_31, %get3A_30, %select_n3A_21 : vector<256x512xi1>, vector<256x512xf32>
    %jit3A_33 = arith.constant 3 : i32
    %broadcast_in_dim3A_34 = vector.broadcast %jit3A_33 : i32 to vector<256x512xi32>
    %select_n3A_35 = arith.select %gt3A_31, %broadcast_in_dim3A_34, %select_n3A_24 : vector<256x512xi1>, vector<256x512xi32>
    %get3A_36 = arith.constant 0 : index
    %get3A_37 = arith.constant 4 : index
    %get3A_38 = arith.constant 0 : index
    %get3A_39 = arith.constant 0 : index
    %get3A_40 = vector.load %arg2[%get3A_36, %get3A_37, %get3A_38, %get3A_39] : memref<1x19x256x512xf32, #tpu.memory_space<vmem>>, vector<1x1x256x512xf32>
    %get3A_41 = vector.shape_cast %get3A_40 : vector<1x1x256x512xf32> to vector<256x512xf32>
    %gt3A_42 = arith.cmpf ogt, %get3A_41, %select_n3A_32 : vector<256x512xf32>
    %select_n3A_43 = arith.select %gt3A_42, %get3A_41, %select_n3A_32 : vector<256x512xi1>, vector<256x512xf32>
    %jit3A_44 = arith.constant 4 : i32
    %broadcast_in_dim3A_45 = vector.broadcast %jit3A_44 : i32 to vector<256x512xi32>
    %select_n3A_46 = arith.select %gt3A_42, %broadcast_in_dim3A_45, %select_n3A_35 : vector<256x512xi1>, vector<256x512xi32>
    %get3A_47 = arith.constant 0 : index
    %get3A_48 = arith.constant 5 : index
    %get3A_49 = arith.constant 0 : index
    %get3A_50 = arith.constant 0 : index
    %get3A_51 = vector.load %arg2[%get3A_47, %get3A_48, %get3A_49, %get3A_50] : memref<1x19x256x512xf32, #tpu.memory_space<vmem>>, vector<1x1x256x512xf32>
    %get3A_52 = vector.shape_cast %get3A_51 : vector<1x1x256x512xf32> to vector<256x512xf32>
    %gt3A_53 = arith.cmpf ogt, %get3A_52, %select_n3A_43 : vector<256x512xf32>
    %select_n3A_54 = arith.select %gt3A_53, %get3A_52, %select_n3A_43 : vector<256x512xi1>, vector<256x512xf32>
    %jit3A_55 = arith.constant 5 : i32
    %broadcast_in_dim3A_56 = vector.broadcast %jit3A_55 : i32 to vector<256x512xi32>
    %select_n3A_57 = arith.select %gt3A_53, %broadcast_in_dim3A_56, %select_n3A_46 : vector<256x512xi1>, vector<256x512xi32>
    %get3A_58 = arith.constant 0 : index
    %get3A_59 = arith.constant 6 : index
    %get3A_60 = arith.constant 0 : index
    %get3A_61 = arith.constant 0 : index
    %get3A_62 = vector.load %arg2[%get3A_58, %get3A_59, %get3A_60, %get3A_61] : memref<1x19x256x512xf32, #tpu.memory_space<vmem>>, vector<1x1x256x512xf32>
    %get3A_63 = vector.shape_cast %get3A_62 : vector<1x1x256x512xf32> to vector<256x512xf32>
    %gt3A_64 = arith.cmpf ogt, %get3A_63, %select_n3A_54 : vector<256x512xf32>
    %select_n3A_65 = arith.select %gt3A_64, %get3A_63, %select_n3A_54 : vector<256x512xi1>, vector<256x512xf32>
    %jit3A_66 = arith.constant 6 : i32
    %broadcast_in_dim3A_67 = vector.broadcast %jit3A_66 : i32 to vector<256x512xi32>
    %select_n3A_68 = arith.select %gt3A_64, %broadcast_in_dim3A_67, %select_n3A_57 : vector<256x512xi1>, vector<256x512xi32>
    %get3A_69 = arith.constant 0 : index
    %get3A_70 = arith.constant 7 : index
    %get3A_71 = arith.constant 0 : index
    %get3A_72 = arith.constant 0 : index
    %get3A_73 = vector.load %arg2[%get3A_69, %get3A_70, %get3A_71, %get3A_72] : memref<1x19x256x512xf32, #tpu.memory_space<vmem>>, vector<1x1x256x512xf32>
    %get3A_74 = vector.shape_cast %get3A_73 : vector<1x1x256x512xf32> to vector<256x512xf32>
    %gt3A_75 = arith.cmpf ogt, %get3A_74, %select_n3A_65 : vector<256x512xf32>
    %select_n3A_76 = arith.select %gt3A_75, %get3A_74, %select_n3A_65 : vector<256x512xi1>, vector<256x512xf32>
    %jit3A_77 = arith.constant 7 : i32
    %broadcast_in_dim3A_78 = vector.broadcast %jit3A_77 : i32 to vector<256x512xi32>
    %select_n3A_79 = arith.select %gt3A_75, %broadcast_in_dim3A_78, %select_n3A_68 : vector<256x512xi1>, vector<256x512xi32>
    %get3A_80 = arith.constant 0 : index
    %get3A_81 = arith.constant 8 : index
    %get3A_82 = arith.constant 0 : index
    %get3A_83 = arith.constant 0 : index
    %get3A_84 = vector.load %arg2[%get3A_80, %get3A_81, %get3A_82, %get3A_83] : memref<1x19x256x512xf32, #tpu.memory_space<vmem>>, vector<1x1x256x512xf32>
    %get3A_85 = vector.shape_cast %get3A_84 : vector<1x1x256x512xf32> to vector<256x512xf32>
    %gt3A_86 = arith.cmpf ogt, %get3A_85, %select_n3A_76 : vector<256x512xf32>
    %select_n3A_87 = arith.select %gt3A_86, %get3A_85, %select_n3A_76 : vector<256x512xi1>, vector<256x512xf32>
    %jit3A_88 = arith.constant 8 : i32
    %broadcast_in_dim3A_89 = vector.broadcast %jit3A_88 : i32 to vector<256x512xi32>
    %select_n3A_90 = arith.select %gt3A_86, %broadcast_in_dim3A_89, %select_n3A_79 : vector<256x512xi1>, vector<256x512xi32>
    %get3A_91 = arith.constant 0 : index
    %get3A_92 = arith.constant 9 : index
    %get3A_93 = arith.constant 0 : index
    %get3A_94 = arith.constant 0 : index
    %get3A_95 = vector.load %arg2[%get3A_91, %get3A_92, %get3A_93, %get3A_94] : memref<1x19x256x512xf32, #tpu.memory_space<vmem>>, vector<1x1x256x512xf32>
    %get3A_96 = vector.shape_cast %get3A_95 : vector<1x1x256x512xf32> to vector<256x512xf32>
    %gt3A_97 = arith.cmpf ogt, %get3A_96, %select_n3A_87 : vector<256x512xf32>
    %select_n3A_98 = arith.select %gt3A_97, %get3A_96, %select_n3A_87 : vector<256x512xi1>, vector<256x512xf32>
    %jit3A_99 = arith.constant 9 : i32
    %broadcast_in_dim3A_100 = vector.broadcast %jit3A_99 : i32 to vector<256x512xi32>
    %select_n3A_101 = arith.select %gt3A_97, %broadcast_in_dim3A_100, %select_n3A_90 : vector<256x512xi1>, vector<256x512xi32>
    %get3A_102 = arith.constant 0 : index
    %get3A_103 = arith.constant 10 : index
    %get3A_104 = arith.constant 0 : index
    %get3A_105 = arith.constant 0 : index
    %get3A_106 = vector.load %arg2[%get3A_102, %get3A_103, %get3A_104, %get3A_105] : memref<1x19x256x512xf32, #tpu.memory_space<vmem>>, vector<1x1x256x512xf32>
    %get3A_107 = vector.shape_cast %get3A_106 : vector<1x1x256x512xf32> to vector<256x512xf32>
    %gt3A_108 = arith.cmpf ogt, %get3A_107, %select_n3A_98 : vector<256x512xf32>
    %select_n3A_109 = arith.select %gt3A_108, %get3A_107, %select_n3A_98 : vector<256x512xi1>, vector<256x512xf32>
    %jit3A_110 = arith.constant 10 : i32
    %broadcast_in_dim3A_111 = vector.broadcast %jit3A_110 : i32 to vector<256x512xi32>
    %select_n3A_112 = arith.select %gt3A_108, %broadcast_in_dim3A_111, %select_n3A_101 : vector<256x512xi1>, vector<256x512xi32>
    %get3A_113 = arith.constant 0 : index
    %get3A_114 = arith.constant 11 : index
    %get3A_115 = arith.constant 0 : index
    %get3A_116 = arith.constant 0 : index
    %get3A_117 = vector.load %arg2[%get3A_113, %get3A_114, %get3A_115, %get3A_116] : memref<1x19x256x512xf32, #tpu.memory_space<vmem>>, vector<1x1x256x512xf32>
    %get3A_118 = vector.shape_cast %get3A_117 : vector<1x1x256x512xf32> to vector<256x512xf32>
    %gt3A_119 = arith.cmpf ogt, %get3A_118, %select_n3A_109 : vector<256x512xf32>
    %select_n3A_120 = arith.select %gt3A_119, %get3A_118, %select_n3A_109 : vector<256x512xi1>, vector<256x512xf32>
    %jit3A_121 = arith.constant 11 : i32
    %broadcast_in_dim3A_122 = vector.broadcast %jit3A_121 : i32 to vector<256x512xi32>
    %select_n3A_123 = arith.select %gt3A_119, %broadcast_in_dim3A_122, %select_n3A_112 : vector<256x512xi1>, vector<256x512xi32>
    %get3A_124 = arith.constant 0 : index
    %get3A_125 = arith.constant 12 : index
    %get3A_126 = arith.constant 0 : index
    %get3A_127 = arith.constant 0 : index
    %get3A_128 = vector.load %arg2[%get3A_124, %get3A_125, %get3A_126, %get3A_127] : memref<1x19x256x512xf32, #tpu.memory_space<vmem>>, vector<1x1x256x512xf32>
    %get3A_129 = vector.shape_cast %get3A_128 : vector<1x1x256x512xf32> to vector<256x512xf32>
    %gt3A_130 = arith.cmpf ogt, %get3A_129, %select_n3A_120 : vector<256x512xf32>
    %select_n3A_131 = arith.select %gt3A_130, %get3A_129, %select_n3A_120 : vector<256x512xi1>, vector<256x512xf32>
    %jit3A_132 = arith.constant 12 : i32
    %broadcast_in_dim3A_133 = vector.broadcast %jit3A_132 : i32 to vector<256x512xi32>
    %select_n3A_134 = arith.select %gt3A_130, %broadcast_in_dim3A_133, %select_n3A_123 : vector<256x512xi1>, vector<256x512xi32>
    %get3A_135 = arith.constant 0 : index
    %get3A_136 = arith.constant 13 : index
    %get3A_137 = arith.constant 0 : index
    %get3A_138 = arith.constant 0 : index
    %get3A_139 = vector.load %arg2[%get3A_135, %get3A_136, %get3A_137, %get3A_138] : memref<1x19x256x512xf32, #tpu.memory_space<vmem>>, vector<1x1x256x512xf32>
    %get3A_140 = vector.shape_cast %get3A_139 : vector<1x1x256x512xf32> to vector<256x512xf32>
    %gt3A_141 = arith.cmpf ogt, %get3A_140, %select_n3A_131 : vector<256x512xf32>
    %select_n3A_142 = arith.select %gt3A_141, %get3A_140, %select_n3A_131 : vector<256x512xi1>, vector<256x512xf32>
    %jit3A_143 = arith.constant 13 : i32
    %broadcast_in_dim3A_144 = vector.broadcast %jit3A_143 : i32 to vector<256x512xi32>
    %select_n3A_145 = arith.select %gt3A_141, %broadcast_in_dim3A_144, %select_n3A_134 : vector<256x512xi1>, vector<256x512xi32>
    %get3A_146 = arith.constant 0 : index
    %get3A_147 = arith.constant 14 : index
    %get3A_148 = arith.constant 0 : index
    %get3A_149 = arith.constant 0 : index
    %get3A_150 = vector.load %arg2[%get3A_146, %get3A_147, %get3A_148, %get3A_149] : memref<1x19x256x512xf32, #tpu.memory_space<vmem>>, vector<1x1x256x512xf32>
    %get3A_151 = vector.shape_cast %get3A_150 : vector<1x1x256x512xf32> to vector<256x512xf32>
    %gt3A_152 = arith.cmpf ogt, %get3A_151, %select_n3A_142 : vector<256x512xf32>
    %select_n3A_153 = arith.select %gt3A_152, %get3A_151, %select_n3A_142 : vector<256x512xi1>, vector<256x512xf32>
    %jit3A_154 = arith.constant 14 : i32
    %broadcast_in_dim3A_155 = vector.broadcast %jit3A_154 : i32 to vector<256x512xi32>
    %select_n3A_156 = arith.select %gt3A_152, %broadcast_in_dim3A_155, %select_n3A_145 : vector<256x512xi1>, vector<256x512xi32>
    %get3A_157 = arith.constant 0 : index
    %get3A_158 = arith.constant 15 : index
    %get3A_159 = arith.constant 0 : index
    %get3A_160 = arith.constant 0 : index
    %get3A_161 = vector.load %arg2[%get3A_157, %get3A_158, %get3A_159, %get3A_160] : memref<1x19x256x512xf32, #tpu.memory_space<vmem>>, vector<1x1x256x512xf32>
    %get3A_162 = vector.shape_cast %get3A_161 : vector<1x1x256x512xf32> to vector<256x512xf32>
    %gt3A_163 = arith.cmpf ogt, %get3A_162, %select_n3A_153 : vector<256x512xf32>
    %select_n3A_164 = arith.select %gt3A_163, %get3A_162, %select_n3A_153 : vector<256x512xi1>, vector<256x512xf32>
    %jit3A_165 = arith.constant 15 : i32
    %broadcast_in_dim3A_166 = vector.broadcast %jit3A_165 : i32 to vector<256x512xi32>
    %select_n3A_167 = arith.select %gt3A_163, %broadcast_in_dim3A_166, %select_n3A_156 : vector<256x512xi1>, vector<256x512xi32>
    %get3A_168 = arith.constant 0 : index
    %get3A_169 = arith.constant 16 : index
    %get3A_170 = arith.constant 0 : index
    %get3A_171 = arith.constant 0 : index
    %get3A_172 = vector.load %arg2[%get3A_168, %get3A_169, %get3A_170, %get3A_171] : memref<1x19x256x512xf32, #tpu.memory_space<vmem>>, vector<1x1x256x512xf32>
    %get3A_173 = vector.shape_cast %get3A_172 : vector<1x1x256x512xf32> to vector<256x512xf32>
    %gt3A_174 = arith.cmpf ogt, %get3A_173, %select_n3A_164 : vector<256x512xf32>
    %select_n3A_175 = arith.select %gt3A_174, %get3A_173, %select_n3A_164 : vector<256x512xi1>, vector<256x512xf32>
    %jit3A_176 = arith.constant 16 : i32
    %broadcast_in_dim3A_177 = vector.broadcast %jit3A_176 : i32 to vector<256x512xi32>
    %select_n3A_178 = arith.select %gt3A_174, %broadcast_in_dim3A_177, %select_n3A_167 : vector<256x512xi1>, vector<256x512xi32>
    %get3A_179 = arith.constant 0 : index
    %get3A_180 = arith.constant 17 : index
    %get3A_181 = arith.constant 0 : index
    %get3A_182 = arith.constant 0 : index
    %get3A_183 = vector.load %arg2[%get3A_179, %get3A_180, %get3A_181, %get3A_182] : memref<1x19x256x512xf32, #tpu.memory_space<vmem>>, vector<1x1x256x512xf32>
    %get3A_184 = vector.shape_cast %get3A_183 : vector<1x1x256x512xf32> to vector<256x512xf32>
    %gt3A_185 = arith.cmpf ogt, %get3A_184, %select_n3A_175 : vector<256x512xf32>
    %select_n3A_186 = arith.select %gt3A_185, %get3A_184, %select_n3A_175 : vector<256x512xi1>, vector<256x512xf32>
    %jit3A_187 = arith.constant 17 : i32
    %broadcast_in_dim3A_188 = vector.broadcast %jit3A_187 : i32 to vector<256x512xi32>
    %select_n3A_189 = arith.select %gt3A_185, %broadcast_in_dim3A_188, %select_n3A_178 : vector<256x512xi1>, vector<256x512xi32>
    %get3A_190 = arith.constant 0 : index
    %get3A_191 = arith.constant 18 : index
    %get3A_192 = arith.constant 0 : index
    %get3A_193 = arith.constant 0 : index
    %get3A_194 = vector.load %arg2[%get3A_190, %get3A_191, %get3A_192, %get3A_193] : memref<1x19x256x512xf32, #tpu.memory_space<vmem>>, vector<1x1x256x512xf32>
    %get3A_195 = vector.shape_cast %get3A_194 : vector<1x1x256x512xf32> to vector<256x512xf32>
    %gt3A_196 = arith.cmpf ogt, %get3A_195, %select_n3A_186 : vector<256x512xf32>
    %jit3A_197 = arith.constant 18 : i32
    %broadcast_in_dim3A_198 = vector.broadcast %jit3A_197 : i32 to vector<256x512xi32>
    %select_n3A_199 = arith.select %gt3A_196, %broadcast_in_dim3A_198, %select_n3A_189 : vector<256x512xi1>, vector<256x512xi32>
    %get3A_200 = arith.constant 0 : index
    %get3A_201 = arith.constant 0 : index
    %get3A_202 = arith.constant 0 : index
    %get3A_203 = vector.load %arg3[%get3A_200, %get3A_201, %get3A_202] : memref<1x256x512xi32, #tpu.memory_space<vmem>>, vector<1x256x512xi32>
    %get3A_204 = vector.shape_cast %get3A_203 : vector<1x256x512xi32> to vector<256x512xi32>
    %eq3A = arith.cmpi eq, %select_n3A_199, %get3A_204 : vector<256x512xi32>
    %jit3A_205 = arith.constant 19 : i32
    %broadcast_in_dim3A_206 = vector.broadcast %jit3A_205 : i32 to vector<256x512xi32>
    %select_n3A_207 = arith.select %eq3A, %get3A_204, %broadcast_in_dim3A_206 : vector<256x512xi1>, vector<256x512xi32>
    %swap3A = arith.constant 0 : index
    %swap3A_208 = arith.constant 0 : index
    %swap3A_209 = arith.constant 0 : index
    %swap3A_210 = vector.load %arg4[%swap3A, %swap3A_208, %swap3A_209] : memref<1x256x512xi32, #tpu.memory_space<vmem>>, vector<1x256x512xi32>
    %swap3A_211 = vector.shape_cast %swap3A_210 : vector<1x256x512xi32> to vector<256x512xi32>
    %swap3A_212 = vector.shape_cast %select_n3A_207 : vector<256x512xi32> to vector<1x256x512xi32>
    tpu.vector_store %arg4[%swap3A, %swap3A_208, %swap3A_209], %swap3A_212 {strides = array<i32>} : memref<1x256x512xi32, #tpu.memory_space<vmem>>, vector<1x256x512xi32>,
    return
  }
  func.func @transform_0(%arg0: i32, %arg1: i32) -> (i32, i32, i32, i32) {
    %c0_i32 = arith.constant 0 : i32
    %c0_i32_0 = arith.constant 0 : i32
    %c0_i32_1 = arith.constant 0 : i32
    return %arg0, %c0_i32, %arg1, %c0_i32_0 : i32, i32, i32, i32
  }
  func.func @transform_1(%arg0: i32, %arg1: i32) -> (i32, i32, i32) {
    %c0_i32 = arith.constant 0 : i32
    %c0_i32_0 = arith.constant 0 : i32
    return %arg0, %arg1, %c0_i32 : i32, i32, i32
  }
  func.func @transform_2(%arg0: i32, %arg1: i32) -> (i32, i32, i32) {
    %c0_i32 = arith.constant 0 : i32
    %c0_i32_0 = arith.constant 0 : i32
    return %arg0, %arg1, %c0_i32 : i32, i32, i32
  }
}

module attributes {stable_mosaic.version = 14 : i64} {
  func.func @_proto_body(%arg0: i32, %arg1: memref<1x16x20x1280xf32, #tpu.memory_space<vmem>>, %arg2: memref<1x96x16384xf32, #tpu.memory_space<vmem>>, %arg3: memref<19x96xf32, #tpu.memory_space<vmem>>, %arg4: memref<20x16384xf32, #tpu.memory_space<vmem>>) attributes {dimension_semantics = [#tpu.dimension_semantics<arbitrary>], iteration_bounds = array<i64: 2>, scalar_prefetch = 0 : i64, scratch_operands = 1 : i64, tpu.core_type = #tpu.core_type<tc>, window_params = [{transform_indices = @transform_0, window_bounds = array<i64: 1, 16, 20, 1280>}, {transform_indices = @transform_1, window_bounds = array<i64: 1, 96, 16384>}, {pipeline_mode = #tpu.pipeline_mode<synchronous>, transform_indices = @transform_2, window_bounds = array<i64: 19, 96>}]} {
    %broadcast_in_dim3A = arith.constant 0.000000e+00 : f32
    %broadcast_in_dim3A_0 = vector.broadcast %broadcast_in_dim3A : f32 to vector<20x16384xf32>
    %swap3A = arith.constant 0 : index
    %swap3A_1 = arith.constant 0 : index
    %swap3A_2 = vector.load %arg4[%swap3A, %swap3A_1] : memref<20x16384xf32, #tpu.memory_space<vmem>>, vector<20x16384xf32>
    tpu.vector_store %arg4[%swap3A, %swap3A_1], %broadcast_in_dim3A_0 {strides = array<i32>} : memref<20x16384xf32, #tpu.memory_space<vmem>>, vector<20x16384xf32>,
    %get3A = arith.constant 0 : index
    %get3A_3 = arith.constant 0 : index
    %get3A_4 = vector.load %arg4[%get3A, %get3A_3] : memref<20x16384xf32, #tpu.memory_space<vmem>>, vector<20x1152xf32>
    %get3A_5 = arith.constant 0 : index
    %get3A_6 = arith.constant 0 : index
    %get3A_7 = arith.constant 0 : index
    %get3A_8 = arith.constant 0 : index
    %get3A_9 = vector.load %arg1[%get3A_5, %get3A_6, %get3A_7, %get3A_8] : memref<1x16x20x1280xf32, #tpu.memory_space<vmem>>, vector<1x1x20x1280xf32>
    %get3A_10 = vector.shape_cast %get3A_9 : vector<1x1x20x1280xf32> to vector<20x1280xf32>
    %slice3A = vector.extract_strided_slice %get3A_10 {offsets = [0, 128], sizes = [20, 1152], strides = [1, 1]} : vector<20x1280xf32> to vector<20x1152xf32>
    %add3A = arith.addf %get3A_4, %slice3A : vector<20x1152xf32>
    %swap3A_11 = arith.constant 0 : index
    %swap3A_12 = arith.constant 0 : index
    %swap3A_13 = vector.load %arg4[%swap3A_11, %swap3A_12] : memref<20x16384xf32, #tpu.memory_space<vmem>>, vector<20x1152xf32>
    tpu.vector_store %arg4[%swap3A_11, %swap3A_12], %add3A {strides = array<i32>} : memref<20x16384xf32, #tpu.memory_space<vmem>>, vector<20x1152xf32>,
    %get3A_14 = arith.constant 0 : index
    %get3A_15 = arith.constant 896 : index
    %get3A_16 = vector.load %arg4[%get3A_14, %get3A_15] : memref<20x16384xf32, #tpu.memory_space<vmem>>, vector<20x1280xf32>
    %get3A_17 = arith.constant 0 : index
    %get3A_18 = arith.constant 1 : index
    %get3A_19 = arith.constant 0 : index
    %get3A_20 = arith.constant 0 : index
    %get3A_21 = vector.load %arg1[%get3A_17, %get3A_18, %get3A_19, %get3A_20] : memref<1x16x20x1280xf32, #tpu.memory_space<vmem>>, vector<1x1x20x1280xf32>
    %get3A_22 = vector.shape_cast %get3A_21 : vector<1x1x20x1280xf32> to vector<20x1280xf32>
    %add3A_23 = arith.addf %get3A_16, %get3A_22 : vector<20x1280xf32>
    %swap3A_24 = arith.constant 0 : index
    %swap3A_25 = arith.constant 896 : index
    %swap3A_26 = vector.load %arg4[%swap3A_24, %swap3A_25] : memref<20x16384xf32, #tpu.memory_space<vmem>>, vector<20x1280xf32>
    tpu.vector_store %arg4[%swap3A_24, %swap3A_25], %add3A_23 {strides = array<i32>} : memref<20x16384xf32, #tpu.memory_space<vmem>>, vector<20x1280xf32>,
    %get3A_27 = arith.constant 0 : index
    %get3A_28 = arith.constant 1920 : index
    %get3A_29 = vector.load %arg4[%get3A_27, %get3A_28] : memref<20x16384xf32, #tpu.memory_space<vmem>>, vector<20x1280xf32>
    %get3A_30 = arith.constant 0 : index
    %get3A_31 = arith.constant 2 : index
    %get3A_32 = arith.constant 0 : index
    %get3A_33 = arith.constant 0 : index
    %get3A_34 = vector.load %arg1[%get3A_30, %get3A_31, %get3A_32, %get3A_33] : memref<1x16x20x1280xf32, #tpu.memory_space<vmem>>, vector<1x1x20x1280xf32>
    %get3A_35 = vector.shape_cast %get3A_34 : vector<1x1x20x1280xf32> to vector<20x1280xf32>
    %add3A_36 = arith.addf %get3A_29, %get3A_35 : vector<20x1280xf32>
    %swap3A_37 = arith.constant 0 : index
    %swap3A_38 = arith.constant 1920 : index
    %swap3A_39 = vector.load %arg4[%swap3A_37, %swap3A_38] : memref<20x16384xf32, #tpu.memory_space<vmem>>, vector<20x1280xf32>
    tpu.vector_store %arg4[%swap3A_37, %swap3A_38], %add3A_36 {strides = array<i32>} : memref<20x16384xf32, #tpu.memory_space<vmem>>, vector<20x1280xf32>,
    %get3A_40 = arith.constant 0 : index
    %get3A_41 = arith.constant 2944 : index
    %get3A_42 = vector.load %arg4[%get3A_40, %get3A_41] : memref<20x16384xf32, #tpu.memory_space<vmem>>, vector<20x1280xf32>
    %get3A_43 = arith.constant 0 : index
    %get3A_44 = arith.constant 3 : index
    %get3A_45 = arith.constant 0 : index
    %get3A_46 = arith.constant 0 : index
    %get3A_47 = vector.load %arg1[%get3A_43, %get3A_44, %get3A_45, %get3A_46] : memref<1x16x20x1280xf32, #tpu.memory_space<vmem>>, vector<1x1x20x1280xf32>
    %get3A_48 = vector.shape_cast %get3A_47 : vector<1x1x20x1280xf32> to vector<20x1280xf32>
    %add3A_49 = arith.addf %get3A_42, %get3A_48 : vector<20x1280xf32>
    %swap3A_50 = arith.constant 0 : index
    %swap3A_51 = arith.constant 2944 : index
    %swap3A_52 = vector.load %arg4[%swap3A_50, %swap3A_51] : memref<20x16384xf32, #tpu.memory_space<vmem>>, vector<20x1280xf32>
    tpu.vector_store %arg4[%swap3A_50, %swap3A_51], %add3A_49 {strides = array<i32>} : memref<20x16384xf32, #tpu.memory_space<vmem>>, vector<20x1280xf32>,
    %get3A_53 = arith.constant 0 : index
    %get3A_54 = arith.constant 3968 : index
    %get3A_55 = vector.load %arg4[%get3A_53, %get3A_54] : memref<20x16384xf32, #tpu.memory_space<vmem>>, vector<20x1280xf32>
    %get3A_56 = arith.constant 0 : index
    %get3A_57 = arith.constant 4 : index
    %get3A_58 = arith.constant 0 : index
    %get3A_59 = arith.constant 0 : index
    %get3A_60 = vector.load %arg1[%get3A_56, %get3A_57, %get3A_58, %get3A_59] : memref<1x16x20x1280xf32, #tpu.memory_space<vmem>>, vector<1x1x20x1280xf32>
    %get3A_61 = vector.shape_cast %get3A_60 : vector<1x1x20x1280xf32> to vector<20x1280xf32>
    %add3A_62 = arith.addf %get3A_55, %get3A_61 : vector<20x1280xf32>
    %swap3A_63 = arith.constant 0 : index
    %swap3A_64 = arith.constant 3968 : index
    %swap3A_65 = vector.load %arg4[%swap3A_63, %swap3A_64] : memref<20x16384xf32, #tpu.memory_space<vmem>>, vector<20x1280xf32>
    tpu.vector_store %arg4[%swap3A_63, %swap3A_64], %add3A_62 {strides = array<i32>} : memref<20x16384xf32, #tpu.memory_space<vmem>>, vector<20x1280xf32>,
    %get3A_66 = arith.constant 0 : index
    %get3A_67 = arith.constant 4992 : index
    %get3A_68 = vector.load %arg4[%get3A_66, %get3A_67] : memref<20x16384xf32, #tpu.memory_space<vmem>>, vector<20x1280xf32>
    %get3A_69 = arith.constant 0 : index
    %get3A_70 = arith.constant 5 : index
    %get3A_71 = arith.constant 0 : index
    %get3A_72 = arith.constant 0 : index
    %get3A_73 = vector.load %arg1[%get3A_69, %get3A_70, %get3A_71, %get3A_72] : memref<1x16x20x1280xf32, #tpu.memory_space<vmem>>, vector<1x1x20x1280xf32>
    %get3A_74 = vector.shape_cast %get3A_73 : vector<1x1x20x1280xf32> to vector<20x1280xf32>
    %add3A_75 = arith.addf %get3A_68, %get3A_74 : vector<20x1280xf32>
    %swap3A_76 = arith.constant 0 : index
    %swap3A_77 = arith.constant 4992 : index
    %swap3A_78 = vector.load %arg4[%swap3A_76, %swap3A_77] : memref<20x16384xf32, #tpu.memory_space<vmem>>, vector<20x1280xf32>
    tpu.vector_store %arg4[%swap3A_76, %swap3A_77], %add3A_75 {strides = array<i32>} : memref<20x16384xf32, #tpu.memory_space<vmem>>, vector<20x1280xf32>,
    %get3A_79 = arith.constant 0 : index
    %get3A_80 = arith.constant 6016 : index
    %get3A_81 = vector.load %arg4[%get3A_79, %get3A_80] : memref<20x16384xf32, #tpu.memory_space<vmem>>, vector<20x1280xf32>
    %get3A_82 = arith.constant 0 : index
    %get3A_83 = arith.constant 6 : index
    %get3A_84 = arith.constant 0 : index
    %get3A_85 = arith.constant 0 : index
    %get3A_86 = vector.load %arg1[%get3A_82, %get3A_83, %get3A_84, %get3A_85] : memref<1x16x20x1280xf32, #tpu.memory_space<vmem>>, vector<1x1x20x1280xf32>
    %get3A_87 = vector.shape_cast %get3A_86 : vector<1x1x20x1280xf32> to vector<20x1280xf32>
    %add3A_88 = arith.addf %get3A_81, %get3A_87 : vector<20x1280xf32>
    %swap3A_89 = arith.constant 0 : index
    %swap3A_90 = arith.constant 6016 : index
    %swap3A_91 = vector.load %arg4[%swap3A_89, %swap3A_90] : memref<20x16384xf32, #tpu.memory_space<vmem>>, vector<20x1280xf32>
    tpu.vector_store %arg4[%swap3A_89, %swap3A_90], %add3A_88 {strides = array<i32>} : memref<20x16384xf32, #tpu.memory_space<vmem>>, vector<20x1280xf32>,
    %get3A_92 = arith.constant 0 : index
    %get3A_93 = arith.constant 7040 : index
    %get3A_94 = vector.load %arg4[%get3A_92, %get3A_93] : memref<20x16384xf32, #tpu.memory_space<vmem>>, vector<20x1280xf32>
    %get3A_95 = arith.constant 0 : index
    %get3A_96 = arith.constant 7 : index
    %get3A_97 = arith.constant 0 : index
    %get3A_98 = arith.constant 0 : index
    %get3A_99 = vector.load %arg1[%get3A_95, %get3A_96, %get3A_97, %get3A_98] : memref<1x16x20x1280xf32, #tpu.memory_space<vmem>>, vector<1x1x20x1280xf32>
    %get3A_100 = vector.shape_cast %get3A_99 : vector<1x1x20x1280xf32> to vector<20x1280xf32>
    %add3A_101 = arith.addf %get3A_94, %get3A_100 : vector<20x1280xf32>
    %swap3A_102 = arith.constant 0 : index
    %swap3A_103 = arith.constant 7040 : index
    %swap3A_104 = vector.load %arg4[%swap3A_102, %swap3A_103] : memref<20x16384xf32, #tpu.memory_space<vmem>>, vector<20x1280xf32>
    tpu.vector_store %arg4[%swap3A_102, %swap3A_103], %add3A_101 {strides = array<i32>} : memref<20x16384xf32, #tpu.memory_space<vmem>>, vector<20x1280xf32>,
    %get3A_105 = arith.constant 0 : index
    %get3A_106 = arith.constant 8064 : index
    %get3A_107 = vector.load %arg4[%get3A_105, %get3A_106] : memref<20x16384xf32, #tpu.memory_space<vmem>>, vector<20x1280xf32>
    %get3A_108 = arith.constant 0 : index
    %get3A_109 = arith.constant 8 : index
    %get3A_110 = arith.constant 0 : index
    %get3A_111 = arith.constant 0 : index
    %get3A_112 = vector.load %arg1[%get3A_108, %get3A_109, %get3A_110, %get3A_111] : memref<1x16x20x1280xf32, #tpu.memory_space<vmem>>, vector<1x1x20x1280xf32>
    %get3A_113 = vector.shape_cast %get3A_112 : vector<1x1x20x1280xf32> to vector<20x1280xf32>
    %add3A_114 = arith.addf %get3A_107, %get3A_113 : vector<20x1280xf32>
    %swap3A_115 = arith.constant 0 : index
    %swap3A_116 = arith.constant 8064 : index
    %swap3A_117 = vector.load %arg4[%swap3A_115, %swap3A_116] : memref<20x16384xf32, #tpu.memory_space<vmem>>, vector<20x1280xf32>
    tpu.vector_store %arg4[%swap3A_115, %swap3A_116], %add3A_114 {strides = array<i32>} : memref<20x16384xf32, #tpu.memory_space<vmem>>, vector<20x1280xf32>,
    %get3A_118 = arith.constant 0 : index
    %get3A_119 = arith.constant 9088 : index
    %get3A_120 = vector.load %arg4[%get3A_118, %get3A_119] : memref<20x16384xf32, #tpu.memory_space<vmem>>, vector<20x1280xf32>
    %get3A_121 = arith.constant 0 : index
    %get3A_122 = arith.constant 9 : index
    %get3A_123 = arith.constant 0 : index
    %get3A_124 = arith.constant 0 : index
    %get3A_125 = vector.load %arg1[%get3A_121, %get3A_122, %get3A_123, %get3A_124] : memref<1x16x20x1280xf32, #tpu.memory_space<vmem>>, vector<1x1x20x1280xf32>
    %get3A_126 = vector.shape_cast %get3A_125 : vector<1x1x20x1280xf32> to vector<20x1280xf32>
    %add3A_127 = arith.addf %get3A_120, %get3A_126 : vector<20x1280xf32>
    %swap3A_128 = arith.constant 0 : index
    %swap3A_129 = arith.constant 9088 : index
    %swap3A_130 = vector.load %arg4[%swap3A_128, %swap3A_129] : memref<20x16384xf32, #tpu.memory_space<vmem>>, vector<20x1280xf32>
    tpu.vector_store %arg4[%swap3A_128, %swap3A_129], %add3A_127 {strides = array<i32>} : memref<20x16384xf32, #tpu.memory_space<vmem>>, vector<20x1280xf32>,
    %get3A_131 = arith.constant 0 : index
    %get3A_132 = arith.constant 10112 : index
    %get3A_133 = vector.load %arg4[%get3A_131, %get3A_132] : memref<20x16384xf32, #tpu.memory_space<vmem>>, vector<20x1280xf32>
    %get3A_134 = arith.constant 0 : index
    %get3A_135 = arith.constant 10 : index
    %get3A_136 = arith.constant 0 : index
    %get3A_137 = arith.constant 0 : index
    %get3A_138 = vector.load %arg1[%get3A_134, %get3A_135, %get3A_136, %get3A_137] : memref<1x16x20x1280xf32, #tpu.memory_space<vmem>>, vector<1x1x20x1280xf32>
    %get3A_139 = vector.shape_cast %get3A_138 : vector<1x1x20x1280xf32> to vector<20x1280xf32>
    %add3A_140 = arith.addf %get3A_133, %get3A_139 : vector<20x1280xf32>
    %swap3A_141 = arith.constant 0 : index
    %swap3A_142 = arith.constant 10112 : index
    %swap3A_143 = vector.load %arg4[%swap3A_141, %swap3A_142] : memref<20x16384xf32, #tpu.memory_space<vmem>>, vector<20x1280xf32>
    tpu.vector_store %arg4[%swap3A_141, %swap3A_142], %add3A_140 {strides = array<i32>} : memref<20x16384xf32, #tpu.memory_space<vmem>>, vector<20x1280xf32>,
    %get3A_144 = arith.constant 0 : index
    %get3A_145 = arith.constant 11136 : index
    %get3A_146 = vector.load %arg4[%get3A_144, %get3A_145] : memref<20x16384xf32, #tpu.memory_space<vmem>>, vector<20x1280xf32>
    %get3A_147 = arith.constant 0 : index
    %get3A_148 = arith.constant 11 : index
    %get3A_149 = arith.constant 0 : index
    %get3A_150 = arith.constant 0 : index
    %get3A_151 = vector.load %arg1[%get3A_147, %get3A_148, %get3A_149, %get3A_150] : memref<1x16x20x1280xf32, #tpu.memory_space<vmem>>, vector<1x1x20x1280xf32>
    %get3A_152 = vector.shape_cast %get3A_151 : vector<1x1x20x1280xf32> to vector<20x1280xf32>
    %add3A_153 = arith.addf %get3A_146, %get3A_152 : vector<20x1280xf32>
    %swap3A_154 = arith.constant 0 : index
    %swap3A_155 = arith.constant 11136 : index
    %swap3A_156 = vector.load %arg4[%swap3A_154, %swap3A_155] : memref<20x16384xf32, #tpu.memory_space<vmem>>, vector<20x1280xf32>
    tpu.vector_store %arg4[%swap3A_154, %swap3A_155], %add3A_153 {strides = array<i32>} : memref<20x16384xf32, #tpu.memory_space<vmem>>, vector<20x1280xf32>,
    %get3A_157 = arith.constant 0 : index
    %get3A_158 = arith.constant 12160 : index
    %get3A_159 = vector.load %arg4[%get3A_157, %get3A_158] : memref<20x16384xf32, #tpu.memory_space<vmem>>, vector<20x1280xf32>
    %get3A_160 = arith.constant 0 : index
    %get3A_161 = arith.constant 12 : index
    %get3A_162 = arith.constant 0 : index
    %get3A_163 = arith.constant 0 : index
    %get3A_164 = vector.load %arg1[%get3A_160, %get3A_161, %get3A_162, %get3A_163] : memref<1x16x20x1280xf32, #tpu.memory_space<vmem>>, vector<1x1x20x1280xf32>
    %get3A_165 = vector.shape_cast %get3A_164 : vector<1x1x20x1280xf32> to vector<20x1280xf32>
    %add3A_166 = arith.addf %get3A_159, %get3A_165 : vector<20x1280xf32>
    %swap3A_167 = arith.constant 0 : index
    %swap3A_168 = arith.constant 12160 : index
    %swap3A_169 = vector.load %arg4[%swap3A_167, %swap3A_168] : memref<20x16384xf32, #tpu.memory_space<vmem>>, vector<20x1280xf32>
    tpu.vector_store %arg4[%swap3A_167, %swap3A_168], %add3A_166 {strides = array<i32>} : memref<20x16384xf32, #tpu.memory_space<vmem>>, vector<20x1280xf32>,
    %get3A_170 = arith.constant 0 : index
    %get3A_171 = arith.constant 13184 : index
    %get3A_172 = vector.load %arg4[%get3A_170, %get3A_171] : memref<20x16384xf32, #tpu.memory_space<vmem>>, vector<20x1280xf32>
    %get3A_173 = arith.constant 0 : index
    %get3A_174 = arith.constant 13 : index
    %get3A_175 = arith.constant 0 : index
    %get3A_176 = arith.constant 0 : index
    %get3A_177 = vector.load %arg1[%get3A_173, %get3A_174, %get3A_175, %get3A_176] : memref<1x16x20x1280xf32, #tpu.memory_space<vmem>>, vector<1x1x20x1280xf32>
    %get3A_178 = vector.shape_cast %get3A_177 : vector<1x1x20x1280xf32> to vector<20x1280xf32>
    %add3A_179 = arith.addf %get3A_172, %get3A_178 : vector<20x1280xf32>
    %swap3A_180 = arith.constant 0 : index
    %swap3A_181 = arith.constant 13184 : index
    %swap3A_182 = vector.load %arg4[%swap3A_180, %swap3A_181] : memref<20x16384xf32, #tpu.memory_space<vmem>>, vector<20x1280xf32>
    tpu.vector_store %arg4[%swap3A_180, %swap3A_181], %add3A_179 {strides = array<i32>} : memref<20x16384xf32, #tpu.memory_space<vmem>>, vector<20x1280xf32>,
    %get3A_183 = arith.constant 0 : index
    %get3A_184 = arith.constant 14208 : index
    %get3A_185 = vector.load %arg4[%get3A_183, %get3A_184] : memref<20x16384xf32, #tpu.memory_space<vmem>>, vector<20x1280xf32>
    %get3A_186 = arith.constant 0 : index
    %get3A_187 = arith.constant 14 : index
    %get3A_188 = arith.constant 0 : index
    %get3A_189 = arith.constant 0 : index
    %get3A_190 = vector.load %arg1[%get3A_186, %get3A_187, %get3A_188, %get3A_189] : memref<1x16x20x1280xf32, #tpu.memory_space<vmem>>, vector<1x1x20x1280xf32>
    %get3A_191 = vector.shape_cast %get3A_190 : vector<1x1x20x1280xf32> to vector<20x1280xf32>
    %add3A_192 = arith.addf %get3A_185, %get3A_191 : vector<20x1280xf32>
    %swap3A_193 = arith.constant 0 : index
    %swap3A_194 = arith.constant 14208 : index
    %swap3A_195 = vector.load %arg4[%swap3A_193, %swap3A_194] : memref<20x16384xf32, #tpu.memory_space<vmem>>, vector<20x1280xf32>
    tpu.vector_store %arg4[%swap3A_193, %swap3A_194], %add3A_192 {strides = array<i32>} : memref<20x16384xf32, #tpu.memory_space<vmem>>, vector<20x1280xf32>,
    %get3A_196 = arith.constant 0 : index
    %get3A_197 = arith.constant 15232 : index
    %get3A_198 = vector.load %arg4[%get3A_196, %get3A_197] : memref<20x16384xf32, #tpu.memory_space<vmem>>, vector<20x1152xf32>
    %get3A_199 = arith.constant 0 : index
    %get3A_200 = arith.constant 15 : index
    %get3A_201 = arith.constant 0 : index
    %get3A_202 = arith.constant 0 : index
    %get3A_203 = vector.load %arg1[%get3A_199, %get3A_200, %get3A_201, %get3A_202] : memref<1x16x20x1280xf32, #tpu.memory_space<vmem>>, vector<1x1x20x1280xf32>
    %get3A_204 = vector.shape_cast %get3A_203 : vector<1x1x20x1280xf32> to vector<20x1280xf32>
    %slice3A_205 = vector.extract_strided_slice %get3A_204 {offsets = [0, 0], sizes = [20, 1152], strides = [1, 1]} : vector<20x1280xf32> to vector<20x1152xf32>
    %add3A_206 = arith.addf %get3A_198, %slice3A_205 : vector<20x1152xf32>
    %swap3A_207 = arith.constant 0 : index
    %swap3A_208 = arith.constant 15232 : index
    %swap3A_209 = vector.load %arg4[%swap3A_207, %swap3A_208] : memref<20x16384xf32, #tpu.memory_space<vmem>>, vector<20x1152xf32>
    tpu.vector_store %arg4[%swap3A_207, %swap3A_208], %add3A_206 {strides = array<i32>} : memref<20x16384xf32, #tpu.memory_space<vmem>>, vector<20x1152xf32>,
    %get3A_210 = arith.constant 0 : index
    %get3A_211 = arith.constant 0 : index
    %get3A_212 = vector.load %arg4[%get3A_210, %get3A_211] : memref<20x16384xf32, #tpu.memory_space<vmem>>, vector<19x16384xf32>
    %reduce_sum3A = arith.constant dense<0.000000e+00> : vector<19xf32>
    %reduce_sum3A_213 = vector.multi_reduction <add>, %get3A_212, %reduce_sum3A [1] : vector<19x16384xf32> to vector<19xf32>
    %get3A_214 = arith.constant 0 : index
    %get3A_215 = arith.constant 0 : index
    %get3A_216 = arith.constant 0 : index
    %get3A_217 = vector.load %arg2[%get3A_214, %get3A_215, %get3A_216] : memref<1x96x16384xf32, #tpu.memory_space<vmem>>, vector<1x96x16384xf32>
    %get3A_218 = vector.shape_cast %get3A_217 : vector<1x96x16384xf32> to vector<96x16384xf32>
    %dot_general3A = arith.constant dense<0.000000e+00> : vector<19x96xf32>
    %dot_general3A_219 = tpu.matmul %get3A_212, %get3A_218, %dot_general3A {dimension_numbers = #tpu.dot_dimension_numbers<[1], [1], [0], [0], [0, 0, 1, 0], [], []>, transpose_lhs_hint = false} : vector<19x16384xf32>, vector<96x16384xf32>, vector<19x96xf32> -> vector<19x96xf32>
    %add3A_220 = arith.constant 9.99999997E-7 : f32
    %add3A_221 = vector.broadcast %add3A_220 : f32 to vector<19xf32>
    %add3A_222 = arith.addf %reduce_sum3A_213, %add3A_221 : vector<19xf32>
    %broadcast_in_dim3A_223 = vector.shape_cast %add3A_222 : vector<19xf32> to vector<19x1xf32>
    %div3A = vector.broadcast %broadcast_in_dim3A_223 : vector<19x1xf32> to vector<19x96xf32>
    %div3A_224 = arith.divf %dot_general3A_219, %div3A : vector<19x96xf32>
    %mul3A = arith.constant 5.000000e-01 : f32
    %mul3A_225 = vector.broadcast %mul3A : f32 to vector<19x96xf32>
    %mul3A_226 = arith.mulf %div3A_224, %mul3A_225 : vector<19x96xf32>
    %eq3A = arith.constant 0 : i32
    %eq3A_227 = arith.cmpi eq, %arg0, %eq3A : i32
    %convert_element_type3A = arith.extui %eq3A_227 : i1 to i32
    %cond3A = arith.constant 0 : i32
    %cond3A_228 = arith.cmpi ne, %convert_element_type3A, %cond3A : i32
    scf.if %cond3A_228 {
      %swap3A_233 = arith.constant 0 : index
      %swap3A_234 = arith.constant 0 : index
      %swap3A_235 = vector.load %arg3[%swap3A_233, %swap3A_234] : memref<19x96xf32, #tpu.memory_space<vmem>>, vector<19x96xf32>
      tpu.vector_store %arg3[%swap3A_233, %swap3A_234], %mul3A_226 {strides = array<i32>} : memref<19x96xf32, #tpu.memory_space<vmem>>, vector<19x96xf32>,
    } else {
    }
    %ne3A = arith.constant 0 : i32
    %ne3A_229 = arith.cmpi ne, %arg0, %ne3A : i32
    %convert_element_type3A_230 = arith.extui %ne3A_229 : i1 to i32
    %cond3A_231 = arith.constant 0 : i32
    %cond3A_232 = arith.cmpi ne, %convert_element_type3A_230, %cond3A_231 : i32
    scf.if %cond3A_232 {
      %get3A_233 = arith.constant 0 : index
      %get3A_234 = arith.constant 0 : index
      %get3A_235 = vector.load %arg3[%get3A_233, %get3A_234] : memref<19x96xf32, #tpu.memory_space<vmem>>, vector<19x96xf32>
      %add3A_236 = arith.addf %get3A_235, %mul3A_226 : vector<19x96xf32>
      %swap3A_237 = arith.constant 0 : index
      %swap3A_238 = arith.constant 0 : index
      %swap3A_239 = vector.load %arg3[%swap3A_237, %swap3A_238] : memref<19x96xf32, #tpu.memory_space<vmem>>, vector<19x96xf32>
      tpu.vector_store %arg3[%swap3A_237, %swap3A_238], %add3A_236 {strides = array<i32>} : memref<19x96xf32, #tpu.memory_space<vmem>>, vector<19x96xf32>,
    } else {
    }
    return
  }
  func.func @transform_0(%arg0: i32) -> (i32, i32, i32, i32) {
    %c0_i32 = arith.constant 0 : i32
    %c0_i32_0 = arith.constant 0 : i32
    %c0_i32_1 = arith.constant 0 : i32
    %c0_i32_2 = arith.constant 0 : i32
    return %arg0, %c0_i32, %c0_i32_0, %c0_i32_1 : i32, i32, i32, i32
  }
  func.func @transform_1(%arg0: i32) -> (i32, i32, i32) {
    %c0_i32 = arith.constant 0 : i32
    %c0_i32_0 = arith.constant 0 : i32
    %c0_i32_1 = arith.constant 0 : i32
    return %arg0, %c0_i32, %c0_i32_0 : i32, i32, i32
  }
  func.func @transform_2(%arg0: i32) -> (i32, i32) {
    %c0_i32 = arith.constant 0 : i32
    %c0_i32_0 = arith.constant 0 : i32
    %c0_i32_1 = arith.constant 0 : i32
    return %c0_i32, %c0_i32_0 : i32, i32
  }
}

</mosaic_0001>

<sc_bundles>
// kernel: kernel.5.cloned.1.call-start
scs
__scs_entry_jumppad:
0x0: {  	(pc) =	sbr.rel $0x88, $3  }
0x1: {  	(tag) =	ssettag $0x0;
	lr =	simm.s32 $0x1  }
0x2: {  	[smem:$0x3F9E] =	sst lr;
	_ =	strace $0xD0000000  }
0x3: {  	_ = 	snop  }
0x4: {  	_ = 	snop  }
0x5: {  	_ = 	snop  }
0x6: {  	_ = 	snop  }
0x7: {  	_ = 	snop  }
__scs_overlays_trampoline_lowered:
0x8: {  	[smem:$0x3FAD] =	sst s0  }
0x9: {  	[smem:$0x3FAE] =	sst s1  }
0xa: {  	[smem:$0x3FAF] =	sst s2  }
0xb: {  	[smem:$0x3FB0] =	sst s3  }
0xc: {  	[smem:$0x3FB1] =	sst s4  }
0xd: {  	[smem:$0x3FB2] =	sst s5  }
0xe: {  	[smem:$0x3FB3] =	sst s6  }
0xf: {  	[smem:$0x3FB4] =	sst s7  }
0x10: {  	[smem:$0x3FB5] =	sst s8  }
0x11: {  	[smem:$0x3FB6] =	sst s9;
	s0 =	simm.s32 @!p0 $0x0  }
0x12: {  	s1 =	sld [smem:$0x3F9C];
	s0 =	simm.s32 @p0 $0x1  }
0x13: {  	[smem:$0x3FB7] =	sst s0;
	s0 =	simm.s32 @!p1 $0x0  }
0x14: {  	s2 =	sld [smem:$0x3F9B];
	s0 =	simm.s32 @p1 $0x1  }
0x15: {  	[smem:$0x3FB8] =	sst s0;
	s0 =	simm.s32 @!p2 $0x0  }
0x16: {  	s3 =	sld [smem:$0x3FDB];
	s0 =	simm.s32 @p2 $0x1  }
0x17: {  	s4 =	simm.s32 $0x1BF5;
	[smem:$0x3FBA] =	sst s0  }
0x18: {  	s0 =	sld [smem:$0x3F9D];
	_ =	swait.ge [sflag:s4], $0x0  }
0x19: {  	s7 =	sld [smem:$0x3F9E]  }
0x1a: {  	s8 =	sadd.s32 $0xFFFFE003, lr  }
0x1b: {  	s9 =	sadd.s32 $0xFFFFFEF7, lr;
	s5 =	simm.s32 $0xFFFFFFFF;
	p2 =	slt.u32 s8, $0xFFFFF086  }
0x1c: {  	p1 =	slt.u32 s9, $0xF7A;
	s5 =	simm.s32 @!p2 $0x0  }
0x1d: {  	s5 =	simm.s32 @p1 $0x1;
	p0 =	seq.s32 s7, s2  }
0x1e: {  	s7 =	smul.u32 @!p0 $0xF7A, s2;
	p2 =	seq.s32 @!p0 s5, $0x0  }
0x1f: {  	s9 =	smul.u32 $0xF7A, s1;
	s8 =	simm.s32 @!p0 $0x1BF5;
	p2 =	por !p2, p0  }
0x20: {  	[sflag:s8] =	ssyncset.s32 @!p0 $0xFFFFF086;
	s6 =	sadd.s32 @!p0 s3, s7;
	s7 =	simm.s32 @!p0 $0x108  }
0x21: {  	s3 =	sadd.s32 s3, s9;
	s6 =	sadd.s32 @!p0 $0x88, s6;
	s7 =	simm.s32 @p2 $0x1082  }
0x22: {  	[simem:s7], [sflag:s8] =	dma.local @!p0 [hbm:s6], $0xF7A  }
0x23: {  	s9 =	sor.u32 $0xD0000000, s2;
	s6 =	simm.s32 $0x108;
	_ =	swait.ge @!p0 [sflag:s8], $0x0  }
0x24: {  	s3 =	sadd.s32 $0x88, s3;
	s6 =	simm.s32 @!p1 $0x1082;
	[sflag:s4] =	ssyncset.s32 $0xFFFFF086  }
0x25: {  	[simem:s6], [sflag:s4] =	dma.local [hbm:s3], $0xF7A  }
0x26: {  	[smem:$0x3F9E] =	sst s1;
	(tag) =	ssettag s2;
	_ =	strace s9  }
0x27: {  	s1 =	sld [smem:$0x3FAE]  }
0x28: {  	s2 =	sld [smem:$0x3FAF]  }
0x29: {  	s4 =	sld [smem:$0x3FB1]  }
0x2a: {  	p0 =	seq.s32 s5, $0x0;
	s5 =	sld [smem:$0x3FB2]  }
0x2b: {  	s6 =	sld [smem:$0x3FB3]  }
0x2c: {  	s7 =	sld [smem:$0x3FB4]  }
0x2d: {  	s3 =	simm.s32 $0x108;
	s8 =	sld [smem:$0x3FB5]  }
0x2e: {  	s3 =	simm.s32 @!p0 $0x1082;
	s9 =	sld [smem:$0x3FB6]  }
0x2f: {  	lr =	sadd.s32 s0, s3;
	s0 =	sld [smem:$0x3FAD]  }
0x30: {  	s3 =	sld [smem:$0x3FB0]  }
0x31: {  	[smem:$0x3FB9] =	sst s10  }
0x32: {  	s10 =	sld [smem:$0x3FB7];
	_ =	sdelay $0x3  }
0x33: {  	p0 =	seq.s32 s10, $0x1;
	s10 =	sld [smem:$0x3FB9];
	_ =	sdelay $0x3  }
0x34: {  	[smem:$0x3FB9] =	sst s10  }
0x35: {  	s10 =	sld [smem:$0x3FB8];
	_ =	sdelay $0x3  }
0x36: {  	p1 =	seq.s32 s10, $0x1;
	s10 =	sld [smem:$0x3FB9];
	_ =	sdelay $0x3  }
0x37: {  	[smem:$0x3FB9] =	sst s10  }
0x38: {  	s10 =	sld [smem:$0x3FBA]  }
0x39: {  	_ = 	snop;
	(pc) =	sbr.ind lr, $3  }
0x3a: {  	_ = 	snop  }
0x3b: {  	_ = 	snop  }
0x3c: {  	p2 =	seq.s32 s10, $0x1;
	s10 =	sld [smem:$0x3FB9]  }
0x3d: {  	_ =	shalt  }
0x3e: {  	_ =	shalt  }
0x3f: {  	_ =	shalt  }
0x40: {  	_ =	shalt  }
0x41: {  	_ =	shalt  }
0x42: {  	_ =	shalt  }
0x43: {  	_ =	shalt  }
0x44: {  	_ =	shalt  }
0x45: {  	_ =	shalt  }
0x46: {  	_ =	shalt  }
0x47: {  	_ =	shalt  }
0x48: {  	_ =	shalt  }
0x49: {  	_ =	shalt  }
0x4a: {  	_ =	shalt  }
0x4b: {  	_ =	shalt  }
0x4c: {  	_ =	shalt  }
0x4d: {  	_ =	shalt  }
0x4e: {  	_ =	shalt  }
0x4f: {  	_ =	shalt  }
0x50: {  	_ =	shalt  }
0x51: {  	_ =	shalt  }
0x52: {  	_ =	shalt  }
0x53: {  	_ =	shalt  }
0x54: {  	_ =	shalt  }
0x55: {  	_ =	shalt  }
0x56: {  	_ =	shalt  }
0x57: {  	_ =	shalt  }
0x58: {  	_ =	shalt  }
0x59: {  	_ =	shalt  }
0x5a: {  	_ =	shalt  }
0x5b: {  	_ =	shalt  }
0x5c: {  	_ =	shalt  }
0x5d: {  	_ =	shalt  }
0x5e: {  	_ =	shalt  }
0x5f: {  	_ =	shalt  }
0x60: {  	_ =	shalt  }
0x61: {  	_ =	shalt  }
0x62: {  	_ =	shalt  }
0x63: {  	_ =	shalt  }
0x64: {  	_ =	shalt  }
0x65: {  	_ =	shalt  }
0x66: {  	_ =	shalt  }
0x67: {  	_ =	shalt  }
0x68: {  	_ =	shalt  }
0x69: {  	_ =	shalt  }
0x6a: {  	_ =	shalt  }
0x6b: {  	_ =	shalt  }
0x6c: {  	_ =	shalt  }
0x6d: {  	_ =	shalt  }
0x6e: {  	_ =	shalt  }
0x6f: {  	_ =	shalt  }
0x70: {  	_ =	shalt  }
0x71: {  	_ =	shalt  }
0x72: {  	_ =	shalt  }
0x73: {  	_ =	shalt  }
0x74: {  	_ =	shalt  }
0x75: {  	_ =	shalt  }
0x76: {  	_ =	shalt  }
0x77: {  	_ =	shalt  }
0x78: {  	_ =	shalt  }
0x79: {  	_ =	shalt  }
0x7a: {  	_ =	shalt  }
0x7b: {  	_ =	shalt  }
0x7c: {  	_ =	shalt  }
0x7d: {  	_ =	shalt  }
0x7e: {  	_ =	shalt  }
0x7f: {  	_ =	shalt  }
0x80: {  	_ =	shalt  }
0x81: {  	_ =	shalt  }
0x82: {  	_ =	shalt  }
0x83: {  	_ =	shalt  }
0x84: {  	_ =	shalt  }
0x85: {  	_ =	shalt  }
0x86: {  	_ =	shalt  }
0x87: {  	_ =	shalt  }
.Lfunc_end0:
.L_simem_size_0:
called_computation_lowered:
.L_overlay_start_0:
0x88: {  	s2 =	sld [smem:$0x3FD9]  }
0x89: {  	s3 =	sld [smem:$0x3FFE];
	_ =	sdelay $0x1  }
0x8a: {  	s1 =	srdreg.scid  }
0x8b: {  	s0 =	sand.u32 $0x1, s1  }
0x8c: {  	s16 =	sshll.u32 s0, $0xA;
	s2 =	sadd.s32 s3, s2  }
0x8d: {  	s2 =	sadd.s32 s2, s16  }
0x8e: {  	[smem:$0x3FC5] =	sst s2  }
0x8f: {  	_ = 	snop  }
0x90: {  	(tm) =	ssettm $0x1  }
0x91: {  	s17 =	sld [smem:$0x3FFB];
	_ =	sdelay $0x3  }
0x92: {  	_ =	strace s17  }
0x93: {  	s2 =	sld [smem:$0x3FFC];
	_ =	sdelay $0x3  }
0x94: {  	_ =	strace s2  }
0x95: {  	s2 =	sld [smem:$0x3FFD];
	_ =	sdelay $0x3  }
0x96: {  	_ =	strace s2  }
0x97: {  	_ =	strace $0x8FFFFFFF  }
0x98: {  	s18 =	sld [smem:$0x3FDB];
	_ =	sdelay $0x1  }
0x99: {  	s19 =	simm.s32 $_scs_section_size  }
0x9a: {  	s4 =	simm.s32 $_size__tile_overlayer_lowered;
	s5 =	simm.s32 $_tile_overlayer_lowered  }
0x9b: {  	s22 =	simm.s32 $0x1BFF;
	s21 =	sshll.u32 s5, $0x1;
	s2 =	sadd.s32 s19, s18  }
0x9c: {  	s6 =	simm.s32 $0x0;
	s20 =	sshll.u32 s4, $0x1;
	s4 =	sadd.s32 s21, s2  }
0x9d: {  	[timem:s6], [sflag:s22] =	dma.local [hbm:s4], s20  }
0x9e: {  	_ =	swait.ge [sflag:s22], s20  }
0x9f: {  	s3 =	ssub.s32 $0x0, s20;
	[sflag:s22] =	ssyncset.done $0x0  }
0xa0: {  	[sflag:s22] =	ssyncadd.s32 s3;
	_ =	sdelay $0x1  }
0xa1: {  	s23 =	simm.s32 $0x1B8B  }
0xa2: {  	_ =	swait.ge [sflag:s23], $0x1  }
0xa3: {  	[sflag:s23] =	ssyncset.done $0x0  }
0xa4: {  	s25 =	simm.s32 $0x1B8E;
	s24 =	sld [smem:$0x3FFE];
	[sflag:s23] =	ssyncadd.s32 $0xFFFFFFFF  }
0xa5: {  	s26 =	simm.s32 $execute0_lowered;
	[smem:$0x3FD2] =	sst s25  }
0xa6: {  	s4 =	sshll.u32 s26, $0x1;
	_ =	strace $0x80000046;
	[dreg:$0x1] =	wrdreg $0xFFFFFFFF  }
0xa7: {  	s28 =	simm.s32 $_size_execute0_lowered;
	s2 =	sadd.s32 s2, s4;
	[dreg:$0x0] =	wrdreg $0x0  }
0xa8: {  	s4 =	sshll.u32 s28, $0x1;
	[dreg:$0x2] =	wrdreg s2  }
0xa9: {  	[dreg:$0x3] =	wrdreg s4  }
0xaa: {  	[dreg:$0x4] =	wrdreg $0xC0  }
0xab: {  	_ =	task [dreg:s6], $0x5FFFF  }
0xac: {  	[dreg:$0x1] =	wrdreg $0xFFFFFFFF  }
0xad: {  	[dreg:$0x0] =	wrdreg $0x60  }
0xae: {  	[dreg:$0x2] =	wrdreg s24  }
0xaf: {  	[dreg:$0x3] =	wrdreg $0x9  }
0xb0: {  	_ =	task.clear_ibuf [dreg:s6], $0x4FFFF;
	_ =	strace $0x90000046  }
0xb1: {  	s29 =	simm.s32 $0x9;
	_ =	strace $0x80000048  }
0xb2: {  	_ =	swait.ge [sflag:s29], $0x1  }
0xb3: {  	[sflag:s29] =	ssyncadd.s32 $0xFFFFFFFF  }
0xb4: {  	_ =	strace $0x90000048  }
0xb5: {  	_ =	sfence  }
0xb6: {  	s30 =	sld [smem:$0x0];
	_ =	sdelay $0x2  }
0xb7: {  	s31 =	sshll.u32 s1, $0xD;
	s1 =	sshrl.u32 s1, $0x2  }
0xb8: {  	s3 =	sand.u32 $0x4000, s31;
	s1 =	sadd.s32 s1, s30  }
0xb9: {  	s0 =	sor.u32 s3, s0;
	s1 =	sshll.u32 s1, $0x11  }
0xba: {  	s0 =	sor.u32 s1, s0  }
0xbb: {  	s0 =	sadd.s32 $0x8F2B, s0  }
0xbc: {  	[sflag:s0] =	ssyncadd.remote.s32 $0x1  }
0xbd: {  	_ =	sfence.sel $0xFFFF  }
0xbe: {  	[dreg:$0x0] =	wrdreg $0xFFFFFFFF;
	(pc) =	sbr.abs _section_cstart, $3  }
0xbf: {  	[dreg:$0x1] =	wrdreg $0xFFFFFFFF  }
0xc0: {  	_ =	task.clear_ibuf [dreg:s6], $0x2FFFF;
	_ =	strace $0x9FFFFFFF  }
0xc1: {  	(tm) =	ssettm $0x7FFFFFFF  }
tec
execute0_lowered:
.L_overlay_start_1:
0x0: {  	(tag) =	ssettag $0x1  }
0x1: {  	v0 =	vimm.s32 $0xEDCBA987;
	v24 =	vlaneseq.u32  }
0x2: {  	v1 =	vimm.s32 $0x65432100;
	v0 =	vunpack.c.l.s4.s8 v0;
	v18 =	vmul.u32 $0x4, v24  }
0x3: {  	v1 =	vunpack.c.l.s4.s8 v1  }
0x4: {  	v2 =	vunpack.c.0.s8.s32 v0;
	v0 =	vor.u32 $0x1, v18  }
0x5: {  	v1 =	vunpack.c.0.s8.s32 v1;
	[tilespmem:$0x1FD80] =	vst v0;
	v0 =	vor.u32 $0x2, v18  }
0x6: {  	v3 =	vand.u32 $0xF, v2;
	[tilespmem:$0x1FD90] =	vst v0;
	v0 =	vor.u32 $0x3, v18  }
0x7: {  	v29 =	vcombine.low v1, v3;
	[tilespmem:$0x1FDA0] =	vst v0;
	v1 =	vor.u32 $0x40, v18  }
0x8: {  	[tilespmem:$0x1FDB0] =	vst v1;
	v1 =	vor.u32 $0x41, v18  }
0x9: {  	[tilespmem:$0x1FDC0] =	vst v1;
	v1 =	vor.u32 $0x42, v18  }
0xa: {  	[tilespmem:$0x1FDD0] =	vst v1;
	v1 =	vor.u32 $0xC0, v18  }
0xb: {  	[tilespmem:$0x1FDE0] =	vst v1;
	v1 =	vor.u32 $0xC2, v18  }
0xc: {  	[tilespmem:$0x1FDF0] =	vst v1;
	v1 =	vor.u32 $0xC3, v18  }
0xd: {  	[tilespmem:$0x1FE00] =	vst v1;
	v1 =	vor.u32 $0x100, v18  }
0xe: {  	[tilespmem:$0x1FE10] =	vst v1;
	v1 =	vor.u32 $0x101, v18  }
0xf: {  	[tilespmem:$0x1FE20] =	vst v1;
	v1 =	vor.u32 $0x103, v18  }
0x10: {  	[tilespmem:$0x1FE30] =	vst v1;
	v1 =	vor.u32 $0x143, v18  }
0x11: {  	s3 =	rddreg [dreg:$0x0];
	s2 =	simm.s32 $0x0;
	[tilespmem:$0x1FE40] =	vst v1;
	v1 =	vor.u32 $0x180, v18  }
0x12: {  	[smem:$0x7FF] =	sst s2;
	v5 =	vor.u32 $0x181, v18;
	[tilespmem:$0x1FE50] =	vst v1  }
0x13: {  	s0 =	rddreg [dreg:$0x1];
	v10 =	vor.u32 $0x183, v18;
	_ =	strace $0x80000047;
	[tilespmem:$0x1FE60] =	vst v5  }
0x14: {  	[tilespmem:$0x1FE80] =	vst v10  }
0x15: {  	v4 =	vor.u32 $0x43, v18;
	[tilespmem:$0x1FE90] =	vst v18  }
0x16: {  	v8 =	vor.u32 $0x80, v18;
	[tilespmem:$0x1FEA0] =	vst v4  }
0x17: {  	v15 =	vor.u32 $0x81, v18;
	[tilespmem:$0x1FEB0] =	vst v8  }
0x18: {  	v17 =	vor.u32 $0x82, v18;
	[tilespmem:$0x1FEC0] =	vst v15  }
0x19: {  	v22 =	vor.u32 $0x83, v18;
	[tilespmem:$0x1FED0] =	vst v17  }
0x1a: {  	v54 =	vor.u32 $0xC1, v18;
	[tilespmem:$0x1FEE0] =	vst v22  }
0x1b: {  	vm0 =	vcmask $0x3F04;
	v47 =	vor.u32 $0x102, v18;
	[tilespmem:$0x1FEF0] =	vst v54  }
0x1c: {  	v9 =	vimm.f32 $2.343750000e-01;
	v11 =	vimm.f32 $4.687500000e-02;
	v33 =	vadd.s32 $0x4F, v24;
	[tilespmem:$0x1FF00] =	vst v47  }
0x1d: {  	v12 =	vimm.f32 $3.281250000e-01;
	v13 =	vimm.f32 $7.812500000e-02;
	v34 =	vadd.s32 $0x51, v24;
	[tilespmem:$0x1FF10] =	vst v33  }
0x1e: {  	v50 =	vimm.f32 $5.468750000e-01;
	v6 =	vimm.s32 $0x74737271;
	v35 =	vor.u32 $0x140, v18;
	[tilespmem:$0x1FF20] =	vst v34  }
0x1f: {  	v7 =	vimm.s32 $0x78777675;
	vm1 =	vcmask $0x1F10;
	v39 =	vor.u32 $0x141, v18;
	[tilespmem:$0x1FF30] =	vst v35  }
0x20: {  	v31 =	vadd.s32 $0x1, v24;
	v36 =	vadd.s32 $0xF, v24;
	v41 =	vor.u32 $0x142, v18;
	[tilespmem:$0x1FF40] =	vst v39  }
0x21: {  	v16 =	vor.u32 $0x10, v24;
	v38 =	vadd.s32 $0x11, v24;
	v32 =	vadd.s32 $0x5F, v24;
	[tilespmem:$0x1FF50] =	vst v41  }
0x22: {  	v43 =	vadd.s32 $0x1F, v24;
	v23 =	vor.u32 $0x20, v24;
	v20 =	vadd.s32 $0x61, v24;
	[tilespmem:$0x1FF60] =	vst v32  }
0x23: {  	s1 =	srdreg.scid;
	s9 =	simm.s32 $0x1;
	v45 =	vadd.s32 $0x21, v24;
	v14 =	vadd.s32 $0x2F, v24;
	v25 =	vadd.s32 $0x6F, v24;
	[tilespmem:$0x1FF70] =	vst v20  }
0x24: {  	s10 =	simm.s32 $0x4000;
	v30 =	vor.u32 $0x30, v24;
	v62 =	vadd.s32 $0x31, v24;
	v57 =	vadd.s32 $0x3F, v24;
	s4 =	sand.u32 $0x1, s1;
	s1 =	stileid.u32;
	[tilespmem:$0x1FF80] =	vst v25  }
0x25: {  	s11 =	simm.s32 $0x400;
	v37 =	vor.u32 $0x40, v24;
	v59 =	vadd.s32 $0x41, v24;
	s5 =	smul.u32 $0x64000, s4;
	s6 =	sshrl.u32 s1, $0x3;
	v26 =	vor.u32 $0x1C0, v18;
	[tilespmem:$0x1FF90] =	vst v14  }
0x26: {  	s12 =	simm.s32 $0x0;
	v44 =	vor.u32 $0x50, v24;
	v51 =	vor.u32 $0x60, v24;
	s7 =	sshll.u32 s1, $0x7;
	s6 =	smul.u32 $0x32000, s6;
	v27 =	vor.u32 $0x1C1, v18;
	[tilespmem:$0x1FFA0] =	vst v26  }
0x27: {  	v6 =	vunpack.c.0.s8.s32 v6;
	v7 =	vunpack.c.0.s8.s32 v7;
	s8 =	sshll.u32 s4, $0x4;
	s30 =	sshll.u32 s1, $0xC;
	s7 =	sand.u32 $0x380, s7;
	v5 =	vor.u32 $0x182, v18;
	[tilespmem:$0x1FFB0] =	vst v27  }
0x28: {  	s4 =	ssub.s32 $0x2, s4;
	s8 =	sadd.s32 s8, s3;
	v28 =	vor.u32 $0x1C2, v18;
	s5 =	sadd.s32 s5, s6;
	v1 =	vimm.s32 $0x7C7B7A79;
	[tilespmem:$0x1FE70] =	vst v5;
	v5 =	vimm.s32 $0x7F7F7E7D  }
0x29: {  	s31 =	sshrl.u32 s4, $0x1;
	v42 =	vor.u32 $0x1C3, v18;
	s6 =	sadd.s32 s30, s8;
	s5 =	sor.u32 s7, s5;
	v1 =	vunpack.c.0.s8.s32 v1;
	[tilespmem:$0x1FFC0] =	vst v28;
	v5 =	vunpack.c.0.s8.s32 v5  }
0x2a: {  	v58 =	vor.u32 $0x70, v24;
	v2 =	vimm.f32 $0.0e+00;
	s8 =	simm.s32 $0x100;
	v0 =	vimm.f32 $1.406250000e-01;
	s7 =	ssub.s32 s4, s31;
	s5 =	sshrl.u32 s5, $0x3;
	[tilespmem:$0x1FFD0] =	vst v42  }
0x2b: {  	v3 =	vimm.f32 $3.906250000e-01;
	s4 =	sshll.u32 s1, $0x3;
	s5 =	sadd.s32 s5, s3;
	s3 =	sadd.s32 $0x1200, s6;
	[tilespmem:$0x1FFE0] =	vst v43;
	v1 =	vsel vm1, v5, v1;
	v5 =	vsel vm1, v7, v6  }
0x2c: {  	s6 =	smax.u32 s7, $0x1;
	s7 =	simm.s32 $0x80;
	s5 =	sadd.s32 $0x11200, s5;
	[tilespmem:$0x1FFF0] =	vst v57;
	vm1 =	vcmask $0x3F3C;
	v6 =	vimm.f32 $1.093750000e-01;
	v52 =	vcombine.low v5, v1  }
.LBB2_1:
0x2d: {  	[tilespmem:s2], [sflag:$0x1] =	stream.strided.gather [hbm4b:s3+s7], $0x4000, s8, s7, $0x38;
	[tilespmem:$0xA400] =	vst v63  }
0x2e: {  	_ =	swait.ge [sflag:s9], $0x4000  }
0x2f: {  	[sflag:s9] =	ssyncset.done $0x0  }
0x30: {  	s13 =	simm.s32 $0x0;
	s14 =	simm.s32 $0x400;
	[sflag:s9] =	ssyncadd.s32 $0xFFFFC000  }
.LBB2_2:
0x31: {  	p0 =	sne.s32 s14, $0x18C00;
	[tilespmem:s13+$0x40F0] =	vst v2  }
0x32: {  	[tilespmem:s13+$0x4000] =	vst v2  }
0x33: {  	[tilespmem:s13+$0x4010] =	vst v2  }
0x34: {  	[tilespmem:s13+$0x4020] =	vst v2  }
0x35: {  	[tilespmem:s13+$0x4030] =	vst v2  }
0x36: {  	[tilespmem:s13+$0x4040] =	vst v2  }
0x37: {  	[tilespmem:s13+$0x4050] =	vst v2  }
0x38: {  	[tilespmem:s13+$0x4060] =	vst v2  }
0x39: {  	[tilespmem:s13+$0x4070] =	vst v2  }
0x3a: {  	[tilespmem:s13+$0x4080] =	vst v2  }
0x3b: {  	[tilespmem:s13+$0x4090] =	vst v2  }
.Ltmp0:
0x3c: {  	[tilespmem:s13+$0x40A0] =	vst v2;
	(pc) =	sbr.rel @p0 .LBB2_2-.Ltmp0, $4  }
0x3d: {  	[tilespmem:s13+$0x40B0] =	vst v2  }
0x3e: {  	[tilespmem:s13+$0x40C0] =	vst v2  }
0x3f: {  	[tilespmem:s13+$0x40D0] =	vst v2  }
0x40: {  	[tilespmem:s13+$0x40E0] =	vst v2;
	s13 =	sshra.s32 s14, $0x2;
	s14 =	sadd.s32 $0x400, s14  }
0x41: {  	[tilespmem:s13+$0x40F0] =	vst v2  }
0x42: {  	[tilespmem:s13+$0x4000] =	vst v2  }
0x43: {  	[tilespmem:s13+$0x4010] =	vst v2  }
0x44: {  	[tilespmem:s13+$0x4020] =	vst v2  }
0x45: {  	[tilespmem:s13+$0x4030] =	vst v2  }
0x46: {  	[tilespmem:s13+$0x4040] =	vst v2  }
0x47: {  	[tilespmem:s13+$0x4050] =	vst v2  }
0x48: {  	[tilespmem:s13+$0x4060] =	vst v2  }
0x49: {  	[tilespmem:s13+$0x4070] =	vst v2  }
0x4a: {  	[tilespmem:s13+$0x4080] =	vst v2  }
0x4b: {  	[tilespmem:s13+$0x4090] =	vst v2  }
0x4c: {  	[tilespmem:s13+$0x40A0] =	vst v2  }
0x4d: {  	[tilespmem:s13+$0x40B0] =	vst v2  }
0x4e: {  	[tilespmem:s13+$0x40C0] =	vst v2  }
0x4f: {  	[tilespmem:s13+$0x40D0] =	vst v2  }
0x50: {  	[tilespmem:s13+$0x40E0] =	vst v2;
	s13 =	simm.s32 $0xFFFFFFFC  }
0x51: {  	s14 =	simm.s32 $0x600;
	s15 =	simm.s32 $0x80;
	s16 =	smov.u32 s4  }
.LBB2_4:
0x52: {  	v61 =	vld [tilespmem:$0x1FE90];
	_ =	sdelay $0x3  }
0x53: {  	s17 =	sadd.s32 $0xFFFFFA00, s14  }
0x54: {  	v1 =	vor.u32 s17, v61  }
0x55: {  	v7 =	vld [tilespmem:$0x1FD80]  }
0x56: {  	v5 =	vld [tilespmem:$0x1FD90];
	_ =	sdelay $0x2  }
0x57: {  	v1 =	vld.idx.msk [tilespmem:v1+s2+$0x0], $0xffff  }
0x58: {  	v10 =	vor.u32 s17, v7  }
0x59: {  	v18 =	vor.u32 s17, v5;
	v5 =	vld [tilespmem:$0x1FDA0]  }
0x5a: {  	s18 =	smax.u32 s16, $0x1  }
0x5b: {  	s18 =	ssub.s32 s18, s4  }
0x5c: {  	s18 =	sshll.u32 s18, $0x7;
	v1 =	vmul.u32 $0x500, v1  }
0x5d: {  	v41 =	vor.u32 s18, v29;
	v10 =	vld.idx.msk [tilespmem:v10+s2+$0x0], $0xffff  }
0x5e: {  	v20 =	vor.u32 s17, v5;
	v19 =	vadd.s32 v41, v1  }
0x5f: {  	v56 =	vor.u32 s18, v24;
	v19 =	vand.u32 $0xFFFFFF80, v19  }
0x60: {  	v28 =	vld [tilespmem:$0x1FDD0];
	v7 =	vor.u32 s15, v29;
	v21 =	vadd.s32 v56, v1;
	v19 =	vor.u32 v29, v19  }
0x61: {  	v32 =	vld [tilespmem:$0x1FDC0];
	v53 =	vor.u32 s15, v24;
	v25 =	vadd.s32 v7, v1;
	v21 =	vand.u32 $0xFFFFFF80, v21  }
0x62: {  	v18 =	vld.idx.msk [tilespmem:v18+s2+$0x0], $0xffff;
	v10 =	vmul.u32 $0x500, v10;
	v25 =	vand.u32 $0xFFFFFF80, v25;
	v21 =	vor.u32 v24, v21  }
0x63: {  	v20 =	vld.idx.msk [tilespmem:v20+s2+$0x0], $0xffff;
	v1 =	vadd.s32 v53, v1;
	v25 =	vor.u32 v29, v25  }
0x64: {  	v33 =	vld [tilespmem:$0x1FDB0];
	[tilespmem:$0x1FC70] =	vst v7;
	v26 =	vadd.s32 v41, v10;
	v1 =	vand.u32 $0xFFFFFF80, v1  }
0x65: {  	v26 =	vand.u32 $0xFFFFFF80, v26;
	v1 =	vor.u32 v24, v1;
	[tilespmem:v19+s10+$0x0] =	vst.idx.add.f32.msk $0x1, v0  }
0x66: {  	v27 =	vadd.s32 v56, v10;
	[tilespmem:v19+s10+$0x0] =	vst.idx.add.f32.msk vm0, v0;
	v19 =	vor.u32 v29, v26  }
0x67: {  	v18 =	vmul.u32 $0x500, v18;
	[tilespmem:v21+s10+$0x0] =	vst.idx.add.f32.msk $0xffff, v9;
	v21 =	vand.u32 $0xFFFFFF80, v27;
	v27 =	vadd.s32 v7, v10  }
0x68: {  	v20 =	vmul.u32 $0x500, v20;
	[tilespmem:v25+s10+$0x0] =	vst.idx.add.f32.msk $0x1, v9;
	v21 =	vor.u32 v24, v21;
	v27 =	vand.u32 $0xFFFFFF80, v27  }
0x69: {  	v26 =	vor.u32 s18, v31;
	v10 =	vadd.s32 v53, v10;
	[tilespmem:v25+s10+$0x0] =	vst.idx.add.f32.msk vm0, v9;
	v25 =	vor.u32 v29, v27  }
0x6a: {  	v7 =	vor.u32 s15, v31;
	[tilespmem:v1+s10+$0x0] =	vst.idx.add.f32.msk $0xffff, v3;
	v1 =	vand.u32 $0xFFFFFF80, v10;
	v10 =	vadd.s32 v56, v18  }
0x6b: {  	v27 =	vadd.s32 v26, v18;
	[tilespmem:v19+s10+$0x0] =	vst.idx.add.f32.msk $0x1, v11;
	v1 =	vor.u32 v24, v1;
	v10 =	vand.u32 $0xFFFFFF80, v10  }
0x6c: {  	[tilespmem:v19+s10+$0x0] =	vst.idx.add.f32.msk vm0, v11;
	v10 =	vor.u32 v24, v10;
	v19 =	vand.u32 $0xFFFFFF80, v27;
	v27 =	vadd.s32 v53, v18  }
0x6d: {  	v18 =	vadd.s32 v7, v18;
	[tilespmem:v21+s10+$0x0] =	vst.idx.add.f32.msk $0xffff, v12;
	v19 =	vor.u32 v31, v19;
	v21 =	vand.u32 $0xFFFFFF80, v27  }
0x6e: {  	v18 =	vand.u32 $0xFFFFFF80, v18;
	v27 =	vadd.s32 v56, v20;
	[tilespmem:v25+s10+$0x0] =	vst.idx.add.f32.msk $0x1, v13;
	v21 =	vor.u32 v24, v21  }
0x6f: {  	v18 =	vor.u32 v31, v18;
	[tilespmem:v25+s10+$0x0] =	vst.idx.add.f32.msk vm0, v13;
	v25 =	vand.u32 $0xFFFFFF80, v27;
	v27 =	vadd.s32 v26, v20  }
0x70: {  	[tilespmem:v1+s10+$0x0] =	vst.idx.add.f32.msk $0xffff, v50;
	v1 =	vor.u32 v24, v25;
	v25 =	vand.u32 $0xFFFFFF80, v27;
	v27 =	vadd.s32 v53, v20  }
0x71: {  	v20 =	vadd.s32 v7, v20;
	[tilespmem:v10+s10+$0x0] =	vst.idx.add.f32.msk $0xffff, v12;
	v10 =	vor.u32 v31, v25;
	v25 =	vand.u32 $0xFFFFFF80, v27  }
0x72: {  	v20 =	vand.u32 $0xFFFFFF80, v20;
	[tilespmem:v19+s10+$0x0] =	vst.idx.add.f32.msk $0xffff, v11;
	v19 =	vor.u32 v24, v25  }
0x73: {  	v20 =	vor.u32 v31, v20;
	[tilespmem:v21+s10+$0x0] =	vst.idx.add.f32.msk $0xffff, v50  }
0x74: {  	[tilespmem:v18+s10+$0x0] =	vst.idx.add.f32.msk $0xffff, v13;
	v18 =	vor.u32 s17, v33  }
0x75: {  	[tilespmem:v1+s10+$0x0] =	vst.idx.add.f32.msk $0xffff, v9;
	v1 =	vor.u32 s17, v32  }
0x76: {  	[tilespmem:v10+s10+$0x0] =	vst.idx.add.f32.msk $0xffff, v0;
	v10 =	vor.u32 s17, v28  }
0x77: {  	[tilespmem:v19+s10+$0x0] =	vst.idx.add.f32.msk $0xffff, v3  }
0x78: {  	[tilespmem:v20+s10+$0x0] =	vst.idx.add.f32.msk $0xffff, v9  }
0x79: {  	v19 =	vor.u32 s17, v4;
	v18 =	vld.idx.msk [tilespmem:v18+s2+$0x0], $0xffff  }
0x7a: {  	v20 =	vld.idx.msk [tilespmem:v1+s2+$0x0], $0xffff  }
0x7b: {  	v10 =	vld.idx.msk [tilespmem:v10+s2+$0x0], $0xffff;
	_ =	sdelay $0x1  }
0x7c: {  	v47 =	vor.u32 s15, v16  }
0x7d: {  	v48 =	vor.u32 s18, v36;
	[tilespmem:$0x1FC80] =	vst v7;
	v7 =	vor.u32 s15, v38;
	v21 =	vld.idx.msk [tilespmem:v19+s2+$0x0], $0xffff;
	v18 =	vmul.u32 $0x500, v18  }
0x7e: {  	v4 =	vor.u32 s18, v38;
	v1 =	vor.u32 s18, v16;
	v19 =	vor.u32 s15, v36  }
0x7f: {  	v20 =	vmul.u32 $0x500, v20;
	v10 =	vmul.u32 $0x500, v10;
	v25 =	vadd.s32 v48, v18  }
0x80: {  	v27 =	vadd.s32 v1, v18;
	v28 =	vadd.s32 v19, v18;
	v25 =	vand.u32 $0xFFFFFF80, v25  }
0x81: {  	v18 =	vadd.s32 v47, v18;
	v27 =	vand.u32 $0xFFFFFF80, v27;
	v25 =	vor.u32 v36, v25  }
0x82: {  	v21 =	vmul.u32 $0x500, v21;
	v28 =	vand.u32 $0xFFFFFF80, v28;
	v27 =	vor.u32 v16, v27  }
0x83: {  	v18 =	vand.u32 $0xFFFFFF80, v18;
	v49 =	vadd.s32 v48, v20;
	v28 =	vor.u32 v36, v28  }
0x84: {  	v55 =	vadd.s32 v1, v20;
	v18 =	vor.u32 v16, v18;
	v32 =	vand.u32 $0xFFFFFF80, v49  }
0x85: {  	v34 =	vadd.s32 v19, v20;
	v33 =	vand.u32 $0xFFFFFF80, v55;
	v32 =	vor.u32 v36, v32  }
0x86: {  	v20 =	vadd.s32 v47, v20;
	v57 =	vand.u32 $0xFFFFFF80, v34;
	[tilespmem:v25+s10+$0x0] =	vst.idx.add.f32.msk $0xffff, v0;
	v25 =	vor.u32 v16, v33  }
0x87: {  	v20 =	vand.u32 $0xFFFFFF80, v20;
	v60 =	vadd.s32 v1, v10;
	[tilespmem:v27+s10+$0x0] =	vst.idx.add.f32.msk $0xffff, v9;
	v27 =	vor.u32 v36, v57  }
0x88: {  	v61 =	vadd.s32 v4, v10;
	v20 =	vor.u32 v16, v20;
	[tilespmem:v28+s10+$0x0] =	vst.idx.add.f32.msk $0xffff, v9;
	v28 =	vand.u32 $0xFFFFFF80, v60  }
0x89: {  	v63 =	vadd.s32 v47, v10;
	[tilespmem:v18+s10+$0x0] =	vst.idx.add.f32.msk $0xffff, v3;
	v18 =	vor.u32 v16, v28;
	v28 =	vand.u32 $0xFFFFFF80, v61  }
0x8a: {  	v10 =	vadd.s32 v7, v10;
	v39 =	vand.u32 $0xFFFFFF80, v63;
	[tilespmem:v32+s10+$0x0] =	vst.idx.add.f32.msk $0xffff, v11;
	v28 =	vor.u32 v38, v28  }
0x8b: {  	v10 =	vand.u32 $0xFFFFFF80, v10;
	v40 =	vadd.s32 v1, v21;
	[tilespmem:v25+s10+$0x0] =	vst.idx.add.f32.msk $0xffff, v12;
	v25 =	vor.u32 v16, v39  }
0x8c: {  	v42 =	vadd.s32 v4, v21;
	v10 =	vor.u32 v38, v10;
	[tilespmem:v27+s10+$0x0] =	vst.idx.add.f32.msk $0xffff, v13;
	v27 =	vand.u32 $0xFFFFFF80, v40  }
0x8d: {  	v49 =	vadd.s32 v47, v21;
	[tilespmem:v20+s10+$0x0] =	vst.idx.add.f32.msk $0xffff, v50;
	v20 =	vor.u32 v16, v27;
	v27 =	vand.u32 $0xFFFFFF80, v42  }
0x8e: {  	v21 =	vadd.s32 v7, v21;
	[tilespmem:v18+s10+$0x0] =	vst.idx.add.f32.msk $0xffff, v12;
	v18 =	vor.u32 v38, v27;
	v27 =	vand.u32 $0xFFFFFF80, v49  }
0x8f: {  	v21 =	vand.u32 $0xFFFFFF80, v21;
	[tilespmem:v28+s10+$0x0] =	vst.idx.add.f32.msk $0xffff, v11;
	v27 =	vor.u32 v16, v27  }
0x90: {  	v21 =	vor.u32 v38, v21;
	[tilespmem:v25+s10+$0x0] =	vst.idx.add.f32.msk $0xffff, v50  }
0x91: {  	[tilespmem:v10+s10+$0x0] =	vst.idx.add.f32.msk $0xffff, v13;
	v10 =	vor.u32 s17, v8  }
0x92: {  	v25 =	vor.u32 s17, v22;
	[tilespmem:v20+s10+$0x0] =	vst.idx.add.f32.msk $0xffff, v9  }
0x93: {  	v20 =	vor.u32 s17, v15;
	[tilespmem:v18+s10+$0x0] =	vst.idx.add.f32.msk $0xffff, v0  }
0x94: {  	v18 =	vor.u32 s17, v17;
	[tilespmem:v27+s10+$0x0] =	vst.idx.add.f32.msk $0xffff, v3  }
0x95: {  	[tilespmem:v21+s10+$0x0] =	vst.idx.add.f32.msk $0xffff, v9  }
0x96: {  	v10 =	vld.idx.msk [tilespmem:v10+s2+$0x0], $0xffff  }
0x97: {  	v27 =	vld.idx.msk [tilespmem:v25+s2+$0x0], $0xffff  }
0x98: {  	v20 =	vld.idx.msk [tilespmem:v20+s2+$0x0], $0xffff  }
0x99: {  	v18 =	vld.idx.msk [tilespmem:v18+s2+$0x0], $0xffff;
	_ =	sdelay $0x2  }
0x9a: {  	[tilespmem:$0x1FC00] =	vst v4;
	v4 =	vor.u32 s18, v45;
	v42 =	vor.u32 s15, v23;
	v49 =	vor.u32 s18, v43  }
0x9b: {  	v8 =	vor.u32 s15, v43;
	v25 =	vor.u32 s18, v23;
	v10 =	vmul.u32 $0x500, v10  }
0x9c: {  	v27 =	vmul.u32 $0x500, v27;
	v20 =	vmul.u32 $0x500, v20;
	v18 =	vmul.u32 $0x500, v18  }
0x9d: {  	v28 =	vadd.s32 v49, v10;
	v55 =	vadd.s32 v25, v10;
	v57 =	vadd.s32 v8, v10  }
0x9e: {  	v10 =	vadd.s32 v42, v10;
	v28 =	vand.u32 $0xFFFFFF80, v28;
	v32 =	vand.u32 $0xFFFFFF80, v55  }
0x9f: {  	v33 =	vand.u32 $0xFFFFFF80, v57;
	v10 =	vand.u32 $0xFFFFFF80, v10;
	v60 =	vadd.s32 v49, v20  }
0xa0: {  	v35 =	vadd.s32 v25, v20;
	v39 =	vadd.s32 v8, v20;
	v28 =	vor.u32 v43, v28  }
0xa1: {  	v32 =	vor.u32 v23, v32;
	v33 =	vor.u32 v43, v33;
	v10 =	vor.u32 v23, v10  }
0xa2: {  	v34 =	vand.u32 $0xFFFFFF80, v60;
	v35 =	vand.u32 $0xFFFFFF80, v35;
	v61 =	vand.u32 $0xFFFFFF80, v39  }
0xa3: {  	v46 =	vld [tilespmem:$0x1FDE0];
	[tilespmem:$0x1FCA0] =	vst v7;
	v39 =	vadd.s32 v25, v18;
	v34 =	vor.u32 v43, v34;
	v63 =	vor.u32 v43, v61  }
0xa4: {  	[tilespmem:$0x1FC10] =	vst v4;
	v40 =	vand.u32 $0xFFFFFF80, v39;
	v43 =	vadd.s32 v4, v18;
	v39 =	vadd.s32 v4, v27;
	v4 =	vld [tilespmem:$0x1FDF0]  }
0xa5: {  	v20 =	vadd.s32 v42, v20;
	[tilespmem:v28+s10+$0x0] =	vst.idx.add.f32.msk $0xffff, v0;
	v28 =	vor.u32 v23, v35  }
0xa6: {  	v20 =	vand.u32 $0xFFFFFF80, v20;
	[tilespmem:v32+s10+$0x0] =	vst.idx.add.f32.msk $0xffff, v9  }
0xa7: {  	v7 =	vor.u32 s15, v45;
	v20 =	vor.u32 v23, v20;
	[tilespmem:v33+s10+$0x0] =	vst.idx.add.f32.msk $0xffff, v9  }
0xa8: {  	v57 =	vadd.s32 v42, v18;
	v55 =	vand.u32 $0xFFFFFF80, v43;
	[tilespmem:v10+s10+$0x0] =	vst.idx.add.f32.msk $0xffff, v3;
	v10 =	vor.u32 v23, v40  }
0xa9: {  	v60 =	vand.u32 $0xFFFFFF80, v57;
	v18 =	vadd.s32 v7, v18;
	v33 =	vor.u32 v45, v55;
	[tilespmem:v34+s10+$0x0] =	vst.idx.add.f32.msk $0xffff, v11  }
0xaa: {  	v61 =	vadd.s32 v25, v27;
	v18 =	vand.u32 $0xFFFFFF80, v18;
	[tilespmem:v28+s10+$0x0] =	vst.idx.add.f32.msk $0xffff, v12;
	v28 =	vor.u32 v23, v60  }
0xab: {  	v18 =	vor.u32 v45, v18;
	[tilespmem:v63+s10+$0x0] =	vst.idx.add.f32.msk $0xffff, v13;
	v63 =	vand.u32 $0xFFFFFF80, v61  }
0xac: {  	v43 =	vadd.s32 v42, v27;
	v40 =	vand.u32 $0xFFFFFF80, v39;
	[tilespmem:v20+s10+$0x0] =	vst.idx.add.f32.msk $0xffff, v50;
	v20 =	vor.u32 v23, v63  }
0xad: {  	v27 =	vadd.s32 v7, v27;
	v55 =	vand.u32 $0xFFFFFF80, v43;
	[tilespmem:v10+s10+$0x0] =	vst.idx.add.f32.msk $0xffff, v12;
	v10 =	vor.u32 v45, v40  }
0xae: {  	v27 =	vand.u32 $0xFFFFFF80, v27;
	v32 =	vor.u32 v23, v55;
	[tilespmem:v33+s10+$0x0] =	vst.idx.add.f32.msk $0xffff, v11  }
0xaf: {  	v27 =	vor.u32 v45, v27;
	[tilespmem:v28+s10+$0x0] =	vst.idx.add.f32.msk $0xffff, v50  }
0xb0: {  	[tilespmem:v18+s10+$0x0] =	vst.idx.add.f32.msk $0xffff, v13;
	v18 =	vor.u32 s17, v46  }
0xb1: {  	[tilespmem:v20+s10+$0x0] =	vst.idx.add.f32.msk $0xffff, v9  }
0xb2: {  	v20 =	vor.u32 s17, v54;
	[tilespmem:v10+s10+$0x0] =	vst.idx.add.f32.msk $0xffff, v0  }
0xb3: {  	[tilespmem:v32+s10+$0x0] =	vst.idx.add.f32.msk $0xffff, v3  }
0xb4: {  	[tilespmem:v27+s10+$0x0] =	vst.idx.add.f32.msk $0xffff, v9  }
0xb5: {  	v18 =	vld.idx.msk [tilespmem:v18+s2+$0x0], $0xffff  }
0xb6: {  	v10 =	vor.u32 s17, v4;
	v4 =	vld [tilespmem:$0x1FE00]  }
0xb7: {  	v20 =	vld.idx.msk [tilespmem:v20+s2+$0x0], $0xffff;
	_ =	sdelay $0x2  }
0xb8: {  	v18 =	vmul.u32 $0x500, v18  }
0xb9: {  	v15 =	vor.u32 s15, v14;
	v54 =	vor.u32 s18, v14;
	v28 =	vor.u32 s17, v4;
	v4 =	vld [tilespmem:$0x1FF90]  }
0xba: {  	v32 =	vor.u32 s18, v30;
	v20 =	vmul.u32 $0x500, v20;
	v57 =	vadd.s32 v54, v18  }
0xbb: {  	v35 =	vor.u32 s15, v30;
	v60 =	vadd.s32 v32, v18;
	v33 =	vand.u32 $0xFFFFFF80, v57  }
0xbc: {  	v10 =	vld.idx.msk [tilespmem:v10+s2+$0x0], $0xffff;
	v34 =	vand.u32 $0xFFFFFF80, v60;
	v40 =	vadd.s32 v54, v20;
	v33 =	vor.u32 v14, v33  }
0xbd: {  	v61 =	vadd.s32 v15, v18;
	v34 =	vor.u32 v30, v34;
	v40 =	vand.u32 $0xFFFFFF80, v40  }
0xbe: {  	v18 =	vadd.s32 v35, v18;
	v39 =	vand.u32 $0xFFFFFF80, v61;
	v40 =	vor.u32 v4, v40;
	v4 =	vld [tilespmem:$0x1FF90]  }
0xbf: {  	[tilespmem:$0x1FCC0] =	vst v8;
	v8 =	vor.u32 s15, v62;
	v18 =	vand.u32 $0xFFFFFF80, v18;
	v39 =	vor.u32 v14, v39  }
0xc0: {  	[tilespmem:$0x1FCD0] =	vst v7;
	v7 =	vor.u32 s18, v62;
	v27 =	vld.idx.msk [tilespmem:v28+s2+$0x0], $0xffff;
	v63 =	vadd.s32 v32, v20;
	v18 =	vor.u32 v30, v18  }
0xc1: {  	v10 =	vmul.u32 $0x500, v10;
	v55 =	vadd.s32 v15, v20;
	v46 =	vand.u32 $0xFFFFFF80, v63;
	[tilespmem:v33+s10+$0x0] =	vst.idx.add.f32.msk $0xffff, v0  }
0xc2: {  	v20 =	vadd.s32 v35, v20;
	v43 =	vand.u32 $0xFFFFFF80, v55;
	v33 =	vor.u32 v30, v46;
	[tilespmem:v34+s10+$0x0] =	vst.idx.add.f32.msk $0xffff, v9  }
0xc3: {  	v20 =	vand.u32 $0xFFFFFF80, v20;
	v55 =	vadd.s32 v32, v10;
	v34 =	vor.u32 v4, v43;
	v4 =	vld [tilespmem:$0x1FE10]  }
0xc4: {  	v61 =	vadd.s32 v7, v10;
	v20 =	vor.u32 v30, v20;
	v60 =	vand.u32 $0xFFFFFF80, v55;
	[tilespmem:v39+s10+$0x0] =	vst.idx.add.f32.msk $0xffff, v9  }
0xc5: {  	v63 =	vand.u32 $0xFFFFFF80, v61;
	v43 =	vadd.s32 v35, v10;
	[tilespmem:v18+s10+$0x0] =	vst.idx.add.f32.msk $0xffff, v3;
	v18 =	vor.u32 v30, v60  }
0xc6: {  	v10 =	vadd.s32 v8, v10;
	v39 =	vor.u32 v62, v63;
	v55 =	vand.u32 $0xFFFFFF80, v43;
	[tilespmem:v40+s10+$0x0] =	vst.idx.add.f32.msk $0xffff, v11  }
0xc7: {  	v10 =	vand.u32 $0xFFFFFF80, v10;
	[tilespmem:v33+s10+$0x0] =	vst.idx.add.f32.msk $0xffff, v12;
	v33 =	vor.u32 v30, v55  }
0xc8: {  	v10 =	vor.u32 v62, v10;
	[tilespmem:v34+s10+$0x0] =	vst.idx.add.f32.msk $0xffff, v13  }
0xc9: {  	v27 =	vmul.u32 $0x500, v27;
	[tilespmem:v20+s10+$0x0] =	vst.idx.add.f32.msk $0xffff, v50  }
0xca: {  	[tilespmem:v18+s10+$0x0] =	vst.idx.add.f32.msk $0xffff, v12  }
0xcb: {  	v60 =	vadd.s32 v32, v27;
	[tilespmem:v39+s10+$0x0] =	vst.idx.add.f32.msk $0xffff, v11  }
0xcc: {  	v61 =	vand.u32 $0xFFFFFF80, v60;
	[tilespmem:v33+s10+$0x0] =	vst.idx.add.f32.msk $0xffff, v50  }
0xcd: {  	v20 =	vor.u32 v30, v61;
	[tilespmem:v10+s10+$0x0] =	vst.idx.add.f32.msk $0xffff, v13  }
0xce: {  	v10 =	vor.u32 s17, v4;
	v4 =	vld [tilespmem:$0x1FE20];
	_ =	sdelay $0x1  }
0xcf: {  	v63 =	vadd.s32 v7, v27  }
0xd0: {  	v46 =	vand.u32 $0xFFFFFF80, v63  }
0xd1: {  	v18 =	vor.u32 v62, v46;
	[tilespmem:v20+s10+$0x0] =	vst.idx.add.f32.msk $0xffff, v9  }
0xd2: {  	v55 =	vadd.s32 v35, v27;
	v20 =	vor.u32 s17, v4;
	v4 =	vld [tilespmem:$0x1FF00]  }
0xd3: {  	v27 =	vadd.s32 v8, v27;
	v60 =	vand.u32 $0xFFFFFF80, v55  }
0xd4: {  	v27 =	vand.u32 $0xFFFFFF80, v27;
	v34 =	vor.u32 v30, v60  }
0xd5: {  	v27 =	vor.u32 v62, v27  }
0xd6: {  	[tilespmem:v18+s10+$0x0] =	vst.idx.add.f32.msk $0xffff, v0  }
0xd7: {  	v18 =	vor.u32 s17, v4;
	v4 =	vld [tilespmem:$0x1FE30];
	_ =	sdelay $0x1  }
0xd8: {  	[tilespmem:v34+s10+$0x0] =	vst.idx.add.f32.msk $0xffff, v3  }
0xd9: {  	[tilespmem:v27+s10+$0x0] =	vst.idx.add.f32.msk $0xffff, v9  }
0xda: {  	v10 =	vld.idx.msk [tilespmem:v10+s2+$0x0], $0xffff  }
0xdb: {  	v61 =	vor.u32 s17, v4;
	v4 =	vld [tilespmem:$0x1FFF0];
	_ =	sdelay $0x2  }
0xdc: {  	[tilespmem:$0x1FD00] =	vst v8;
	v8 =	vld [tilespmem:$0x1FFF0]  }
0xdd: {  	v10 =	vmul.u32 $0x500, v10  }
0xde: {  	v55 =	vor.u32 s18, v4;
	v4 =	vld [tilespmem:$0x1FFF0]  }
0xdf: {  	v57 =	vmov v62;
	v62 =	vadd.s32 v55, v10  }
0xe0: {  	v20 =	vld.idx.msk [tilespmem:v20+s2+$0x0], $0xffff;
	v40 =	vand.u32 $0xFFFFFF80, v62  }
0xe1: {  	v40 =	vor.u32 v8, v40;
	v8 =	vld [tilespmem:$0x1FFF0];
	_ =	sdelay $0x1  }
0xe2: {  	[tilespmem:$0x1FC20] =	vst v7;
	v18 =	vld.idx.msk [tilespmem:v18+s2+$0x0], $0xffff;
	v7 =	vor.u32 s15, v4  }
0xe3: {  	v39 =	vor.u32 s18, v37;
	v60 =	vadd.s32 v7, v10  }
0xe4: {  	v63 =	vadd.s32 v39, v10;
	v60 =	vand.u32 $0xFFFFFF80, v60  }
0xe5: {  	v46 =	vand.u32 $0xFFFFFF80, v63;
	v20 =	vmul.u32 $0x500, v20;
	v60 =	vor.u32 v8, v60;
	v8 =	vld [tilespmem:$0x1FFF0]  }
0xe6: {  	[tilespmem:$0x1FC90] =	vst v19;
	v19 =	vmovc v5;
	v5 =	vld [tilespmem:$0x1FFF0];
	v33 =	vor.u32 s15, v37;
	v34 =	vor.u32 s18, v59;
	v46 =	vor.u32 v37, v46  }
0xe7: {  	v63 =	vadd.s32 v39, v20;
	v27 =	vld.idx.msk [tilespmem:v61+s2+$0x0], $0xffff;
	v18 =	vmul.u32 $0x500, v18;
	v10 =	vadd.s32 v33, v10  }
0xe8: {  	v63 =	vand.u32 $0xFFFFFF80, v63;
	v43 =	vadd.s32 v55, v20;
	v10 =	vand.u32 $0xFFFFFF80, v10  }
0xe9: {  	v61 =	vand.u32 $0xFFFFFF80, v43;
	v43 =	vadd.s32 v39, v18;
	v10 =	vor.u32 v37, v10  }
0xea: {  	v4 =	vor.u32 s15, v59;
	v62 =	vadd.s32 v7, v20;
	v61 =	vor.u32 v8, v61  }
0xeb: {  	v20 =	vadd.s32 v33, v20;
	v62 =	vand.u32 $0xFFFFFF80, v62;
	[tilespmem:v40+s10+$0x0] =	vst.idx.add.f32.msk $0xffff, v0;
	v40 =	vor.u32 v37, v63  }
0xec: {  	v27 =	vmul.u32 $0x500, v27;
	v20 =	vand.u32 $0xFFFFFF80, v20;
	[tilespmem:v46+s10+$0x0] =	vst.idx.add.f32.msk $0xffff, v9;
	v46 =	vor.u32 v5, v62  }
0xed: {  	v20 =	vor.u32 v37, v20;
	[tilespmem:v60+s10+$0x0] =	vst.idx.add.f32.msk $0xffff, v9;
	v60 =	vand.u32 $0xFFFFFF80, v43;
	v43 =	vadd.s32 v34, v18  }
0xee: {  	[tilespmem:v10+s10+$0x0] =	vst.idx.add.f32.msk $0xffff, v3;
	v10 =	vor.u32 v37, v60;
	v60 =	vand.u32 $0xFFFFFF80, v43;
	v43 =	vadd.s32 v33, v18  }
0xef: {  	v18 =	vadd.s32 v4, v18;
	v60 =	vor.u32 v59, v60;
	v43 =	vand.u32 $0xFFFFFF80, v43;
	[tilespmem:v61+s10+$0x0] =	vst.idx.add.f32.msk $0xffff, v11  }
0xf0: {  	v18 =	vand.u32 $0xFFFFFF80, v18;
	[tilespmem:v40+s10+$0x0] =	vst.idx.add.f32.msk $0xffff, v12;
	v40 =	vor.u32 v37, v43;
	v43 =	vadd.s32 v39, v27  }
0xf1: {  	v18 =	vor.u32 v59, v18;
	[tilespmem:v46+s10+$0x0] =	vst.idx.add.f32.msk $0xffff, v13;
	v46 =	vand.u32 $0xFFFFFF80, v43;
	v43 =	vadd.s32 v34, v27  }
0xf2: {  	[tilespmem:v20+s10+$0x0] =	vst.idx.add.f32.msk $0xffff, v50;
	v20 =	vor.u32 v37, v46;
	v46 =	vand.u32 $0xFFFFFF80, v43  }
0xf3: {  	[tilespmem:v10+s10+$0x0] =	vst.idx.add.f32.msk $0xffff, v12;
	v10 =	vor.u32 v59, v46  }
0xf4: {  	[tilespmem:v60+s10+$0x0] =	vst.idx.add.f32.msk $0xffff, v11  }
0xf5: {  	[tilespmem:v40+s10+$0x0] =	vst.idx.add.f32.msk $0xffff, v50  }
0xf6: {  	[tilespmem:v18+s10+$0x0] =	vst.idx.add.f32.msk $0xffff, v13  }
0xf7: {  	[tilespmem:v20+s10+$0x0] =	vst.idx.add.f32.msk $0xffff, v9  }
0xf8: {  	[tilespmem:v10+s10+$0x0] =	vst.idx.add.f32.msk $0xffff, v0  }
0xf9: {  	v0 =	vld [tilespmem:$0x1FF50];
	_ =	sdelay $0x4  }
0xfa: {  	v10 =	vor.u32 s17, v0;
	v0 =	vld [tilespmem:$0x1FE40];
	_ =	sdelay $0x4  }
0xfb: {  	v63 =	vor.u32 s17, v0;
	v0 =	vld [tilespmem:$0x1FF10];
	_ =	sdelay $0x4  }
0xfc: {  	v28 =	vor.u32 s18, v0;
	v0 =	vld [tilespmem:$0x1FF20]  }
0xfd: {  	[tilespmem:$0x1FD50] =	vst v4;
	v43 =	vadd.s32 v33, v27;
	v27 =	vadd.s32 v4, v27;
	v4 =	vld [tilespmem:$0x1FF30]  }
0xfe: {  	v62 =	vand.u32 $0xFFFFFF80, v43  }
0xff: {  	v27 =	vand.u32 $0xFFFFFF80, v27;
	v46 =	vor.u32 v37, v62  }
0x100: {  	v27 =	vor.u32 v59, v27  }
0x101: {  	v40 =	vor.u32 s18, v0;
	v0 =	vld [tilespmem:$0x1FF10]  }
0x102: {  	v18 =	vor.u32 s17, v4  }
0x103: {  	v4 =	vld [tilespmem:$0x1FF40]  }
0x104: {  	[tilespmem:v46+s10+$0x0] =	vst.idx.add.f32.msk $0xffff, v3  }
0x105: {  	[tilespmem:v27+s10+$0x0] =	vst.idx.add.f32.msk $0xffff, v9  }
0x106: {  	v5 =	vor.u32 s15, v0;
	v0 =	vld [tilespmem:$0x1FF20]  }
0x107: {  	v18 =	vld.idx.msk [tilespmem:v18+s2+$0x0], $0xffff;
	_ =	sdelay $0x1  }
0x108: {  	v20 =	vor.u32 s17, v4;
	_ =	sdelay $0x1  }
0x109: {  	v4 =	vor.u32 s15, v0;
	v0 =	vld [tilespmem:$0x1FF10]  }
0x10a: {  	v18 =	vmul.u32 $0x500, v18;
	_ =	sdelay $0x1  }
0x10b: {  	v20 =	vld.idx.msk [tilespmem:v20+s2+$0x0], $0xffff;
	v43 =	vadd.s32 v28, v18  }
0x10c: {  	v62 =	vand.u32 $0xFFFFFF80, v43  }
0x10d: {  	v62 =	vor.u32 v0, v62;
	v0 =	vld [tilespmem:$0x1FF10];
	_ =	sdelay $0x1  }
0x10e: {  	v3 =	vld [tilespmem:$0x1FF10]  }
0x10f: {  	[tilespmem:$0x1FD40] =	vst v7;
	v20 =	vmul.u32 $0x500, v20;
	v7 =	vadd.s32 v5, v18  }
0x110: {  	v7 =	vand.u32 $0xFFFFFF80, v7  }
0x111: {  	v46 =	vor.u32 s18, v44;
	v7 =	vor.u32 v0, v7;
	v0 =	vadd.s32 v28, v20  }
0x112: {  	v27 =	vor.u32 s15, v44;
	v10 =	vld.idx.msk [tilespmem:v10+s2+$0x0], $0xffff;
	v43 =	vadd.s32 v46, v18;
	v0 =	vand.u32 $0xFFFFFF80, v0  }
0x113: {  	v60 =	vld.idx.msk [tilespmem:v63+s2+$0x0], $0xffff;
	v63 =	vand.u32 $0xFFFFFF80, v43;
	v0 =	vor.u32 v3, v0;
	v3 =	vimm.f32 $1.406250000e-01  }
0x114: {  	v63 =	vor.u32 v44, v63;
	v18 =	vadd.s32 v27, v18;
	[tilespmem:v62+s10+$0x0] =	vst.idx.add.f32.msk $0xffff, v3  }
0x115: {  	v18 =	vand.u32 $0xFFFFFF80, v18;
	v3 =	vld [tilespmem:$0x1FF10]  }
0x116: {  	v18 =	vor.u32 v44, v18;
	_ =	sdelay $0x1  }
0x117: {  	[tilespmem:$0x1FCB0] =	vst v5;
	v5 =	vadd.s32 v5, v20  }
0x118: {  	v8 =	vadd.s32 v46, v20;
	v5 =	vand.u32 $0xFFFFFF80, v5;
	[tilespmem:v63+s10+$0x0] =	vst.idx.add.f32.msk $0xffff, v9  }
0x119: {  	v8 =	vand.u32 $0xFFFFFF80, v8;
	[tilespmem:v7+s10+$0x0] =	vst.idx.add.f32.msk $0xffff, v9;
	v5 =	vor.u32 v3, v5;
	v3 =	vimm.f32 $3.906250000e-01  }
0x11a: {  	v10 =	vmul.u32 $0x500, v10;
	v8 =	vor.u32 v44, v8;
	[tilespmem:v18+s10+$0x0] =	vst.idx.add.f32.msk $0xffff, v3  }
0x11b: {  	v20 =	vadd.s32 v27, v20;
	v3 =	vld [tilespmem:$0x1FF20]  }
0x11c: {  	v43 =	vadd.s32 v46, v10;
	v20 =	vand.u32 $0xFFFFFF80, v20;
	[tilespmem:v0+s10+$0x0] =	vst.idx.add.f32.msk $0xffff, v11  }
0x11d: {  	v7 =	vor.u32 v44, v20;
	v20 =	vand.u32 $0xFFFFFF80, v43;
	v0 =	vld [tilespmem:$0x1FF20]  }
0x11e: {  	v43 =	vadd.s32 v40, v10;
	v18 =	vor.u32 v44, v20  }
0x11f: {  	v20 =	vand.u32 $0xFFFFFF80, v43;
	v43 =	vadd.s32 v27, v10;
	v10 =	vadd.s32 v4, v10;
	[tilespmem:v8+s10+$0x0] =	vst.idx.add.f32.msk $0xffff, v12  }
0x120: {  	v10 =	vand.u32 $0xFFFFFF80, v10;
	[tilespmem:v5+s10+$0x0] =	vst.idx.add.f32.msk $0xffff, v13  }
0x121: {  	v60 =	vmul.u32 $0x500, v60;
	v5 =	vor.u32 v3, v10;
	v3 =	vld [tilespmem:$0x1FF20]  }
0x122: {  	v0 =	vor.u32 v0, v20;
	v20 =	vand.u32 $0xFFFFFF80, v43  }
0x123: {  	v8 =	vor.u32 v44, v20;
	v20 =	vadd.s32 v46, v60  }
0x124: {  	v10 =	vand.u32 $0xFFFFFF80, v20;
	v20 =	vadd.s32 v40, v60  }
0x125: {  	[tilespmem:v7+s10+$0x0] =	vst.idx.add.f32.msk $0xffff, v50;
	v7 =	vor.u32 v44, v10;
	v10 =	vand.u32 $0xFFFFFF80, v20  }
0x126: {  	v10 =	vor.u32 v3, v10;
	v3 =	vld [tilespmem:$0x1FF20];
	_ =	sdelay $0x1  }
0x127: {  	[tilespmem:v18+s10+$0x0] =	vst.idx.add.f32.msk $0xffff, v12;
	v20 =	vadd.s32 v27, v60  }
0x128: {  	v18 =	vand.u32 $0xFFFFFF80, v20;
	v20 =	vadd.s32 v4, v60;
	[tilespmem:v0+s10+$0x0] =	vst.idx.add.f32.msk $0xffff, v11  }
0x129: {  	v0 =	vor.u32 v44, v18;
	v18 =	vand.u32 $0xFFFFFF80, v20;
	[tilespmem:v8+s10+$0x0] =	vst.idx.add.f32.msk $0xffff, v50  }
0x12a: {  	v8 =	vor.u32 v3, v18;
	v3 =	vld [tilespmem:$0x1FE50];
	_ =	sdelay $0x3  }
0x12b: {  	[tilespmem:v5+s10+$0x0] =	vst.idx.add.f32.msk $0xffff, v13  }
0x12c: {  	v5 =	vor.u32 s17, v3;
	v3 =	vld [tilespmem:$0x1FE60];
	_ =	sdelay $0x4  }
0x12d: {  	[tilespmem:v7+s10+$0x0] =	vst.idx.add.f32.msk $0xffff, v9;
	v7 =	vor.u32 s17, v3;
	v3 =	vimm.f32 $1.406250000e-01  }
0x12e: {  	[tilespmem:v10+s10+$0x0] =	vst.idx.add.f32.msk $0xffff, v3  }
0x12f: {  	v3 =	vld [tilespmem:$0x1FE70];
	_ =	sdelay $0x4  }
0x130: {  	v10 =	vor.u32 s17, v3;
	v3 =	vimm.f32 $3.906250000e-01  }
0x131: {  	[tilespmem:v0+s10+$0x0] =	vst.idx.add.f32.msk $0xffff, v3  }
0x132: {  	v3 =	vld [tilespmem:$0x1FF60];
	_ =	sdelay $0x4  }
0x133: {  	[tilespmem:$0x1FCE0] =	vst v4;
	v4 =	vor.u32 s18, v3;
	v3 =	vld [tilespmem:$0x1FF70];
	_ =	sdelay $0x4  }
0x134: {  	v20 =	vor.u32 s18, v3;
	v3 =	vld [tilespmem:$0x1FF60];
	_ =	sdelay $0x3  }
0x135: {  	[tilespmem:v8+s10+$0x0] =	vst.idx.add.f32.msk $0xffff, v9  }
0x136: {  	[tilespmem:$0x1FCF0] =	vst v15;
	v15 =	vor.u32 s15, v3;
	v3 =	vld [tilespmem:$0x1FF70]  }
0x137: {  	v5 =	vld.idx.msk [tilespmem:v5+s2+$0x0], $0xffff;
	_ =	sdelay $0x3  }
0x138: {  	v21 =	vor.u32 s15, v3;
	v3 =	vld [tilespmem:$0x1FF60]  }
0x139: {  	v5 =	vmul.u32 $0x500, v5;
	_ =	sdelay $0x1  }
0x13a: {  	v7 =	vld.idx.msk [tilespmem:v7+s2+$0x0], $0xffff;
	v18 =	vadd.s32 v4, v5  }
0x13b: {  	v0 =	vld [tilespmem:$0x1FE80];
	v18 =	vand.u32 $0xFFFFFF80, v18  }
0x13c: {  	v18 =	vor.u32 v3, v18;
	v3 =	vld [tilespmem:$0x1FF60]  }
0x13d: {  	v63 =	vor.u32 s18, v51;
	v8 =	vld.idx.msk [tilespmem:v10+s2+$0x0], $0xffff  }
0x13e: {  	v10 =	vld [tilespmem:$0x1FF60];
	v43 =	vadd.s32 v63, v5  }
0x13f: {  	v7 =	vmul.u32 $0x500, v7;
	v60 =	vand.u32 $0xFFFFFF80, v43;
	v43 =	vadd.s32 v15, v5  }
0x140: {  	v0 =	vor.u32 s17, v0;
	v62 =	vand.u32 $0xFFFFFF80, v43  }
0x141: {  	v61 =	vor.u32 s15, v51;
	v62 =	vor.u32 v3, v62;
	v3 =	vadd.s32 v4, v7  }
0x142: {  	v60 =	vor.u32 v51, v60;
	v5 =	vadd.s32 v61, v5;
	v3 =	vand.u32 $0xFFFFFF80, v3  }
0x143: {  	v5 =	vand.u32 $0xFFFFFF80, v5;
	v3 =	vor.u32 v10, v3;
	v10 =	vld [tilespmem:$0x1FF60]  }
0x144: {  	[tilespmem:$0x1FC30] =	vst v4;
	v5 =	vor.u32 v51, v5  }
0x145: {  	v17 =	vimm.f32 $1.406250000e-01;
	v0 =	vld.idx.msk [tilespmem:v0+s2+$0x0], $0xffff;
	[tilespmem:$0x1FD30] =	vst v15  }
0x146: {  	v8 =	vmul.u32 $0x500, v8;
	v15 =	vadd.s32 v15, v7;
	v4 =	vadd.s32 v63, v7;
	[tilespmem:v18+s10+$0x0] =	vst.idx.add.f32.msk $0xffff, v17  }
0x147: {  	v15 =	vand.u32 $0xFFFFFF80, v15;
	v7 =	vadd.s32 v61, v7;
	v4 =	vand.u32 $0xFFFFFF80, v4;
	[tilespmem:v60+s10+$0x0] =	vst.idx.add.f32.msk $0xffff, v9  }
0x148: {  	v4 =	vor.u32 v51, v4;
	[tilespmem:v62+s10+$0x0] =	vst.idx.add.f32.msk $0xffff, v9;
	v15 =	vor.u32 v10, v15;
	v10 =	vimm.f32 $3.906250000e-01  }
0x149: {  	v18 =	vadd.s32 v63, v8;
	v7 =	vand.u32 $0xFFFFFF80, v7;
	[tilespmem:v5+s10+$0x0] =	vst.idx.add.f32.msk $0xffff, v10  }
0x14a: {  	v18 =	vand.u32 $0xFFFFFF80, v18;
	v7 =	vor.u32 v51, v7;
	[tilespmem:v3+s10+$0x0] =	vst.idx.add.f32.msk $0xffff, v11  }
0x14b: {  	v5 =	vor.u32 v51, v18;
	v3 =	vld [tilespmem:$0x1FF70]  }
0x14c: {  	v10 =	vld [tilespmem:$0x1FF70]  }
0x14d: {  	[tilespmem:v4+s10+$0x0] =	vst.idx.add.f32.msk $0xffff, v12  }
0x14e: {  	v43 =	vadd.s32 v20, v8;
	[tilespmem:v15+s10+$0x0] =	vst.idx.add.f32.msk $0xffff, v13  }
0x14f: {  	v18 =	vand.u32 $0xFFFFFF80, v43;
	v43 =	vadd.s32 v61, v8;
	[tilespmem:v7+s10+$0x0] =	vst.idx.add.f32.msk $0xffff, v50  }
0x150: {  	v3 =	vor.u32 v3, v18;
	v18 =	vand.u32 $0xFFFFFF80, v43;
	[tilespmem:v5+s10+$0x0] =	vst.idx.add.f32.msk $0xffff, v12  }
0x151: {  	v0 =	vmul.u32 $0x500, v0;
	v5 =	vld [tilespmem:$0x1FF70];
	v4 =	vor.u32 v51, v18  }
0x152: {  	v8 =	vadd.s32 v21, v8  }
0x153: {  	v8 =	vand.u32 $0xFFFFFF80, v8;
	v18 =	vadd.s32 v63, v0  }
0x154: {  	v8 =	vor.u32 v10, v8;
	v15 =	vand.u32 $0xFFFFFF80, v18;
	v18 =	vadd.s32 v20, v0  }
0x155: {  	v7 =	vor.u32 v51, v15;
	v15 =	vand.u32 $0xFFFFFF80, v18;
	[tilespmem:v3+s10+$0x0] =	vst.idx.add.f32.msk $0xffff, v11  }
0x156: {  	v5 =	vor.u32 v5, v15;
	[tilespmem:v4+s10+$0x0] =	vst.idx.add.f32.msk $0xffff, v50  }
0x157: {  	v4 =	vld [tilespmem:$0x1FF70];
	_ =	sdelay $0x1  }
0x158: {  	[tilespmem:v8+s10+$0x0] =	vst.idx.add.f32.msk $0xffff, v13  }
0x159: {  	v18 =	vadd.s32 v61, v0;
	v0 =	vadd.s32 v21, v0;
	[tilespmem:v7+s10+$0x0] =	vst.idx.add.f32.msk $0xffff, v9;
	v7 =	vimm.f32 $1.406250000e-01  }
0x15a: {  	v0 =	vand.u32 $0xFFFFFF80, v0;
	[tilespmem:v5+s10+$0x0] =	vst.idx.add.f32.msk $0xffff, v7  }
0x15b: {  	v0 =	vor.u32 v4, v0;
	v4 =	vld [tilespmem:$0x1FFA0]  }
0x15c: {  	v5 =	vld [tilespmem:$0x1FFB0]  }
0x15d: {  	v15 =	vand.u32 $0xFFFFFF80, v18  }
0x15e: {  	v3 =	vor.u32 v51, v15;
	_ =	sdelay $0x1  }
0x15f: {  	v4 =	vor.u32 s17, v4  }
0x160: {  	v5 =	vor.u32 s17, v5  }
0x161: {  	v7 =	vimm.f32 $3.906250000e-01  }
0x162: {  	[tilespmem:v3+s10+$0x0] =	vst.idx.add.f32.msk $0xffff, v7  }
0x163: {  	[tilespmem:v0+s10+$0x0] =	vst.idx.add.f32.msk $0xffff, v9  }
0x164: {  	v0 =	vld.idx.msk [tilespmem:v4+s2+$0x0], $0xffff  }
0x165: {  	v4 =	vld.idx.msk [tilespmem:v5+s2+$0x0], $0xffff  }
0x166: {  	v5 =	vld [tilespmem:$0x1FF80];
	_ =	sdelay $0x3  }
0x167: {  	v10 =	vld [tilespmem:$0x1FF80]  }
0x168: {  	[tilespmem:$0x1FD60] =	vst v21;
	v21 =	vor.u32 s18, v5;
	v0 =	vmul.u32 $0x500, v0;
	v5 =	vld [tilespmem:$0x1FF80];
	_ =	sdelay $0x1  }
0x169: {  	v7 =	vadd.s32 v21, v0  }
0x16a: {  	v3 =	vld [tilespmem:$0x1FFC0];
	v7 =	vand.u32 $0xFFFFFF80, v7  }
0x16b: {  	v7 =	vor.u32 v10, v7;
	v10 =	vld [tilespmem:$0x1FF80]  }
0x16c: {  	v18 =	vor.u32 s15, v5;
	v5 =	vld [tilespmem:$0x1FFD0];
	_ =	sdelay $0x2  }
0x16d: {  	v15 =	vadd.s32 v18, v0  }
0x16e: {  	v60 =	vor.u32 s18, v58;
	v3 =	vor.u32 s17, v3;
	v15 =	vand.u32 $0xFFFFFF80, v15  }
0x16f: {  	v8 =	vadd.s32 v60, v0;
	v15 =	vor.u32 v10, v15;
	v10 =	vld [tilespmem:$0x1FF80];
	v5 =	vor.u32 s17, v5  }
0x170: {  	v4 =	vmul.u32 $0x500, v4;
	v8 =	vand.u32 $0xFFFFFF80, v8  }
0x171: {  	v8 =	vor.u32 v58, v8  }
0x172: {  	v62 =	vadd.s32 v21, v4  }
0x173: {  	v3 =	vld.idx.msk [tilespmem:v3+s2+$0x0], $0xffff;
	v62 =	vand.u32 $0xFFFFFF80, v62  }
0x174: {  	v62 =	vor.u32 v10, v62;
	v10 =	vimm.f32 $1.406250000e-01;
	v5 =	vld.idx.msk [tilespmem:v5+s2+$0x0], $0xffff  }
0x175: {  	v43 =	vor.u32 s15, v58;
	[tilespmem:v7+s10+$0x0] =	vst.idx.add.f32.msk $0xffff, v10  }
0x176: {  	v0 =	vadd.s32 v43, v0;
	[tilespmem:v8+s10+$0x0] =	vst.idx.add.f32.msk $0xffff, v9  }
0x177: {  	v0 =	vand.u32 $0xFFFFFF80, v0;
	v8 =	vld [tilespmem:$0x1FF80]  }
0x178: {  	v0 =	vor.u32 v58, v0  }
0x179: {  	[tilespmem:$0x1FC40] =	vst v20;
	v20 =	vor.u32 s18, v52;
	v3 =	vmul.u32 $0x500, v3;
	v17 =	vadd.s32 v60, v4  }
0x17a: {  	v17 =	vand.u32 $0xFFFFFF80, v17;
	v22 =	vadd.s32 v18, v4;
	v4 =	vadd.s32 v43, v4  }
0x17b: {  	v4 =	vand.u32 $0xFFFFFF80, v4;
	v7 =	vor.u32 v58, v17;
	v17 =	vand.u32 $0xFFFFFF80, v22  }
0x17c: {  	v10 =	vimm.f32 $3.906250000e-01;
	[tilespmem:v15+s10+$0x0] =	vst.idx.add.f32.msk $0xffff, v9;
	v8 =	vor.u32 v8, v17;
	v17 =	vadd.s32 v60, v3  }
0x17d: {  	v4 =	vor.u32 v58, v4;
	[tilespmem:v0+s10+$0x0] =	vst.idx.add.f32.msk $0xffff, v10;
	v15 =	vand.u32 $0xFFFFFF80, v17;
	v17 =	vadd.s32 v20, v3  }
0x17e: {  	v0 =	vor.u32 v58, v15;
	v15 =	vand.u32 $0xFFFFFF80, v17;
	v17 =	vld [tilespmem:$0x1FE90]  }
0x17f: {  	[tilespmem:v62+s10+$0x0] =	vst.idx.add.f32.msk $0xffff, v11;
	v15 =	vor.u32 v52, v15  }
0x180: {  	[tilespmem:v7+s10+$0x0] =	vst.idx.add.f32.msk $0xffff, v12  }
0x181: {  	[tilespmem:v8+s10+$0x0] =	vst.idx.add.f32.msk $0xffff, v13  }
0x182: {  	s19 =	sadd.s32 $0xFFFFFC00, s14;
	v7 =	vadd.s32 v43, v3;
	[tilespmem:v4+s10+$0x0] =	vst.idx.add.f32.msk $0xffff, v50  }
0x183: {  	v10 =	vor.u32 s15, v52;
	v7 =	vand.u32 $0xFFFFFF80, v7;
	v17 =	vor.u32 s19, v17;
	[tilespmem:v0+s10+$0x0] =	vst.idx.add.f32.msk $0xffff, v12  }
0x184: {  	v5 =	vmul.u32 $0x500, v5;
	v3 =	vadd.s32 v10, v3;
	v4 =	vor.u32 v58, v7;
	[tilespmem:v15+s10+$0x0] =	vst.idx.add.f32.msk vm1, v11  }
0x185: {  	v3 =	vand.u32 $0xFFFFFF80, v3;
	[tilespmem:v15+s10+$0x0] =	vst.idx.add.f32.msk $0x7fff, v11  }
0x186: {  	v0 =	vor.u32 v52, v3;
	v3 =	vadd.s32 v60, v5;
	v15 =	vld [tilespmem:$0x1FD80]  }
0x187: {  	v7 =	vadd.s32 v20, v5;
	v3 =	vand.u32 $0xFFFFFF80, v3  }
0x188: {  	v7 =	vand.u32 $0xFFFFFF80, v7;
	v3 =	vor.u32 v58, v3;
	v8 =	vld.idx.msk [tilespmem:v17+s2+$0x0], $0xffff  }
0x189: {  	[tilespmem:v4+s10+$0x0] =	vst.idx.add.f32.msk $0xffff, v50;
	v4 =	vor.u32 v52, v7  }
0x18a: {  	v7 =	vadd.s32 v43, v5  }
0x18b: {  	v5 =	vadd.s32 v10, v5;
	[tilespmem:v0+s10+$0x0] =	vst.idx.add.f32.msk vm1, v13;
	v7 =	vand.u32 $0xFFFFFF80, v7;
	v15 =	vor.u32 s19, v15  }
0x18c: {  	v5 =	vand.u32 $0xFFFFFF80, v5;
	[tilespmem:v0+s10+$0x0] =	vst.idx.add.f32.msk $0x7fff, v13;
	v0 =	vor.u32 v58, v7  }
0x18d: {  	[tilespmem:v3+s10+$0x0] =	vst.idx.add.f32.msk $0xffff, v9;
	v3 =	vor.u32 v52, v5;
	v5 =	vmul.u32 $0x500, v8;
	v8 =	vimm.f32 $1.406250000e-01  }
0x18e: {  	[tilespmem:v4+s10+$0x0] =	vst.idx.add.f32.msk vm1, v8  }
0x18f: {  	v8 =	vld [tilespmem:$0x1FD90]  }
0x190: {  	[tilespmem:$0x1FD20] =	vst v10;
	v10 =	vimm.f32 $1.406250000e-01;
	v7 =	vld.idx.msk [tilespmem:v15+s2+$0x0], $0xffff  }
0x191: {  	[tilespmem:v4+s10+$0x0] =	vst.idx.add.f32.msk $0x7fff, v10;
	v10 =	vimm.f32 $3.906250000e-01  }
0x192: {  	[tilespmem:v0+s10+$0x0] =	vst.idx.add.f32.msk $0xffff, v10  }
0x193: {  	v10 =	vld [tilespmem:$0x1FC70]  }
0x194: {  	v15 =	vadd.s32 v41, v5;
	v4 =	vor.u32 s19, v19  }
0x195: {  	v15 =	vand.u32 $0xFFFFFF80, v15;
	v8 =	vor.u32 s19, v8  }
0x196: {  	v0 =	vor.u32 v29, v15;
	v15 =	vadd.s32 v56, v5  }
0x197: {  	v24 =	vlaneseq.u32;
	[tilespmem:v3+s10+$0x0] =	vst.idx.add.f32.msk vm1, v9;
	v15 =	vand.u32 $0xFFFFFF80, v15  }
0x198: {  	[tilespmem:v3+s10+$0x0] =	vst.idx.add.f32.msk $0x7fff, v9;
	v3 =	vmul.u32 $0x500, v7;
	v7 =	vor.u32 v24, v15;
	v17 =	vadd.s32 v10, v5  }
0x199: {  	v4 =	vld.idx.msk [tilespmem:v4+s2+$0x0], $0xffff;
	v15 =	vand.u32 $0xFFFFFF80, v17  }
0x19a: {  	[tilespmem:$0x1FC60] =	vst v20;
	v5 =	vadd.s32 v53, v5;
	v15 =	vor.u32 v29, v15;
	v8 =	vld.idx.msk [tilespmem:v8+s2+$0x0], $0xffff  }
0x19b: {  	v5 =	vand.u32 $0xFFFFFF80, v5;
	v17 =	vadd.s32 v41, v3;
	[tilespmem:v0+s10+$0x0] =	vst.idx.add.f32.msk $0x1, v11  }
0x19c: {  	v5 =	vor.u32 v24, v5;
	v17 =	vand.u32 $0xFFFFFF80, v17;
	[tilespmem:v0+s10+$0x0] =	vst.idx.add.f32.msk vm0, v11  }
0x19d: {  	v0 =	vor.u32 v29, v17;
	v17 =	vadd.s32 v56, v3;
	[tilespmem:v7+s10+$0x0] =	vst.idx.add.f32.msk $0xffff, v13  }
0x19e: {  	[tilespmem:$0x1FD70] =	vst v18;
	v41 =	vmov v10;
	v7 =	vand.u32 $0xFFFFFF80, v17;
	v17 =	vadd.s32 v10, v3;
	v10 =	vld [tilespmem:$0x1FC80]  }
0x19f: {  	v7 =	vor.u32 v24, v7;
	v17 =	vand.u32 $0xFFFFFF80, v17;
	[tilespmem:v15+s10+$0x0] =	vst.idx.add.f32.msk $0x1, v12;
	v8 =	vmul.u32 $0x500, v8  }
0x1a0: {  	v3 =	vadd.s32 v53, v3;
	[tilespmem:v15+s10+$0x0] =	vst.idx.add.f32.msk vm0, v12;
	v15 =	vor.u32 v29, v17  }
0x1a1: {  	v18 =	vimm.f32 $1.562500000e-02;
	v3 =	vand.u32 $0xFFFFFF80, v3;
	[tilespmem:v5+s10+$0x0] =	vst.idx.add.f32.msk $0xffff, v50;
	v5 =	vadd.s32 v56, v8  }
0x1a2: {  	v3 =	vor.u32 v24, v3;
	[tilespmem:v0+s10+$0x0] =	vst.idx.add.f32.msk $0x1, v18;
	v17 =	vadd.s32 v26, v8;
	v5 =	vand.u32 $0xFFFFFF80, v5  }
0x1a3: {  	[tilespmem:v0+s10+$0x0] =	vst.idx.add.f32.msk vm0, v18;
	v0 =	vor.u32 v24, v5;
	v5 =	vand.u32 $0xFFFFFF80, v17;
	v17 =	vadd.s32 v53, v8  }
0x1a4: {  	v4 =	vmul.u32 $0x500, v4;
	[tilespmem:v7+s10+$0x0] =	vst.idx.add.f32.msk $0xffff, v6;
	v5 =	vor.u32 v31, v5;
	v7 =	vand.u32 $0xFFFFFF80, v17  }
0x1a5: {  	v8 =	vadd.s32 v10, v8;
	[tilespmem:v15+s10+$0x0] =	vst.idx.add.f32.msk $0x1, v6;
	v7 =	vor.u32 v24, v7  }
0x1a6: {  	v20 =	vimm.f32 $7.656250000e-01;
	v8 =	vand.u32 $0xFFFFFF80, v8;
	v17 =	vadd.s32 v56, v4;
	[tilespmem:v15+s10+$0x0] =	vst.idx.add.f32.msk vm0, v6  }
0x1a7: {  	v8 =	vor.u32 v31, v8;
	v15 =	vand.u32 $0xFFFFFF80, v17;
	[tilespmem:v3+s10+$0x0] =	vst.idx.add.f32.msk $0xffff, v20  }
0x1a8: {  	v3 =	vor.u32 v24, v15;
	[tilespmem:v0+s10+$0x0] =	vst.idx.add.f32.msk $0xffff, v6  }
0x1a9: {  	v17 =	vadd.s32 v26, v4;
	[tilespmem:v5+s10+$0x0] =	vst.idx.add.f32.msk $0xffff, v18  }
0x1aa: {  	v15 =	vand.u32 $0xFFFFFF80, v17;
	[tilespmem:v7+s10+$0x0] =	vst.idx.add.f32.msk $0xffff, v20  }
0x1ab: {  	v0 =	vor.u32 v31, v15;
	v7 =	vld [tilespmem:$0x1FDB0]  }
0x1ac: {  	[tilespmem:v8+s10+$0x0] =	vst.idx.add.f32.msk $0xffff, v6  }
0x1ad: {  	v17 =	vadd.s32 v53, v4;
	[tilespmem:v3+s10+$0x0] =	vst.idx.add.f32.msk $0xffff, v13  }
0x1ae: {  	v4 =	vadd.s32 v10, v4;
	v15 =	vand.u32 $0xFFFFFF80, v17;
	v3 =	vld [tilespmem:$0x1FDC0]  }
0x1af: {  	v4 =	vand.u32 $0xFFFFFF80, v4;
	v5 =	vor.u32 v24, v15  }
0x1b0: {  	v4 =	vor.u32 v31, v4;
	[tilespmem:v0+s10+$0x0] =	vst.idx.add.f32.msk $0xffff, v11  }
0x1b1: {  	v0 =	vld [tilespmem:$0x1FDD0];
	v7 =	vor.u32 s19, v7;
	_ =	sdelay $0x1  }
0x1b2: {  	v3 =	vor.u32 s19, v3  }
0x1b3: {  	[tilespmem:v5+s10+$0x0] =	vst.idx.add.f32.msk $0xffff, v50  }
0x1b4: {  	[tilespmem:v4+s10+$0x0] =	vst.idx.add.f32.msk $0xffff, v12  }
0x1b5: {  	v0 =	vor.u32 s19, v0;
	v4 =	vld.idx.msk [tilespmem:v7+s2+$0x0], $0xffff  }
0x1b6: {  	v5 =	vld [tilespmem:$0x1FEA0]  }
0x1b7: {  	v3 =	vld.idx.msk [tilespmem:v3+s2+$0x0], $0xffff  }
0x1b8: {  	v10 =	vld [tilespmem:$0x1FC90];
	_ =	sdelay $0x1  }
0x1b9: {  	v0 =	vld.idx.msk [tilespmem:v0+s2+$0x0], $0xffff;
	v4 =	vmul.u32 $0x500, v4;
	_ =	sdelay $0x1  }
0x1ba: {  	v5 =	vor.u32 s19, v5;
	v3 =	vmul.u32 $0x500, v3;
	v7 =	vadd.s32 v48, v4  }
0x1bb: {  	v8 =	vadd.s32 v1, v4;
	v15 =	vadd.s32 v10, v4;
	v7 =	vand.u32 $0xFFFFFF80, v7  }
0x1bc: {  	v4 =	vadd.s32 v47, v4;
	v8 =	vand.u32 $0xFFFFFF80, v8;
	v7 =	vor.u32 v36, v7  }
0x1bd: {  	v0 =	vmul.u32 $0x500, v0;
	v15 =	vand.u32 $0xFFFFFF80, v15;
	v8 =	vor.u32 v16, v8  }
0x1be: {  	v19 =	vld [tilespmem:$0x1FC00];
	v4 =	vand.u32 $0xFFFFFF80, v4;
	v15 =	vor.u32 v36, v15;
	v17 =	vadd.s32 v48, v3  }
0x1bf: {  	v5 =	vld.idx.msk [tilespmem:v5+s2+$0x0], $0xffff;
	v4 =	vor.u32 v16, v4;
	v22 =	vadd.s32 v1, v3;
	v17 =	vand.u32 $0xFFFFFF80, v17  }
0x1c0: {  	v26 =	vadd.s32 v10, v3;
	v10 =	vld [tilespmem:$0x1FCA0];
	v22 =	vand.u32 $0xFFFFFF80, v22;
	v17 =	vor.u32 v36, v17  }
0x1c1: {  	v3 =	vadd.s32 v47, v3;
	[tilespmem:v7+s10+$0x0] =	vst.idx.add.f32.msk $0xffff, v11;
	v7 =	vor.u32 v16, v22;
	v22 =	vand.u32 $0xFFFFFF80, v26  }
0x1c2: {  	v3 =	vand.u32 $0xFFFFFF80, v3;
	[tilespmem:v8+s10+$0x0] =	vst.idx.add.f32.msk $0xffff, v13;
	v8 =	vor.u32 v36, v22;
	v22 =	vadd.s32 v1, v0  }
0x1c3: {  	v3 =	vor.u32 v16, v3;
	[tilespmem:v15+s10+$0x0] =	vst.idx.add.f32.msk $0xffff, v12;
	v15 =	vand.u32 $0xFFFFFF80, v22;
	v22 =	vadd.s32 v19, v0  }
0x1c4: {  	[tilespmem:v4+s10+$0x0] =	vst.idx.add.f32.msk $0xffff, v50;
	v4 =	vor.u32 v16, v15;
	v15 =	vand.u32 $0xFFFFFF80, v22;
	v22 =	vadd.s32 v47, v0  }
0x1c5: {  	v0 =	vadd.s32 v10, v0;
	[tilespmem:v17+s10+$0x0] =	vst.idx.add.f32.msk $0xffff, v18;
	v15 =	vor.u32 v38, v15;
	v17 =	vand.u32 $0xFFFFFF80, v22  }
0x1c6: {  	v0 =	vand.u32 $0xFFFFFF80, v0;
	[tilespmem:v7+s10+$0x0] =	vst.idx.add.f32.msk $0xffff, v6;
	v7 =	vor.u32 v16, v17  }
0x1c7: {  	v0 =	vor.u32 v38, v0;
	[tilespmem:v8+s10+$0x0] =	vst.idx.add.f32.msk $0xffff, v6  }
0x1c8: {  	[tilespmem:v3+s10+$0x0] =	vst.idx.add.f32.msk $0xffff, v20  }
0x1c9: {  	v5 =	vmul.u32 $0x500, v5;
	[tilespmem:v4+s10+$0x0] =	vst.idx.add.f32.msk $0xffff, v6  }
0x1ca: {  	[tilespmem:v15+s10+$0x0] =	vst.idx.add.f32.msk $0xffff, v18  }
0x1cb: {  	v1 =	vadd.s32 v1, v5;
	[tilespmem:v7+s10+$0x0] =	vst.idx.add.f32.msk $0xffff, v20  }
0x1cc: {  	v1 =	vand.u32 $0xFFFFFF80, v1;
	[tilespmem:v0+s10+$0x0] =	vst.idx.add.f32.msk $0xffff, v6  }
0x1cd: {  	v1 =	vor.u32 v16, v1;
	v8 =	vadd.s32 v19, v5;
	v0 =	vld [tilespmem:$0x1FEB0]  }
0x1ce: {  	v3 =	vand.u32 $0xFFFFFF80, v8;
	v8 =	vadd.s32 v47, v5  }
0x1cf: {  	v5 =	vadd.s32 v10, v5;
	v3 =	vor.u32 v38, v3;
	v4 =	vand.u32 $0xFFFFFF80, v8  }
0x1d0: {  	v5 =	vand.u32 $0xFFFFFF80, v5;
	v4 =	vor.u32 v16, v4  }
0x1d1: {  	v5 =	vor.u32 v38, v5  }
0x1d2: {  	[tilespmem:v1+s10+$0x0] =	vst.idx.add.f32.msk $0xffff, v13;
	v0 =	vor.u32 s19, v0  }
0x1d3: {  	v1 =	vld [tilespmem:$0x1FEC0]  }
0x1d4: {  	[tilespmem:v3+s10+$0x0] =	vst.idx.add.f32.msk $0xffff, v11  }
0x1d5: {  	[tilespmem:v4+s10+$0x0] =	vst.idx.add.f32.msk $0xffff, v50  }
0x1d6: {  	[tilespmem:v5+s10+$0x0] =	vst.idx.add.f32.msk $0xffff, v12  }
0x1d7: {  	v0 =	vld.idx.msk [tilespmem:v0+s2+$0x0], $0xffff  }
0x1d8: {  	v3 =	vld [tilespmem:$0x1FED0];
	_ =	sdelay $0x1  }
0x1d9: {  	v4 =	vld [tilespmem:$0x1FEE0];
	v1 =	vor.u32 s19, v1  }
0x1da: {  	v8 =	vld [tilespmem:$0x1FFE0]  }
0x1db: {  	v14 =	vld [tilespmem:$0x1FCC0];
	v0 =	vmul.u32 $0x500, v0  }
0x1dc: {  	v3 =	vor.u32 s19, v3  }
0x1dd: {  	v10 =	vld [tilespmem:$0x1FFE0];
	v5 =	vadd.s32 v49, v0  }
0x1de: {  	v4 =	vor.u32 s19, v4;
	v1 =	vld.idx.msk [tilespmem:v1+s2+$0x0], $0xffff;
	v7 =	vadd.s32 v25, v0;
	v5 =	vand.u32 $0xFFFFFF80, v5  }
0x1df: {  	v7 =	vand.u32 $0xFFFFFF80, v7;
	v5 =	vor.u32 v8, v5  }
0x1e0: {  	v8 =	vadd.s32 v14, v0;
	v7 =	vor.u32 v23, v7  }
0x1e1: {  	v3 =	vld.idx.msk [tilespmem:v3+s2+$0x0], $0xffff;
	v8 =	vand.u32 $0xFFFFFF80, v8  }
0x1e2: {  	v8 =	vor.u32 v10, v8;
	v10 =	vld [tilespmem:$0x1FFE0]  }
0x1e3: {  	v4 =	vld.idx.msk [tilespmem:v4+s2+$0x0], $0xffff;
	v1 =	vmul.u32 $0x500, v1  }
0x1e4: {  	[tilespmem:v5+s10+$0x0] =	vst.idx.add.f32.msk $0xffff, v11  }
0x1e5: {  	v15 =	vadd.s32 v49, v1;
	[tilespmem:v7+s10+$0x0] =	vst.idx.add.f32.msk $0xffff, v13  }
0x1e6: {  	v0 =	vadd.s32 v42, v0;
	v15 =	vand.u32 $0xFFFFFF80, v15;
	v7 =	vld [tilespmem:$0x1FFE0]  }
0x1e7: {  	v0 =	vand.u32 $0xFFFFFF80, v0;
	v15 =	vor.u32 v10, v15;
	v10 =	vld [tilespmem:$0x1FC10]  }
0x1e8: {  	v17 =	vadd.s32 v25, v1;
	v0 =	vor.u32 v23, v0  }
0x1e9: {  	v3 =	vmul.u32 $0x500, v3;
	v19 =	vadd.s32 v14, v1;
	v49 =	vld [tilespmem:$0x1FCD0];
	v17 =	vand.u32 $0xFFFFFF80, v17  }
0x1ea: {  	v1 =	vadd.s32 v42, v1;
	v5 =	vor.u32 v23, v17;
	v17 =	vand.u32 $0xFFFFFF80, v19  }
0x1eb: {  	v1 =	vand.u32 $0xFFFFFF80, v1;
	v7 =	vor.u32 v7, v17;
	v17 =	vadd.s32 v25, v3  }
0x1ec: {  	v1 =	vor.u32 v23, v1;
	[tilespmem:v8+s10+$0x0] =	vst.idx.add.f32.msk $0xffff, v12;
	v8 =	vand.u32 $0xFFFFFF80, v17;
	v17 =	vadd.s32 v10, v3  }
0x1ed: {  	[tilespmem:v0+s10+$0x0] =	vst.idx.add.f32.msk $0xffff, v50;
	v0 =	vor.u32 v23, v8;
	v8 =	vand.u32 $0xFFFFFF80, v17;
	v17 =	vadd.s32 v42, v3  }
0x1ee: {  	[tilespmem:v15+s10+$0x0] =	vst.idx.add.f32.msk $0xffff, v18;
	v3 =	vadd.s32 v49, v3;
	v8 =	vor.u32 v45, v8;
	v15 =	vand.u32 $0xFFFFFF80, v17  }
0x1ef: {  	[tilespmem:v5+s10+$0x0] =	vst.idx.add.f32.msk $0xffff, v6;
	v3 =	vand.u32 $0xFFFFFF80, v3;
	v5 =	vor.u32 v23, v15  }
0x1f0: {  	v3 =	vor.u32 v45, v3;
	[tilespmem:v7+s10+$0x0] =	vst.idx.add.f32.msk $0xffff, v6  }
0x1f1: {  	[tilespmem:v1+s10+$0x0] =	vst.idx.add.f32.msk $0xffff, v20  }
0x1f2: {  	v4 =	vmul.u32 $0x500, v4;
	[tilespmem:v0+s10+$0x0] =	vst.idx.add.f32.msk $0xffff, v6  }
0x1f3: {  	[tilespmem:v8+s10+$0x0] =	vst.idx.add.f32.msk $0xffff, v18  }
0x1f4: {  	v15 =	vadd.s32 v25, v4;
	[tilespmem:v5+s10+$0x0] =	vst.idx.add.f32.msk $0xffff, v20  }
0x1f5: {  	v7 =	vand.u32 $0xFFFFFF80, v15;
	[tilespmem:v3+s10+$0x0] =	vst.idx.add.f32.msk $0xffff, v6  }
0x1f6: {  	v15 =	vadd.s32 v10, v4;
	v1 =	vor.u32 v23, v7;
	v3 =	vld [tilespmem:$0x1FDE0]  }
0x1f7: {  	v7 =	vand.u32 $0xFFFFFF80, v15;
	v15 =	vadd.s32 v42, v4  }
0x1f8: {  	v4 =	vadd.s32 v49, v4;
	v0 =	vor.u32 v45, v7;
	v7 =	vand.u32 $0xFFFFFF80, v15  }
0x1f9: {  	v4 =	vand.u32 $0xFFFFFF80, v4;
	v7 =	vor.u32 v23, v7  }
0x1fa: {  	v4 =	vor.u32 v45, v4;
	v5 =	vld [tilespmem:$0x1FE00]  }
0x1fb: {  	[tilespmem:v1+s10+$0x0] =	vst.idx.add.f32.msk $0xffff, v13;
	v3 =	vor.u32 s19, v3  }
0x1fc: {  	v1 =	vld [tilespmem:$0x1FEF0]  }
0x1fd: {  	[tilespmem:v0+s10+$0x0] =	vst.idx.add.f32.msk $0xffff, v11  }
0x1fe: {  	[tilespmem:v7+s10+$0x0] =	vst.idx.add.f32.msk $0xffff, v50  }
0x1ff: {  	[tilespmem:v4+s10+$0x0] =	vst.idx.add.f32.msk $0xffff, v12  }
0x200: {  	v3 =	vld.idx.msk [tilespmem:v3+s2+$0x0], $0xffff;
	_ =	sdelay $0x1  }
0x201: {  	v0 =	vld [tilespmem:$0x1FDF0];
	v5 =	vor.u32 s19, v5  }
0x202: {  	v1 =	vor.u32 s19, v1  }
0x203: {  	v8 =	vld [tilespmem:$0x1FF90]  }
0x204: {  	v14 =	vld [tilespmem:$0x1FCF0];
	v3 =	vmul.u32 $0x500, v3  }
0x205: {  	v10 =	vld [tilespmem:$0x1FF90]  }
0x206: {  	v0 =	vor.u32 s19, v0;
	v4 =	vld.idx.msk [tilespmem:v5+s2+$0x0], $0xffff;
	v5 =	vadd.s32 v54, v3  }
0x207: {  	v1 =	vld.idx.msk [tilespmem:v1+s2+$0x0], $0xffff;
	v7 =	vadd.s32 v32, v3;
	v5 =	vand.u32 $0xFFFFFF80, v5  }
0x208: {  	v7 =	vand.u32 $0xFFFFFF80, v7;
	v5 =	vor.u32 v8, v5  }
0x209: {  	v7 =	vor.u32 v30, v7  }
0x20a: {  	v8 =	vadd.s32 v14, v3  }
0x20b: {  	v0 =	vld.idx.msk [tilespmem:v0+s2+$0x0], $0xffff;
	v8 =	vand.u32 $0xFFFFFF80, v8  }
0x20c: {  	v1 =	vmul.u32 $0x500, v1;
	v8 =	vor.u32 v10, v8;
	v10 =	vld [tilespmem:$0x1FF90]  }
0x20d: {  	[tilespmem:v5+s10+$0x0] =	vst.idx.add.f32.msk $0xffff, v11  }
0x20e: {  	v15 =	vadd.s32 v54, v1;
	v17 =	vadd.s32 v32, v1;
	[tilespmem:v7+s10+$0x0] =	vst.idx.add.f32.msk $0xffff, v13  }
0x20f: {  	v19 =	vadd.s32 v14, v1;
	v3 =	vadd.s32 v35, v3;
	v17 =	vand.u32 $0xFFFFFF80, v17;
	v7 =	vld [tilespmem:$0x1FF90]  }
0x210: {  	v3 =	vand.u32 $0xFFFFFF80, v3;
	v5 =	vor.u32 v30, v17;
	v17 =	vand.u32 $0xFFFFFF80, v19;
	v19 =	vld [tilespmem:$0x1FC20]  }
0x211: {  	v15 =	vand.u32 $0xFFFFFF80, v15;
	v3 =	vor.u32 v30, v3  }
0x212: {  	v0 =	vmul.u32 $0x500, v0;
	v15 =	vor.u32 v10, v15;
	v10 =	vld [tilespmem:$0x1FD00]  }
0x213: {  	v1 =	vadd.s32 v35, v1  }
0x214: {  	v1 =	vand.u32 $0xFFFFFF80, v1;
	v7 =	vor.u32 v7, v17;
	v17 =	vadd.s32 v32, v0  }
0x215: {  	v1 =	vor.u32 v30, v1;
	[tilespmem:v8+s10+$0x0] =	vst.idx.add.f32.msk $0xffff, v12;
	v8 =	vand.u32 $0xFFFFFF80, v17;
	v17 =	vadd.s32 v19, v0  }
0x216: {  	[tilespmem:v3+s10+$0x0] =	vst.idx.add.f32.msk $0xffff, v50;
	v3 =	vor.u32 v30, v8;
	v8 =	vand.u32 $0xFFFFFF80, v17;
	v17 =	vadd.s32 v35, v0  }
0x217: {  	[tilespmem:v15+s10+$0x0] =	vst.idx.add.f32.msk $0xffff, v18;
	v0 =	vadd.s32 v10, v0;
	v8 =	vor.u32 v57, v8;
	v15 =	vand.u32 $0xFFFFFF80, v17  }
0x218: {  	[tilespmem:v5+s10+$0x0] =	vst.idx.add.f32.msk $0xffff, v6;
	v0 =	vand.u32 $0xFFFFFF80, v0;
	v5 =	vor.u32 v30, v15  }
0x219: {  	v0 =	vor.u32 v57, v0;
	[tilespmem:v7+s10+$0x0] =	vst.idx.add.f32.msk $0xffff, v6  }
0x21a: {  	[tilespmem:v1+s10+$0x0] =	vst.idx.add.f32.msk $0xffff, v20  }
0x21b: {  	v4 =	vmul.u32 $0x500, v4;
	[tilespmem:v3+s10+$0x0] =	vst.idx.add.f32.msk $0xffff, v6  }
0x21c: {  	[tilespmem:v8+s10+$0x0] =	vst.idx.add.f32.msk $0xffff, v18  }
0x21d: {  	v15 =	vadd.s32 v32, v4;
	[tilespmem:v5+s10+$0x0] =	vst.idx.add.f32.msk $0xffff, v20  }
0x21e: {  	v7 =	vand.u32 $0xFFFFFF80, v15;
	[tilespmem:v0+s10+$0x0] =	vst.idx.add.f32.msk $0xffff, v6  }
0x21f: {  	v15 =	vadd.s32 v19, v4;
	v1 =	vor.u32 v30, v7;
	v0 =	vld [tilespmem:$0x1FE10]  }
0x220: {  	v7 =	vand.u32 $0xFFFFFF80, v15;
	v15 =	vadd.s32 v35, v4  }
0x221: {  	v4 =	vadd.s32 v10, v4;
	v3 =	vor.u32 v57, v7;
	v7 =	vand.u32 $0xFFFFFF80, v15  }
0x222: {  	v4 =	vand.u32 $0xFFFFFF80, v4;
	v7 =	vor.u32 v30, v7  }
0x223: {  	v62 =	vld [tilespmem:$0x1FE30];
	v4 =	vor.u32 v57, v4  }
0x224: {  	[tilespmem:v1+s10+$0x0] =	vst.idx.add.f32.msk $0xffff, v13;
	v0 =	vor.u32 s19, v0  }
0x225: {  	v1 =	vld [tilespmem:$0x1FE20]  }
0x226: {  	[tilespmem:v3+s10+$0x0] =	vst.idx.add.f32.msk $0xffff, v11  }
0x227: {  	[tilespmem:v7+s10+$0x0] =	vst.idx.add.f32.msk $0xffff, v50  }
0x228: {  	[tilespmem:v4+s10+$0x0] =	vst.idx.add.f32.msk $0xffff, v12  }
0x229: {  	v0 =	vld.idx.msk [tilespmem:v0+s2+$0x0], $0xffff;
	_ =	sdelay $0x1  }
0x22a: {  	v5 =	vor.u32 s19, v62;
	v3 =	vld [tilespmem:$0x1FF00];
	_ =	sdelay $0x1  }
0x22b: {  	v8 =	vld [tilespmem:$0x1FFF0]  }
0x22c: {  	v1 =	vor.u32 s19, v1;
	v0 =	vmul.u32 $0x500, v0  }
0x22d: {  	v10 =	vld [tilespmem:$0x1FD40]  }
0x22e: {  	v4 =	vld.idx.msk [tilespmem:v5+s2+$0x0], $0xffff;
	v3 =	vor.u32 s19, v3;
	v5 =	vadd.s32 v55, v0  }
0x22f: {  	v14 =	vld [tilespmem:$0x1FFF0];
	v7 =	vadd.s32 v39, v0;
	v5 =	vand.u32 $0xFFFFFF80, v5  }
0x230: {  	v7 =	vand.u32 $0xFFFFFF80, v7;
	v5 =	vor.u32 v8, v5  }
0x231: {  	v1 =	vld.idx.msk [tilespmem:v1+s2+$0x0], $0xffff;
	v7 =	vor.u32 v37, v7  }
0x232: {  	v8 =	vadd.s32 v10, v0  }
0x233: {  	v3 =	vld.idx.msk [tilespmem:v3+s2+$0x0], $0xffff;
	v8 =	vand.u32 $0xFFFFFF80, v8  }
0x234: {  	v8 =	vor.u32 v14, v8;
	v14 =	vld [tilespmem:$0x1FFF0]  }
0x235: {  	[tilespmem:v5+s10+$0x0] =	vst.idx.add.f32.msk $0xffff, v11  }
0x236: {  	v1 =	vmul.u32 $0x500, v1;
	[tilespmem:v7+s10+$0x0] =	vst.idx.add.f32.msk $0xffff, v13  }
0x237: {  	v0 =	vadd.s32 v33, v0;
	v7 =	vld [tilespmem:$0x1FFF0]  }
0x238: {  	v3 =	vmul.u32 $0x500, v3;
	v15 =	vadd.s32 v55, v1;
	v0 =	vand.u32 $0xFFFFFF80, v0  }
0x239: {  	v17 =	vadd.s32 v39, v1;
	v15 =	vand.u32 $0xFFFFFF80, v15;
	v0 =	vor.u32 v37, v0  }
0x23a: {  	v19 =	vadd.s32 v10, v1;
	v17 =	vand.u32 $0xFFFFFF80, v17;
	v10 =	vld [tilespmem:$0x1FD50];
	v15 =	vor.u32 v14, v15  }
0x23b: {  	v1 =	vadd.s32 v33, v1;
	v5 =	vor.u32 v37, v17;
	v17 =	vand.u32 $0xFFFFFF80, v19  }
0x23c: {  	v1 =	vand.u32 $0xFFFFFF80, v1;
	v7 =	vor.u32 v7, v17;
	v17 =	vadd.s32 v39, v3  }
0x23d: {  	v1 =	vor.u32 v37, v1;
	[tilespmem:v8+s10+$0x0] =	vst.idx.add.f32.msk $0xffff, v12;
	v8 =	vand.u32 $0xFFFFFF80, v17;
	v17 =	vadd.s32 v34, v3  }
0x23e: {  	[tilespmem:v0+s10+$0x0] =	vst.idx.add.f32.msk $0xffff, v50;
	v0 =	vor.u32 v37, v8;
	v8 =	vand.u32 $0xFFFFFF80, v17;
	v17 =	vadd.s32 v33, v3  }
0x23f: {  	[tilespmem:v15+s10+$0x0] =	vst.idx.add.f32.msk $0xffff, v18;
	v3 =	vadd.s32 v10, v3;
	v8 =	vor.u32 v59, v8;
	v15 =	vand.u32 $0xFFFFFF80, v17  }
0x240: {  	[tilespmem:v5+s10+$0x0] =	vst.idx.add.f32.msk $0xffff, v6;
	v3 =	vand.u32 $0xFFFFFF80, v3;
	v5 =	vor.u32 v37, v15  }
0x241: {  	v3 =	vor.u32 v59, v3;
	[tilespmem:v7+s10+$0x0] =	vst.idx.add.f32.msk $0xffff, v6  }
0x242: {  	[tilespmem:v1+s10+$0x0] =	vst.idx.add.f32.msk $0xffff, v20  }
0x243: {  	v4 =	vmul.u32 $0x500, v4;
	[tilespmem:v0+s10+$0x0] =	vst.idx.add.f32.msk $0xffff, v6  }
0x244: {  	[tilespmem:v8+s10+$0x0] =	vst.idx.add.f32.msk $0xffff, v18  }
0x245: {  	v15 =	vadd.s32 v39, v4;
	[tilespmem:v5+s10+$0x0] =	vst.idx.add.f32.msk $0xffff, v20  }
0x246: {  	v7 =	vand.u32 $0xFFFFFF80, v15;
	v15 =	vadd.s32 v34, v4;
	[tilespmem:v3+s10+$0x0] =	vst.idx.add.f32.msk $0xffff, v6  }
0x247: {  	v1 =	vor.u32 v37, v7;
	v7 =	vand.u32 $0xFFFFFF80, v15;
	v3 =	vld [tilespmem:$0x1FF30]  }
0x248: {  	v15 =	vadd.s32 v33, v4;
	v0 =	vor.u32 v59, v7  }
0x249: {  	v4 =	vadd.s32 v10, v4;
	v7 =	vand.u32 $0xFFFFFF80, v15  }
0x24a: {  	v4 =	vand.u32 $0xFFFFFF80, v4;
	v7 =	vor.u32 v37, v7  }
0x24b: {  	v4 =	vor.u32 v59, v4  }
0x24c: {  	[tilespmem:v1+s10+$0x0] =	vst.idx.add.f32.msk $0xffff, v13;
	v3 =	vor.u32 s19, v3  }
0x24d: {  	[tilespmem:v0+s10+$0x0] =	vst.idx.add.f32.msk $0xffff, v11  }
0x24e: {  	v0 =	vld [tilespmem:$0x1FF40]  }
0x24f: {  	[tilespmem:v7+s10+$0x0] =	vst.idx.add.f32.msk $0xffff, v50  }
0x250: {  	[tilespmem:v4+s10+$0x0] =	vst.idx.add.f32.msk $0xffff, v12  }
0x251: {  	v3 =	vld.idx.msk [tilespmem:v3+s2+$0x0], $0xffff  }
0x252: {  	v1 =	vld [tilespmem:$0x1FF50]  }
0x253: {  	v4 =	vld [tilespmem:$0x1FE40];
	_ =	sdelay $0x1  }
0x254: {  	v8 =	vld [tilespmem:$0x1FF10];
	v0 =	vor.u32 s19, v0  }
0x255: {  	v3 =	vmul.u32 $0x500, v3  }
0x256: {  	v19 =	vld [tilespmem:$0x1FCB0];
	v1 =	vor.u32 s19, v1  }
0x257: {  	v4 =	vor.u32 s19, v4;
	v5 =	vadd.s32 v28, v3  }
0x258: {  	v10 =	vld [tilespmem:$0x1FF10];
	v7 =	vadd.s32 v46, v3;
	v5 =	vand.u32 $0xFFFFFF80, v5  }
0x259: {  	v0 =	vld.idx.msk [tilespmem:v0+s2+$0x0], $0xffff;
	v7 =	vand.u32 $0xFFFFFF80, v7;
	v5 =	vor.u32 v8, v5  }
0x25a: {  	v7 =	vor.u32 v44, v7  }
0x25b: {  	v1 =	vld.idx.msk [tilespmem:v1+s2+$0x0], $0xffff;
	v8 =	vadd.s32 v19, v3  }
0x25c: {  	v4 =	vld.idx.msk [tilespmem:v4+s2+$0x0], $0xffff;
	v8 =	vand.u32 $0xFFFFFF80, v8  }
0x25d: {  	v8 =	vor.u32 v10, v8;
	v10 =	vld [tilespmem:$0x1FF10]  }
0x25e: {  	v0 =	vmul.u32 $0x500, v0;
	[tilespmem:v5+s10+$0x0] =	vst.idx.add.f32.msk $0xffff, v11  }
0x25f: {  	v3 =	vadd.s32 v27, v3;
	[tilespmem:v7+s10+$0x0] =	vst.idx.add.f32.msk $0xffff, v13  }
0x260: {  	v15 =	vadd.s32 v28, v0;
	v3 =	vand.u32 $0xFFFFFF80, v3;
	v7 =	vld [tilespmem:$0x1FF10]  }
0x261: {  	v17 =	vadd.s32 v46, v0;
	v15 =	vand.u32 $0xFFFFFF80, v15;
	v3 =	vor.u32 v44, v3  }
0x262: {  	v17 =	vand.u32 $0xFFFFFF80, v17;
	v15 =	vor.u32 v10, v15  }
0x263: {  	v19 =	vadd.s32 v19, v0;
	v5 =	vor.u32 v44, v17  }
0x264: {  	v0 =	vadd.s32 v27, v0;
	v17 =	vand.u32 $0xFFFFFF80, v19;
	[tilespmem:v8+s10+$0x0] =	vst.idx.add.f32.msk $0xffff, v12  }
0x265: {  	v0 =	vand.u32 $0xFFFFFF80, v0;
	v10 =	vld [tilespmem:$0x1FCE0];
	v7 =	vor.u32 v7, v17  }
0x266: {  	v0 =	vor.u32 v44, v0;
	[tilespmem:v3+s10+$0x0] =	vst.idx.add.f32.msk $0xffff, v50  }
0x267: {  	[tilespmem:v15+s10+$0x0] =	vst.idx.add.f32.msk $0xffff, v18  }
0x268: {  	[tilespmem:v5+s10+$0x0] =	vst.idx.add.f32.msk $0xffff, v6  }
0x269: {  	v1 =	vmul.u32 $0x500, v1;
	v5 =	vld [tilespmem:$0x1FF20]  }
0x26a: {  	[tilespmem:v7+s10+$0x0] =	vst.idx.add.f32.msk $0xffff, v6  }
0x26b: {  	v17 =	vadd.s32 v46, v1;
	[tilespmem:v0+s10+$0x0] =	vst.idx.add.f32.msk $0xffff, v20  }
0x26c: {  	v8 =	vand.u32 $0xFFFFFF80, v17;
	v0 =	vld [tilespmem:$0x1FF20]  }
0x26d: {  	v3 =	vor.u32 v44, v8;
	v8 =	vadd.s32 v40, v1  }
0x26e: {  	v4 =	vmul.u32 $0x500, v4;
	v15 =	vadd.s32 v27, v1;
	v8 =	vand.u32 $0xFFFFFF80, v8  }
0x26f: {  	v1 =	vadd.s32 v10, v1;
	v5 =	vor.u32 v5, v8;
	v8 =	vand.u32 $0xFFFFFF80, v15  }
0x270: {  	[tilespmem:$0x1FC50] =	vst v21;
	v21 =	vld [tilespmem:$0x1FE90];
	v1 =	vand.u32 $0xFFFFFF80, v1;
	v7 =	vor.u32 v44, v8  }
0x271: {  	v8 =	vadd.s32 v46, v4;
	v0 =	vor.u32 v0, v1  }
0x272: {  	[tilespmem:v3+s10+$0x0] =	vst.idx.add.f32.msk $0xffff, v6;
	v1 =	vand.u32 $0xFFFFFF80, v8;
	v8 =	vadd.s32 v40, v4  }
0x273: {  	v3 =	vand.u32 $0xFFFFFF80, v8;
	v8 =	vld [tilespmem:$0x1FF20]  }
0x274: {  	s30 =	sadd.s32 $0xFFFFFE00, s14;
	[tilespmem:v5+s10+$0x0] =	vst.idx.add.f32.msk $0xffff, v18  }
0x275: {  	v17 =	vor.u32 s30, v21;
	[tilespmem:v7+s10+$0x0] =	vst.idx.add.f32.msk $0xffff, v20  }
0x276: {  	[tilespmem:v0+s10+$0x0] =	vst.idx.add.f32.msk $0xffff, v6  }
0x277: {  	v0 =	vld [tilespmem:$0x1FF20]  }
0x278: {  	v1 =	vor.u32 v44, v1  }
0x279: {  	v56 =	vld [tilespmem:$0x1FD90];
	v3 =	vor.u32 v8, v3;
	v8 =	vadd.s32 v27, v4  }
0x27a: {  	v15 =	vld.idx.msk [tilespmem:v17+s2+$0x0], $0xffff;
	v4 =	vadd.s32 v10, v4;
	v5 =	vand.u32 $0xFFFFFF80, v8  }
0x27b: {  	v8 =	vld [tilespmem:$0x1FD80];
	v4 =	vand.u32 $0xFFFFFF80, v4;
	v5 =	vor.u32 v44, v5  }
0x27c: {  	v7 =	vld [tilespmem:$0x1FE70];
	v0 =	vor.u32 v0, v4  }
0x27d: {  	[tilespmem:v1+s10+$0x0] =	vst.idx.add.f32.msk $0xffff, v13  }
0x27e: {  	v1 =	vld [tilespmem:$0x1FE50]  }
0x27f: {  	[tilespmem:v3+s10+$0x0] =	vst.idx.add.f32.msk $0xffff, v11  }
0x280: {  	v8 =	vor.u32 s30, v8;
	[tilespmem:v5+s10+$0x0] =	vst.idx.add.f32.msk $0xffff, v50  }
0x281: {  	[tilespmem:v0+s10+$0x0] =	vst.idx.add.f32.msk $0xffff, v12  }
0x282: {  	v0 =	vld [tilespmem:$0x1FDA0]  }
0x283: {  	v26 =	vld [tilespmem:$0x1FD30]  }
0x284: {  	s31 =	smin.u32 s16, $0x7E;
	v25 =	vld [tilespmem:$0x1FC30];
	v4 =	vmul.u32 $0x500, v15;
	v1 =	vor.u32 s19, v1  }
0x285: {  	s17 =	ssub.s32 s31, s4;
	v7 =	vor.u32 s19, v7;
	v8 =	vld.idx.msk [tilespmem:v8+s2+$0x0], $0xffff  }
0x286: {  	s17 =	sshll.u32 s17, $0x7;
	v28 =	vld [tilespmem:$0x1FF60];
	v15 =	vadd.s32 v41, v4;
	v5 =	vor.u32 s30, v56  }
0x287: {  	s17 =	sadd.s32 $0x100, s17;
	v10 =	vld [tilespmem:$0x1FC80];
	v15 =	vand.u32 $0xFFFFFF80, v15;
	v0 =	vor.u32 s30, v0  }
0x288: {  	v48 =	vor.u32 s17, v29;
	v3 =	vld [tilespmem:$0x1FE60];
	v17 =	vadd.s32 v53, v4;
	v15 =	vor.u32 v29, v15  }
0x289: {  	v32 =	vor.u32 s17, v24;
	v19 =	vadd.s32 v48, v4;
	v17 =	vand.u32 $0xFFFFFF80, v17;
	v1 =	vld.idx.msk [tilespmem:v1+s2+$0x0], $0xffff  }
0x28a: {  	v19 =	vand.u32 $0xFFFFFF80, v19;
	v17 =	vor.u32 v24, v17;
	v7 =	vld.idx.msk [tilespmem:v7+s2+$0x0], $0xffff;
	v8 =	vmul.u32 $0x500, v8  }
0x28b: {  	v4 =	vadd.s32 v32, v4;
	v19 =	vor.u32 v29, v19;
	v5 =	vld.idx.msk [tilespmem:v5+s2+$0x0], $0xffff  }
0x28c: {  	v4 =	vand.u32 $0xFFFFFF80, v4;
	v21 =	vadd.s32 v41, v8;
	v0 =	vld.idx.msk [tilespmem:v0+s2+$0x0], $0xffff  }
0x28d: {  	v4 =	vor.u32 v24, v4;
	[tilespmem:v15+s10+$0x0] =	vst.idx.add.f32.msk $0x1, v12;
	v21 =	vand.u32 $0xFFFFFF80, v21  }
0x28e: {  	[tilespmem:v15+s10+$0x0] =	vst.idx.add.f32.msk vm0, v12;
	v15 =	vor.u32 v29, v21;
	v21 =	vadd.s32 v53, v8  }
0x28f: {  	[tilespmem:v17+s10+$0x0] =	vst.idx.add.f32.msk $0xffff, v50;
	v17 =	vand.u32 $0xFFFFFF80, v21;
	v21 =	vadd.s32 v48, v8  }
0x290: {  	[tilespmem:v19+s10+$0x0] =	vst.idx.add.f32.msk $0x1, v11;
	v17 =	vor.u32 v24, v17;
	v21 =	vand.u32 $0xFFFFFF80, v21  }
0x291: {  	[tilespmem:v19+s10+$0x0] =	vst.idx.add.f32.msk vm0, v11;
	v19 =	vor.u32 v29, v21  }
0x292: {  	v5 =	vmul.u32 $0x500, v5;
	[tilespmem:v4+s10+$0x0] =	vst.idx.add.f32.msk $0xffff, v13  }
0x293: {  	v40 =	vor.u32 s17, v31;
	v3 =	vor.u32 s19, v3;
	v8 =	vadd.s32 v32, v8;
	[tilespmem:v15+s10+$0x0] =	vst.idx.add.f32.msk $0x1, v6  }
0x294: {  	v21 =	vadd.s32 v10, v5;
	v4 =	vand.u32 $0xFFFFFF80, v8;
	v8 =	vadd.s32 v53, v5;
	[tilespmem:v15+s10+$0x0] =	vst.idx.add.f32.msk vm0, v6  }
0x295: {  	v0 =	vmul.u32 $0x500, v0;
	v4 =	vor.u32 v24, v4;
	v8 =	vand.u32 $0xFFFFFF80, v8;
	[tilespmem:v17+s10+$0x0] =	vst.idx.add.f32.msk $0xffff, v20  }
0x296: {  	v8 =	vor.u32 v24, v8;
	v15 =	vand.u32 $0xFFFFFF80, v21;
	v21 =	vadd.s32 v32, v5;
	[tilespmem:v19+s10+$0x0] =	vst.idx.add.f32.msk $0x1, v18  }
0x297: {  	v15 =	vor.u32 v31, v15;
	v17 =	vand.u32 $0xFFFFFF80, v21;
	v21 =	vadd.s32 v53, v0;
	[tilespmem:v19+s10+$0x0] =	vst.idx.add.f32.msk vm0, v18  }
0x298: {  	v5 =	vadd.s32 v40, v5;
	v19 =	vand.u32 $0xFFFFFF80, v21;
	v21 =	vadd.s32 v10, v0;
	v10 =	vld [tilespmem:$0x1FE80]  }
0x299: {  	v3 =	vld.idx.msk [tilespmem:v3+s2+$0x0], $0xffff;
	v5 =	vand.u32 $0xFFFFFF80, v5;
	v17 =	vor.u32 v24, v17  }
0x29a: {  	v5 =	vor.u32 v31, v5;
	[tilespmem:v4+s10+$0x0] =	vst.idx.add.f32.msk $0xffff, v6  }
0x29b: {  	v4 =	vor.u32 v24, v19;
	v19 =	vand.u32 $0xFFFFFF80, v21;
	v21 =	vadd.s32 v32, v0;
	[tilespmem:v8+s10+$0x0] =	vst.idx.add.f32.msk $0xffff, v20  }
0x29c: {  	v8 =	vor.u32 v31, v19;
	v19 =	vand.u32 $0xFFFFFF80, v21;
	[tilespmem:v15+s10+$0x0] =	vst.idx.add.f32.msk $0xffff, v6  }
0x29d: {  	v15 =	vor.u32 v24, v19;
	v19 =	vor.u32 s19, v10;
	v10 =	vld [tilespmem:$0x1FF60]  }
0x29e: {  	v1 =	vmul.u32 $0x500, v1;
	[tilespmem:v17+s10+$0x0] =	vst.idx.add.f32.msk $0xffff, v6  }
0x29f: {  	[tilespmem:v5+s10+$0x0] =	vst.idx.add.f32.msk $0xffff, v18  }
0x2a0: {  	v21 =	vadd.s32 v25, v1;
	v5 =	vld [tilespmem:$0x1FDB0]  }
0x2a1: {  	v0 =	vadd.s32 v40, v0;
	v17 =	vand.u32 $0xFFFFFF80, v21;
	[tilespmem:v4+s10+$0x0] =	vst.idx.add.f32.msk $0xffff, v50  }
0x2a2: {  	v0 =	vand.u32 $0xFFFFFF80, v0;
	v17 =	vor.u32 v10, v17;
	v10 =	vld [tilespmem:$0x1FEA0]  }
0x2a3: {  	v0 =	vor.u32 v31, v0;
	v4 =	vld [tilespmem:$0x1FDC0]  }
0x2a4: {  	[tilespmem:v8+s10+$0x0] =	vst.idx.add.f32.msk $0xffff, v12  }
0x2a5: {  	v8 =	vld [tilespmem:$0x1FDD0]  }
0x2a6: {  	v22 =	vadd.s32 v26, v1;
	[tilespmem:v15+s10+$0x0] =	vst.idx.add.f32.msk $0xffff, v13;
	v5 =	vor.u32 s30, v5  }
0x2a7: {  	v3 =	vmul.u32 $0x500, v3;
	v21 =	vadd.s32 v63, v1;
	v15 =	vor.u32 s30, v10;
	v10 =	vld [tilespmem:$0x1FF60]  }
0x2a8: {  	v1 =	vadd.s32 v61, v1;
	v21 =	vand.u32 $0xFFFFFF80, v21;
	[tilespmem:v0+s10+$0x0] =	vst.idx.add.f32.msk $0xffff, v11;
	v4 =	vor.u32 s30, v4  }
0x2a9: {  	v21 =	vor.u32 v51, v21;
	v0 =	vand.u32 $0xFFFFFF80, v1;
	v1 =	vadd.s32 v25, v3;
	v25 =	vld [tilespmem:$0x1FF60]  }
0x2aa: {  	v19 =	vld.idx.msk [tilespmem:v19+s2+$0x0], $0xffff;
	v8 =	vor.u32 s30, v8  }
0x2ab: {  	v22 =	vand.u32 $0xFFFFFF80, v22;
	v5 =	vld.idx.msk [tilespmem:v5+s2+$0x0], $0xffff  }
0x2ac: {  	[tilespmem:v17+s10+$0x0] =	vst.idx.add.f32.msk $0xffff, v11;
	v22 =	vor.u32 v10, v22  }
0x2ad: {  	v4 =	vld.idx.msk [tilespmem:v4+s2+$0x0], $0xffff  }
0x2ae: {  	[tilespmem:v21+s10+$0x0] =	vst.idx.add.f32.msk $0xffff, v13  }
0x2af: {  	v8 =	vld.idx.msk [tilespmem:v8+s2+$0x0], $0xffff  }
0x2b0: {  	v15 =	vld.idx.msk [tilespmem:v15+s2+$0x0], $0xffff  }
0x2b1: {  	v7 =	vmul.u32 $0x500, v7;
	v0 =	vor.u32 v51, v0;
	v1 =	vand.u32 $0xFFFFFF80, v1;
	[tilespmem:v22+s10+$0x0] =	vst.idx.add.f32.msk $0xffff, v12  }
0x2b2: {  	v1 =	vor.u32 v25, v1;
	v10 =	vadd.s32 v63, v3;
	v14 =	vld [tilespmem:$0x1FC90]  }
0x2b3: {  	v25 =	vadd.s32 v26, v3;
	v26 =	vadd.s32 v63, v7;
	v10 =	vand.u32 $0xFFFFFF80, v10  }
0x2b4: {  	v25 =	vand.u32 $0xFFFFFF80, v25;
	v3 =	vadd.s32 v61, v3;
	v10 =	vor.u32 v51, v10  }
0x2b5: {  	v41 =	vor.u32 v28, v25;
	v5 =	vmul.u32 $0x500, v5;
	v3 =	vand.u32 $0xFFFFFF80, v3  }
0x2b6: {  	v25 =	vand.u32 $0xFFFFFF80, v26;
	v3 =	vor.u32 v51, v3;
	[tilespmem:v0+s10+$0x0] =	vst.idx.add.f32.msk $0xffff, v50  }
0x2b7: {  	v46 =	vor.u32 s17, v36;
	v17 =	vor.u32 v51, v25;
	v22 =	vld [tilespmem:$0x1FC40];
	v21 =	vadd.s32 v14, v5  }
0x2b8: {  	v28 =	vor.u32 s17, v16;
	v0 =	vmul.u32 $0x500, v15;
	[tilespmem:v1+s10+$0x0] =	vst.idx.add.f32.msk $0xffff, v18;
	v15 =	vand.u32 $0xFFFFFF80, v21  }
0x2b9: {  	v4 =	vmul.u32 $0x500, v4;
	[tilespmem:v10+s10+$0x0] =	vst.idx.add.f32.msk $0xffff, v6;
	v21 =	vadd.s32 v47, v5;
	v1 =	vor.u32 v36, v15  }
0x2ba: {  	v8 =	vmul.u32 $0x500, v8;
	[tilespmem:v41+s10+$0x0] =	vst.idx.add.f32.msk $0xffff, v6;
	v15 =	vand.u32 $0xFFFFFF80, v21;
	v21 =	vadd.s32 v46, v5  }
0x2bb: {  	[tilespmem:v3+s10+$0x0] =	vst.idx.add.f32.msk $0xffff, v20;
	v5 =	vadd.s32 v28, v5;
	v10 =	vor.u32 v16, v15;
	v15 =	vand.u32 $0xFFFFFF80, v21  }
0x2bc: {  	[tilespmem:v17+s10+$0x0] =	vst.idx.add.f32.msk $0xffff, v6;
	v5 =	vand.u32 $0xFFFFFF80, v5;
	v21 =	vadd.s32 v14, v4;
	v15 =	vor.u32 v36, v15  }
0x2bd: {  	v14 =	vld [tilespmem:$0x1FCA0];
	v3 =	vor.u32 v16, v5;
	v5 =	vand.u32 $0xFFFFFF80, v21;
	v21 =	vadd.s32 v47, v4  }
0x2be: {  	v5 =	vor.u32 v36, v5;
	v17 =	vand.u32 $0xFFFFFF80, v21;
	v21 =	vadd.s32 v46, v4;
	[tilespmem:v1+s10+$0x0] =	vst.idx.add.f32.msk $0xffff, v12  }
0x2bf: {  	v4 =	vadd.s32 v28, v4;
	v1 =	vor.u32 v16, v17;
	v17 =	vand.u32 $0xFFFFFF80, v21;
	v21 =	vld [tilespmem:$0x1FD60]  }
0x2c0: {  	v4 =	vand.u32 $0xFFFFFF80, v4;
	[tilespmem:v10+s10+$0x0] =	vst.idx.add.f32.msk $0xffff, v50;
	v10 =	vor.u32 v36, v17;
	v17 =	vadd.s32 v47, v8  }
0x2c1: {  	v4 =	vor.u32 v16, v4;
	[tilespmem:v15+s10+$0x0] =	vst.idx.add.f32.msk $0xffff, v11;
	v15 =	vand.u32 $0xFFFFFF80, v17  }
0x2c2: {  	v17 =	vadd.s32 v14, v8;
	[tilespmem:v3+s10+$0x0] =	vst.idx.add.f32.msk $0xffff, v13;
	v3 =	vor.u32 v16, v15  }
0x2c3: {  	v25 =	vor.u32 s17, v38;
	v15 =	vand.u32 $0xFFFFFF80, v17;
	v17 =	vadd.s32 v28, v8;
	[tilespmem:v5+s10+$0x0] =	vst.idx.add.f32.msk $0xffff, v6  }
0x2c4: {  	v8 =	vadd.s32 v25, v8;
	v5 =	vor.u32 v38, v15;
	v15 =	vand.u32 $0xFFFFFF80, v17;
	[tilespmem:v1+s10+$0x0] =	vst.idx.add.f32.msk $0xffff, v20  }
0x2c5: {  	v8 =	vand.u32 $0xFFFFFF80, v8;
	v1 =	vor.u32 v16, v15;
	v15 =	vadd.s32 v47, v0;
	[tilespmem:v10+s10+$0x0] =	vst.idx.add.f32.msk $0xffff, v18  }
0x2c6: {  	v8 =	vor.u32 v38, v8;
	v10 =	vand.u32 $0xFFFFFF80, v15;
	v15 =	vadd.s32 v14, v0;
	[tilespmem:v4+s10+$0x0] =	vst.idx.add.f32.msk $0xffff, v6  }
0x2c7: {  	v4 =	vor.u32 v16, v10;
	v10 =	vand.u32 $0xFFFFFF80, v15;
	v15 =	vadd.s32 v28, v0;
	[tilespmem:v3+s10+$0x0] =	vst.idx.add.f32.msk $0xffff, v20  }
0x2c8: {  	v3 =	vor.u32 v38, v10;
	v10 =	vand.u32 $0xFFFFFF80, v15;
	v15 =	vld [tilespmem:$0x1FF70]  }
0x2c9: {  	v0 =	vadd.s32 v25, v0;
	[tilespmem:v5+s10+$0x0] =	vst.idx.add.f32.msk $0xffff, v6  }
0x2ca: {  	v0 =	vand.u32 $0xFFFFFF80, v0;
	v5 =	vor.u32 v16, v10;
	[tilespmem:v1+s10+$0x0] =	vst.idx.add.f32.msk $0xffff, v6  }
0x2cb: {  	v0 =	vor.u32 v38, v0;
	v1 =	vld [tilespmem:$0x1FEB0]  }
0x2cc: {  	[tilespmem:v8+s10+$0x0] =	vst.idx.add.f32.msk $0xffff, v18  }
0x2cd: {  	v10 =	vmul.u32 $0x500, v19;
	[tilespmem:v4+s10+$0x0] =	vst.idx.add.f32.msk $0xffff, v50  }
0x2ce: {  	v8 =	vadd.s32 v22, v7;
	[tilespmem:v3+s10+$0x0] =	vst.idx.add.f32.msk $0xffff, v12  }
0x2cf: {  	v17 =	vadd.s32 v63, v10;
	v8 =	vand.u32 $0xFFFFFF80, v8;
	[tilespmem:v5+s10+$0x0] =	vst.idx.add.f32.msk $0xffff, v13  }
0x2d0: {  	v8 =	vor.u32 v15, v8;
	v15 =	vadd.s32 v61, v7;
	[tilespmem:v0+s10+$0x0] =	vst.idx.add.f32.msk $0xffff, v11  }
0x2d1: {  	v0 =	vand.u32 $0xFFFFFF80, v15;
	v15 =	vand.u32 $0xFFFFFF80, v17;
	v17 =	vld [tilespmem:$0x1FF70]  }
0x2d2: {  	v4 =	vld [tilespmem:$0x1FEC0]  }
0x2d3: {  	v14 =	vld [tilespmem:$0x1FCC0];
	v1 =	vor.u32 s30, v1  }
0x2d4: {  	v3 =	vld [tilespmem:$0x1FED0];
	v7 =	vadd.s32 v21, v7;
	v0 =	vor.u32 v51, v0  }
0x2d5: {  	v19 =	vadd.s32 v61, v10;
	v5 =	vld [tilespmem:$0x1FEE0];
	v7 =	vand.u32 $0xFFFFFF80, v7  }
0x2d6: {  	v7 =	vor.u32 v17, v7;
	v17 =	vadd.s32 v22, v10;
	v10 =	vadd.s32 v21, v10;
	v21 =	vld [tilespmem:$0x1FF70]  }
0x2d7: {  	v4 =	vor.u32 s30, v4;
	[tilespmem:v8+s10+$0x0] =	vst.idx.add.f32.msk $0xffff, v18  }
0x2d8: {  	v1 =	vld.idx.msk [tilespmem:v1+s2+$0x0], $0xffff  }
0x2d9: {  	v15 =	vor.u32 v51, v15;
	[tilespmem:v0+s10+$0x0] =	vst.idx.add.f32.msk $0xffff, v20  }
0x2da: {  	v17 =	vand.u32 $0xFFFFFF80, v17;
	v0 =	vld [tilespmem:$0x1FFE0]  }
0x2db: {  	v17 =	vor.u32 v21, v17;
	v21 =	vld [tilespmem:$0x1FF70]  }
0x2dc: {  	v4 =	vld.idx.msk [tilespmem:v4+s2+$0x0], $0xffff  }
0x2dd: {  	[tilespmem:v7+s10+$0x0] =	vst.idx.add.f32.msk $0xffff, v6  }
0x2de: {  	v3 =	vor.u32 s30, v3;
	[tilespmem:v15+s10+$0x0] =	vst.idx.add.f32.msk $0xffff, v13  }
0x2df: {  	v5 =	vor.u32 s30, v5;
	v10 =	vand.u32 $0xFFFFFF80, v10;
	v15 =	vld [tilespmem:$0x1FFE0]  }
0x2e0: {  	v19 =	vand.u32 $0xFFFFFF80, v19;
	v1 =	vmul.u32 $0x500, v1;
	v10 =	vor.u32 v21, v10;
	v21 =	vld [tilespmem:$0x1FFB0]  }
0x2e1: {  	v19 =	vor.u32 v51, v19  }
0x2e2: {  	v8 =	vld [tilespmem:$0x1FFA0];
	v41 =	vor.u32 s17, v0;
	v0 =	vmul.u32 $0x500, v4;
	v4 =	vadd.s32 v14, v1  }
0x2e3: {  	v3 =	vld.idx.msk [tilespmem:v3+s2+$0x0], $0xffff;
	v4 =	vand.u32 $0xFFFFFF80, v4  }
0x2e4: {  	v5 =	vld.idx.msk [tilespmem:v5+s2+$0x0], $0xffff;
	v4 =	vor.u32 v15, v4  }
0x2e5: {  	v7 =	vadd.s32 v42, v1;
	[tilespmem:v17+s10+$0x0] =	vst.idx.add.f32.msk $0xffff, v11;
	v22 =	vor.u32 s19, v21  }
0x2e6: {  	v7 =	vand.u32 $0xFFFFFF80, v7;
	[tilespmem:v19+s10+$0x0] =	vst.idx.add.f32.msk $0xffff, v50  }
0x2e7: {  	v7 =	vor.u32 v23, v7;
	[tilespmem:v10+s10+$0x0] =	vst.idx.add.f32.msk $0xffff, v12  }
0x2e8: {  	v10 =	vld [tilespmem:$0x1FFE0]  }
0x2e9: {  	[tilespmem:v4+s10+$0x0] =	vst.idx.add.f32.msk $0xffff, v12  }
0x2ea: {  	v19 =	vld.idx.msk [tilespmem:v22+s2+$0x0], $0xffff  }
0x2eb: {  	v26 =	vor.u32 s17, v23;
	v15 =	vadd.s32 v41, v1;
	v22 =	vld [tilespmem:$0x1FFE0]  }
0x2ec: {  	v8 =	vor.u32 s19, v8;
	v1 =	vadd.s32 v26, v1;
	v15 =	vand.u32 $0xFFFFFF80, v15;
	[tilespmem:v7+s10+$0x0] =	vst.idx.add.f32.msk $0xffff, v50  }
0x2ed: {  	v1 =	vand.u32 $0xFFFFFF80, v1;
	v7 =	vld [tilespmem:$0x1FFE0];
	v10 =	vor.u32 v10, v15  }
0x2ee: {  	v1 =	vor.u32 v23, v1;
	v15 =	vadd.s32 v14, v0  }
0x2ef: {  	v54 =	vld [tilespmem:$0x1FC50];
	v3 =	vmul.u32 $0x500, v3;
	v17 =	vadd.s32 v42, v0;
	v15 =	vand.u32 $0xFFFFFF80, v15  }
0x2f0: {  	v63 =	vld [tilespmem:$0x1FD70];
	v17 =	vand.u32 $0xFFFFFF80, v17;
	v15 =	vor.u32 v22, v15;
	v22 =	vadd.s32 v41, v0  }
0x2f1: {  	v8 =	vld.idx.msk [tilespmem:v8+s2+$0x0], $0xffff;
	v4 =	vor.u32 v23, v17;
	v0 =	vadd.s32 v26, v0;
	v17 =	vand.u32 $0xFFFFFF80, v22  }
0x2f2: {  	[tilespmem:v10+s10+$0x0] =	vst.idx.add.f32.msk $0xffff, v11;
	v0 =	vand.u32 $0xFFFFFF80, v0;
	v7 =	vor.u32 v7, v17;
	v17 =	vadd.s32 v42, v3  }
0x2f3: {  	[tilespmem:v1+s10+$0x0] =	vst.idx.add.f32.msk $0xffff, v13;
	v0 =	vor.u32 v23, v0;
	v10 =	vand.u32 $0xFFFFFF80, v17;
	v17 =	vadd.s32 v49, v3  }
0x2f4: {  	v5 =	vmul.u32 $0x500, v5;
	v22 =	vld [tilespmem:$0x1FF80];
	v1 =	vor.u32 v23, v10;
	v10 =	vand.u32 $0xFFFFFF80, v17  }
0x2f5: {  	v21 =	vor.u32 s17, v45;
	v17 =	vadd.s32 v26, v3;
	[tilespmem:v15+s10+$0x0] =	vst.idx.add.f32.msk $0xffff, v6;
	v10 =	vor.u32 v45, v10  }
0x2f6: {  	v3 =	vadd.s32 v21, v3;
	v15 =	vand.u32 $0xFFFFFF80, v17;
	[tilespmem:v4+s10+$0x0] =	vst.idx.add.f32.msk $0xffff, v20  }
0x2f7: {  	v3 =	vand.u32 $0xFFFFFF80, v3;
	v4 =	vor.u32 v23, v15;
	v15 =	vadd.s32 v42, v5;
	[tilespmem:v7+s10+$0x0] =	vst.idx.add.f32.msk $0xffff, v18  }
0x2f8: {  	v3 =	vor.u32 v45, v3;
	v7 =	vand.u32 $0xFFFFFF80, v15;
	v15 =	vadd.s32 v49, v5;
	[tilespmem:v0+s10+$0x0] =	vst.idx.add.f32.msk $0xffff, v6  }
0x2f9: {  	v0 =	vor.u32 v23, v7;
	v7 =	vand.u32 $0xFFFFFF80, v15;
	[tilespmem:v1+s10+$0x0] =	vst.idx.add.f32.msk $0xffff, v20  }
0x2fa: {  	v15 =	vadd.s32 v26, v5;
	v1 =	vor.u32 v45, v7;
	[tilespmem:v10+s10+$0x0] =	vst.idx.add.f32.msk $0xffff, v6  }
0x2fb: {  	v5 =	vadd.s32 v21, v5;
	v7 =	vand.u32 $0xFFFFFF80, v15;
	v10 =	vld [tilespmem:$0x1FFD0]  }
0x2fc: {  	v5 =	vand.u32 $0xFFFFFF80, v5;
	v7 =	vor.u32 v23, v7;
	[tilespmem:v4+s10+$0x0] =	vst.idx.add.f32.msk $0xffff, v6  }
0x2fd: {  	v4 =	vor.u32 v45, v5;
	[tilespmem:v3+s10+$0x0] =	vst.idx.add.f32.msk $0xffff, v18  }
0x2fe: {  	[tilespmem:v0+s10+$0x0] =	vst.idx.add.f32.msk $0xffff, v50  }
0x2ff: {  	v5 =	vmul.u32 $0x500, v8;
	[tilespmem:v1+s10+$0x0] =	vst.idx.add.f32.msk $0xffff, v12  }
0x300: {  	v1 =	vld [tilespmem:$0x1FDF0]  }
0x301: {  	[tilespmem:v7+s10+$0x0] =	vst.idx.add.f32.msk $0xffff, v13;
	v15 =	vor.u32 s19, v10;
	v10 =	vadd.s32 v54, v5  }
0x302: {  	[tilespmem:v4+s10+$0x0] =	vst.idx.add.f32.msk $0xffff, v11;
	v4 =	vand.u32 $0xFFFFFF80, v10;
	v10 =	vadd.s32 v60, v5  }
0x303: {  	v10 =	vand.u32 $0xFFFFFF80, v10  }
0x304: {  	v4 =	vor.u32 v22, v4;
	v22 =	vor.u32 v58, v10;
	v10 =	vld [tilespmem:$0x1FF80]  }
0x305: {  	v1 =	vor.u32 s30, v1;
	_ =	sdelay $0x1  }
0x306: {  	v17 =	vmul.u32 $0x500, v19;
	v8 =	vld [tilespmem:$0x1FFC0];
	v19 =	vadd.s32 v63, v5  }
0x307: {  	v3 =	vld [tilespmem:$0x1FDE0];
	v19 =	vand.u32 $0xFFFFFF80, v19  }
0x308: {  	v5 =	vadd.s32 v43, v5;
	v19 =	vor.u32 v10, v19  }
0x309: {  	v10 =	vadd.s32 v60, v17;
	v34 =	vld.idx.msk [tilespmem:v1+s2+$0x0], $0xffff;
	v1 =	vand.u32 $0xFFFFFF80, v5;
	v5 =	vadd.s32 v54, v17  }
0x30a: {  	v49 =	vor.u32 v58, v1;
	v1 =	vand.u32 $0xFFFFFF80, v5;
	v5 =	vand.u32 $0xFFFFFF80, v10;
	v10 =	vld [tilespmem:$0x1FF80]  }
0x30b: {  	v7 =	vld [tilespmem:$0x1FE00];
	v8 =	vor.u32 s19, v8  }
0x30c: {  	v3 =	vor.u32 s30, v3  }
0x30d: {  	v0 =	vld [tilespmem:$0x1FEF0]  }
0x30e: {  	v15 =	vld.idx.msk [tilespmem:v15+s2+$0x0], $0xffff  }
0x30f: {  	v54 =	vor.u32 v10, v1;
	v1 =	vld [tilespmem:$0x1FF90]  }
0x310: {  	v7 =	vor.u32 s30, v7;
	v8 =	vld.idx.msk [tilespmem:v8+s2+$0x0], $0xffff  }
0x311: {  	v3 =	vld.idx.msk [tilespmem:v3+s2+$0x0], $0xffff  }
0x312: {  	[tilespmem:v4+s10+$0x0] =	vst.idx.add.f32.msk $0xffff, v11  }
0x313: {  	[tilespmem:v22+s10+$0x0] =	vst.idx.add.f32.msk $0xffff, v13  }
0x314: {  	v0 =	vor.u32 s30, v0;
	v39 =	vor.u32 s17, v1;
	v1 =	vld [tilespmem:$0x1FCF0]  }
0x315: {  	v7 =	vld.idx.msk [tilespmem:v7+s2+$0x0], $0xffff  }
0x316: {  	v22 =	vld [tilespmem:$0x1FF90]  }
0x317: {  	v3 =	vmul.u32 $0x500, v3  }
0x318: {  	v5 =	vor.u32 v58, v5  }
0x319: {  	v0 =	vld.idx.msk [tilespmem:v0+s2+$0x0], $0xffff;
	v55 =	vadd.s32 v1, v3  }
0x31a: {  	[tilespmem:v19+s10+$0x0] =	vst.idx.add.f32.msk $0xffff, v12;
	v4 =	vmul.u32 $0x500, v7;
	v7 =	vand.u32 $0xFFFFFF80, v55;
	v55 =	vadd.s32 v35, v3  }
0x31b: {  	[tilespmem:v49+s10+$0x0] =	vst.idx.add.f32.msk $0xffff, v50;
	v7 =	vor.u32 v22, v7;
	v22 =	vand.u32 $0xFFFFFF80, v55  }
0x31c: {  	[tilespmem:v54+s10+$0x0] =	vst.idx.add.f32.msk $0xffff, v18;
	v19 =	vor.u32 v30, v22  }
0x31d: {  	[tilespmem:v5+s10+$0x0] =	vst.idx.add.f32.msk $0xffff, v6;
	v55 =	vadd.s32 v39, v3  }
0x31e: {  	v22 =	vand.u32 $0xFFFFFF80, v55;
	v55 =	vld [tilespmem:$0x1FF90]  }
0x31f: {  	v5 =	vld [tilespmem:$0x1FF90]  }
0x320: {  	[tilespmem:v7+s10+$0x0] =	vst.idx.add.f32.msk $0xffff, v12  }
0x321: {  	v0 =	vmul.u32 $0x500, v0;
	v10 =	vor.u32 s17, v30;
	[tilespmem:v19+s10+$0x0] =	vst.idx.add.f32.msk $0xffff, v50  }
0x322: {  	v34 =	vmul.u32 $0x500, v34;
	v3 =	vadd.s32 v10, v3;
	v19 =	vld [tilespmem:$0x1FF90]  }
0x323: {  	v3 =	vand.u32 $0xFFFFFF80, v3;
	v22 =	vor.u32 v55, v22;
	v55 =	vadd.s32 v1, v0;
	v1 =	vld [tilespmem:$0x1FD00]  }
0x324: {  	v54 =	vadd.s32 v35, v0;
	v3 =	vor.u32 v30, v3;
	v49 =	vand.u32 $0xFFFFFF80, v55  }
0x325: {  	v5 =	vor.u32 v5, v49;
	v49 =	vand.u32 $0xFFFFFF80, v54;
	v54 =	vadd.s32 v39, v0  }
0x326: {  	v0 =	vadd.s32 v10, v0;
	v7 =	vor.u32 v30, v49;
	v54 =	vand.u32 $0xFFFFFF80, v54  }
0x327: {  	v55 =	vadd.s32 v35, v34;
	v0 =	vand.u32 $0xFFFFFF80, v0;
	v19 =	vor.u32 v19, v54  }
0x328: {  	v0 =	vor.u32 v30, v0;
	[tilespmem:v22+s10+$0x0] =	vst.idx.add.f32.msk $0xffff, v11;
	v22 =	vand.u32 $0xFFFFFF80, v55;
	v54 =	vadd.s32 v1, v34  }
0x329: {  	v55 =	vadd.s32 v10, v34;
	[tilespmem:v3+s10+$0x0] =	vst.idx.add.f32.msk $0xffff, v13;
	v3 =	vor.u32 v30, v22;
	v22 =	vand.u32 $0xFFFFFF80, v54  }
0x32a: {  	v14 =	vor.u32 s17, v57;
	[tilespmem:v5+s10+$0x0] =	vst.idx.add.f32.msk $0xffff, v6;
	v5 =	vor.u32 v57, v22;
	v22 =	vand.u32 $0xFFFFFF80, v55  }
0x32b: {  	v34 =	vadd.s32 v14, v34;
	[tilespmem:v7+s10+$0x0] =	vst.idx.add.f32.msk $0xffff, v20;
	v7 =	vor.u32 v30, v22  }
0x32c: {  	v49 =	vadd.s32 v35, v4;
	v22 =	vand.u32 $0xFFFFFF80, v34;
	[tilespmem:v19+s10+$0x0] =	vst.idx.add.f32.msk $0xffff, v18  }
0x32d: {  	v54 =	vadd.s32 v1, v4;
	v19 =	vor.u32 v57, v22;
	v22 =	vand.u32 $0xFFFFFF80, v49;
	[tilespmem:v0+s10+$0x0] =	vst.idx.add.f32.msk $0xffff, v6  }
0x32e: {  	v55 =	vadd.s32 v10, v4;
	v0 =	vor.u32 v30, v22;
	v22 =	vand.u32 $0xFFFFFF80, v54;
	[tilespmem:v3+s10+$0x0] =	vst.idx.add.f32.msk $0xffff, v20  }
0x32f: {  	v3 =	vor.u32 v57, v22;
	v22 =	vand.u32 $0xFFFFFF80, v55;
	[tilespmem:v5+s10+$0x0] =	vst.idx.add.f32.msk $0xffff, v6  }
0x330: {  	v5 =	vor.u32 v30, v22;
	v22 =	vadd.s32 v63, v17;
	[tilespmem:v7+s10+$0x0] =	vst.idx.add.f32.msk $0xffff, v6  }
0x331: {  	v7 =	vand.u32 $0xFFFFFF80, v22;
	v22 =	vld [tilespmem:$0x1FF80];
	_ =	sdelay $0x1  }
0x332: {  	v4 =	vadd.s32 v14, v4  }
0x333: {  	v1 =	vld [tilespmem:$0x1FC60];
	v4 =	vand.u32 $0xFFFFFF80, v4  }
0x334: {  	v4 =	vor.u32 v57, v4;
	[tilespmem:v19+s10+$0x0] =	vst.idx.add.f32.msk $0xffff, v18  }
0x335: {  	v8 =	vmul.u32 $0x500, v8;
	v17 =	vadd.s32 v43, v17;
	v19 =	vld [tilespmem:$0x1FE10];
	v7 =	vor.u32 v22, v7  }
0x336: {  	v17 =	vand.u32 $0xFFFFFF80, v17;
	[tilespmem:v0+s10+$0x0] =	vst.idx.add.f32.msk $0xffff, v50  }
0x337: {  	v0 =	vor.u32 v58, v17;
	[tilespmem:v3+s10+$0x0] =	vst.idx.add.f32.msk $0xffff, v12;
	v22 =	vadd.s32 v60, v8  }
0x338: {  	[tilespmem:v5+s10+$0x0] =	vst.idx.add.f32.msk $0xffff, v13;
	v17 =	vand.u32 $0xFFFFFF80, v22;
	v22 =	vadd.s32 v1, v8  }
0x339: {  	[tilespmem:v4+s10+$0x0] =	vst.idx.add.f32.msk $0xffff, v11;
	v3 =	vor.u32 v58, v17;
	v17 =	vand.u32 $0xFFFFFF80, v22  }
0x33a: {  	v4 =	vadd.s32 v43, v8;
	v5 =	vor.u32 v52, v17;
	[tilespmem:v7+s10+$0x0] =	vst.idx.add.f32.msk $0xffff, v6  }
0x33b: {  	v4 =	vand.u32 $0xFFFFFF80, v4;
	v7 =	vld [tilespmem:$0x1FD20]  }
0x33c: {  	[tilespmem:v0+s10+$0x0] =	vst.idx.add.f32.msk $0xffff, v20;
	v0 =	vor.u32 v58, v4;
	_ =	sdelay $0x1  }
0x33d: {  	[tilespmem:v3+s10+$0x0] =	vst.idx.add.f32.msk $0xffff, v6  }
0x33e: {  	v19 =	vor.u32 s30, v19;
	[tilespmem:v5+s10+$0x0] =	vst.idx.add.f32.msk vm1, v18  }
0x33f: {  	[tilespmem:v5+s10+$0x0] =	vst.idx.add.f32.msk $0x7fff, v18  }
0x340: {  	v7 =	vadd.s32 v7, v8;
	[tilespmem:v0+s10+$0x0] =	vst.idx.add.f32.msk $0xffff, v20  }
0x341: {  	v4 =	vand.u32 $0xFFFFFF80, v7;
	v0 =	vld [tilespmem:$0x1FFF0]  }
0x342: {  	v49 =	vmov v43;
	v43 =	vmul.u32 $0x500, v15;
	v15 =	vld [tilespmem:$0x1FE90];
	v3 =	vor.u32 v52, v4  }
0x343: {  	v17 =	vld.idx.msk [tilespmem:v19+s2+$0x0], $0xffff  }
0x344: {  	v19 =	vld [tilespmem:$0x1FE20]  }
0x345: {  	v4 =	vadd.s32 v60, v43;
	v60 =	vld [tilespmem:$0x1FD40]  }
0x346: {  	v34 =	vor.u32 s17, v0;
	v0 =	vld [tilespmem:$0x1FF00]  }
0x347: {  	[tilespmem:v3+s10+$0x0] =	vst.idx.add.f32.msk vm1, v6  }
0x348: {  	v15 =	vor.u32 s14, v15;
	[tilespmem:v3+s10+$0x0] =	vst.idx.add.f32.msk $0x7fff, v6  }
0x349: {  	v19 =	vor.u32 s30, v19;
	v3 =	vld [tilespmem:$0x1FFF0]  }
0x34a: {  	v8 =	vmul.u32 $0x500, v17;
	v17 =	vor.u32 s30, v62;
	v4 =	vand.u32 $0xFFFFFF80, v4  }
0x34b: {  	[tilespmem:$0x1FD10] =	vst v14;
	v14 =	vld [tilespmem:$0x1FFF0];
	v4 =	vor.u32 v58, v4  }
0x34c: {  	v63 =	vld [tilespmem:$0x1FD80];
	v5 =	vadd.s32 v60, v8  }
0x34d: {  	v15 =	vld.idx.msk [tilespmem:v15+s2+$0x0], $0xffff;
	v5 =	vand.u32 $0xFFFFFF80, v5;
	v0 =	vor.u32 s30, v0  }
0x34e: {  	v22 =	vadd.s32 v33, v8;
	v7 =	vld.idx.msk [tilespmem:v19+s2+$0x0], $0xffff;
	v3 =	vor.u32 v3, v5  }
0x34f: {  	v17 =	vld.idx.msk [tilespmem:v17+s2+$0x0], $0xffff;
	v5 =	vand.u32 $0xFFFFFF80, v22;
	v22 =	vadd.s32 v34, v8  }
0x350: {  	v19 =	vor.u32 s17, v37;
	[tilespmem:v4+s10+$0x0] =	vst.idx.add.f32.msk $0xffff, v13;
	v5 =	vor.u32 v37, v5;
	v4 =	vand.u32 $0xFFFFFF80, v22  }
0x351: {  	v8 =	vadd.s32 v19, v8;
	v22 =	vor.u32 s14, v63;
	v4 =	vor.u32 v14, v4;
	v14 =	vld [tilespmem:$0x1FFF0]  }
0x352: {  	v8 =	vand.u32 $0xFFFFFF80, v8;
	v0 =	vld.idx.msk [tilespmem:v0+s2+$0x0], $0xffff  }
0x353: {  	v8 =	vor.u32 v37, v8;
	[tilespmem:v3+s10+$0x0] =	vst.idx.add.f32.msk $0xffff, v12  }
0x354: {  	v3 =	vld [tilespmem:$0x1FFF0]  }
0x355: {  	v7 =	vmul.u32 $0x500, v7;
	[tilespmem:v5+s10+$0x0] =	vst.idx.add.f32.msk $0xffff, v50  }
0x356: {  	v22 =	vld.idx.msk [tilespmem:v22+s2+$0x0], $0xffff  }
0x357: {  	v63 =	vadd.s32 v60, v7;
	v60 =	vadd.s32 v33, v7;
	[tilespmem:v4+s10+$0x0] =	vst.idx.add.f32.msk $0xffff, v11  }
0x358: {  	v54 =	vand.u32 $0xFFFFFF80, v63;
	v63 =	vadd.s32 v34, v7;
	v4 =	vor.u32 s14, v56;
	[tilespmem:v8+s10+$0x0] =	vst.idx.add.f32.msk $0xffff, v13  }
0x359: {  	v62 =	vand.u32 $0xFFFFFF80, v60;
	v60 =	vand.u32 $0xFFFFFF80, v63;
	v8 =	vld [tilespmem:$0x1FDA0];
	v3 =	vor.u32 v3, v54  }
0x35a: {  	v5 =	vor.u32 v37, v62;
	v54 =	vor.u32 v14, v60;
	v14 =	vld [tilespmem:$0x1FC70];
	_ =	sdelay $0x1  }
0x35b: {  	v7 =	vadd.s32 v19, v7  }
0x35c: {  	v15 =	vmul.u32 $0x500, v15;
	v7 =	vand.u32 $0xFFFFFF80, v7;
	v4 =	vld.idx.msk [tilespmem:v4+s2+$0x0], $0xffff  }
0x35d: {  	v7 =	vor.u32 v37, v7;
	v8 =	vor.u32 s14, v8;
	[tilespmem:v3+s10+$0x0] =	vst.idx.add.f32.msk $0xffff, v6  }
0x35e: {  	v60 =	vadd.s32 v48, v15;
	v22 =	vmul.u32 $0x500, v22;
	v62 =	vadd.s32 v14, v15;
	[tilespmem:v5+s10+$0x0] =	vst.idx.add.f32.msk $0xffff, v20  }
0x35f: {  	v63 =	vadd.s32 v53, v15;
	v55 =	vand.u32 $0xFFFFFF80, v62;
	v62 =	vand.u32 $0xFFFFFF80, v60;
	v60 =	vld [tilespmem:$0x1FDD0]  }
0x360: {  	v5 =	vand.u32 $0xFFFFFF80, v63;
	v63 =	vadd.s32 v14, v22;
	v14 =	vld [tilespmem:$0x1FC80];
	v3 =	vor.u32 v29, v55  }
0x361: {  	[tilespmem:v54+s10+$0x0] =	vst.idx.add.f32.msk $0xffff, v18  }
0x362: {  	v5 =	vor.u32 v24, v5;
	v8 =	vld.idx.msk [tilespmem:v8+s2+$0x0], $0xffff  }
0x363: {  	[tilespmem:v7+s10+$0x0] =	vst.idx.add.f32.msk $0xffff, v6  }
0x364: {  	v15 =	vadd.s32 v32, v15;
	v54 =	vor.u32 v29, v62;
	v7 =	vld [tilespmem:$0x1FEA0]  }
0x365: {  	v15 =	vand.u32 $0xFFFFFF80, v15;
	[tilespmem:v3+s10+$0x0] =	vst.idx.add.f32.msk $0x1, v9  }
0x366: {  	v56 =	vimm.f32 $3.906250000e-01;
	v15 =	vor.u32 v24, v15;
	v55 =	vand.u32 $0xFFFFFF80, v63;
	[tilespmem:v3+s10+$0x0] =	vst.idx.add.f32.msk vm0, v9  }
0x367: {  	v4 =	vmul.u32 $0x500, v4;
	v3 =	vor.u32 v29, v55;
	v55 =	vadd.s32 v53, v22;
	[tilespmem:v5+s10+$0x0] =	vst.idx.add.f32.msk $0xffff, v56  }
0x368: {  	v63 =	vimm.f32 $1.406250000e-01;
	v8 =	vmul.u32 $0x500, v8;
	v5 =	vand.u32 $0xFFFFFF80, v55;
	v55 =	vld [tilespmem:$0x1FDC0]  }
0x369: {  	v48 =	vadd.s32 v48, v22;
	[tilespmem:v54+s10+$0x0] =	vst.idx.add.f32.msk $0x1, v63  }
0x36a: {  	v62 =	vimm.f32 $1.406250000e-01;
	v63 =	vadd.s32 v14, v4;
	v56 =	vadd.s32 v14, v8;
	v14 =	vld [tilespmem:$0x1FD50]  }
0x36b: {  	v48 =	vand.u32 $0xFFFFFF80, v48;
	v5 =	vor.u32 v24, v5;
	[tilespmem:v54+s10+$0x0] =	vst.idx.add.f32.msk vm0, v62  }
0x36c: {  	v48 =	vor.u32 v29, v48;
	v22 =	vadd.s32 v32, v22;
	v54 =	vld [tilespmem:$0x1FDB0]  }
0x36d: {  	[tilespmem:v15+s10+$0x0] =	vst.idx.add.f32.msk $0xffff, v9;
	v15 =	vand.u32 $0xFFFFFF80, v22;
	v22 =	vadd.s32 v53, v4  }
0x36e: {  	v62 =	vadd.s32 v32, v4;
	[tilespmem:v3+s10+$0x0] =	vst.idx.add.f32.msk $0x1, v13;
	v15 =	vor.u32 v24, v15;
	v22 =	vand.u32 $0xFFFFFF80, v22  }
0x36f: {  	v4 =	vadd.s32 v40, v4;
	[tilespmem:v3+s10+$0x0] =	vst.idx.add.f32.msk vm0, v13;
	v3 =	vor.u32 v24, v22;
	v22 =	vand.u32 $0xFFFFFF80, v63  }
0x370: {  	v24 =	vlaneseq.u32;
	[tilespmem:v5+s10+$0x0] =	vst.idx.add.f32.msk $0xffff, v50;
	v5 =	vor.u32 v31, v22;
	v22 =	vand.u32 $0xFFFFFF80, v62  }
0x371: {  	v53 =	vadd.s32 v53, v8;
	v4 =	vand.u32 $0xFFFFFF80, v4;
	[tilespmem:v48+s10+$0x0] =	vst.idx.add.f32.msk $0x1, v11;
	v22 =	vor.u32 v24, v22  }
0x372: {  	v4 =	vor.u32 v31, v4;
	v63 =	vand.u32 $0xFFFFFF80, v53;
	[tilespmem:v48+s10+$0x0] =	vst.idx.add.f32.msk vm0, v11  }
0x373: {  	v32 =	vadd.s32 v32, v8;
	v62 =	vand.u32 $0xFFFFFF80, v56;
	[tilespmem:v15+s10+$0x0] =	vst.idx.add.f32.msk $0xffff, v12;
	v15 =	vor.u32 v24, v63  }
0x374: {  	v32 =	vand.u32 $0xFFFFFF80, v32;
	v8 =	vadd.s32 v40, v8;
	[tilespmem:v3+s10+$0x0] =	vst.idx.add.f32.msk $0xffff, v50;
	v3 =	vor.u32 v31, v62  }
0x375: {  	v0 =	vmul.u32 $0x500, v0;
	v8 =	vand.u32 $0xFFFFFF80, v8;
	[tilespmem:v5+s10+$0x0] =	vst.idx.add.f32.msk $0xffff, v13;
	v5 =	vor.u32 v24, v32  }
0x376: {  	v8 =	vor.u32 v31, v8;
	[tilespmem:v22+s10+$0x0] =	vst.idx.add.f32.msk $0xffff, v12  }
0x377: {  	v48 =	vimm.f32 $3.906250000e-01;
	v22 =	vadd.s32 v33, v0;
	[tilespmem:v4+s10+$0x0] =	vst.idx.add.f32.msk $0xffff, v11  }
0x378: {  	v63 =	vadd.s32 v14, v0;
	v4 =	vor.u32 s14, v54;
	v22 =	vand.u32 $0xFFFFFF80, v22;
	[tilespmem:v15+s10+$0x0] =	vst.idx.add.f32.msk $0xffff, v48  }
0x379: {  	v15 =	vor.u32 v37, v22;
	v22 =	vand.u32 $0xFFFFFF80, v63;
	[tilespmem:v3+s10+$0x0] =	vst.idx.add.f32.msk $0xffff, v9  }
0x37a: {  	v3 =	vor.u32 v59, v22;
	v22 =	vimm.f32 $1.406250000e-01;
	[tilespmem:v5+s10+$0x0] =	vst.idx.add.f32.msk $0xffff, v9  }
0x37b: {  	v17 =	vmul.u32 $0x500, v17;
	v7 =	vor.u32 s14, v7;
	v32 =	vor.u32 s17, v59;
	[tilespmem:v8+s10+$0x0] =	vst.idx.add.f32.msk $0xffff, v22  }
0x37c: {  	v5 =	vadd.s32 v19, v0;
	v8 =	vor.u32 s14, v55;
	v55 =	vadd.s32 v1, v43;
	v1 =	vld [tilespmem:$0x1FC90]  }
0x37d: {  	v0 =	vadd.s32 v32, v0;
	v5 =	vand.u32 $0xFFFFFF80, v5;
	v22 =	vor.u32 s14, v60;
	v4 =	vld.idx.msk [tilespmem:v4+s2+$0x0], $0xffff  }
0x37e: {  	v0 =	vand.u32 $0xFFFFFF80, v0;
	v5 =	vor.u32 v37, v5;
	[tilespmem:v15+s10+$0x0] =	vst.idx.add.f32.msk $0xffff, v20;
	v15 =	vadd.s32 v33, v17  }
0x37f: {  	v0 =	vor.u32 v59, v0;
	[tilespmem:v3+s10+$0x0] =	vst.idx.add.f32.msk $0xffff, v6;
	v3 =	vand.u32 $0xFFFFFF80, v15  }
0x380: {  	v7 =	vld.idx.msk [tilespmem:v7+s2+$0x0], $0xffff;
	v3 =	vor.u32 v37, v3  }
0x381: {  	v53 =	vadd.s32 v14, v17;
	v8 =	vld.idx.msk [tilespmem:v8+s2+$0x0], $0xffff  }
0x382: {  	v54 =	vadd.s32 v19, v17;
	v15 =	vand.u32 $0xFFFFFF80, v53;
	v22 =	vld.idx.msk [tilespmem:v22+s2+$0x0], $0xffff  }
0x383: {  	v40 =	vand.u32 $0xFFFFFF80, v54;
	v17 =	vadd.s32 v32, v17;
	v15 =	vor.u32 v59, v15;
	[tilespmem:v5+s10+$0x0] =	vst.idx.add.f32.msk $0xffff, v6  }
0x384: {  	v40 =	vor.u32 v37, v40;
	v17 =	vand.u32 $0xFFFFFF80, v17;
	v4 =	vmul.u32 $0x500, v4;
	[tilespmem:v0+s10+$0x0] =	vst.idx.add.f32.msk $0xffff, v18  }
0x385: {  	v48 =	vand.u32 $0xFFFFFF80, v55;
	v5 =	vor.u32 v59, v17;
	[tilespmem:v3+s10+$0x0] =	vst.idx.add.f32.msk $0xffff, v50  }
0x386: {  	v48 =	vor.u32 v52, v48;
	v17 =	vadd.s32 v1, v4;
	v3 =	vld [tilespmem:$0x1FF30]  }
0x387: {  	v0 =	vand.u32 $0xFFFFFF80, v17;
	v17 =	vld [tilespmem:$0x1FF40]  }
0x388: {  	[tilespmem:v15+s10+$0x0] =	vst.idx.add.f32.msk $0xffff, v12;
	v15 =	vmul.u32 $0x500, v22;
	v22 =	vadd.s32 v47, v4  }
0x389: {  	v56 =	vadd.s32 v46, v4;
	v0 =	vor.u32 v36, v0;
	[tilespmem:v40+s10+$0x0] =	vst.idx.add.f32.msk $0xffff, v13;
	v22 =	vand.u32 $0xFFFFFF80, v22  }
0x38a: {  	[tilespmem:v5+s10+$0x0] =	vst.idx.add.f32.msk $0xffff, v11;
	v5 =	vor.u32 v16, v22;
	v22 =	vand.u32 $0xFFFFFF80, v56  }
0x38b: {  	[tilespmem:v48+s10+$0x0] =	vst.idx.add.f32.msk vm1, v11;
	v8 =	vmul.u32 $0x500, v8;
	v22 =	vor.u32 v36, v22  }
0x38c: {  	[tilespmem:v48+s10+$0x0] =	vst.idx.add.f32.msk $0x7fff, v11  }
0x38d: {  	v63 =	vimm.f32 $3.906250000e-01;
	v4 =	vadd.s32 v28, v4;
	v60 =	vadd.s32 v1, v8;
	v1 =	vld [tilespmem:$0x1FCA0]  }
0x38e: {  	v4 =	vand.u32 $0xFFFFFF80, v4;
	v3 =	vor.u32 s30, v3;
	v17 =	vor.u32 s30, v17;
	[tilespmem:v0+s10+$0x0] =	vst.idx.add.f32.msk $0xffff, v9  }
0x38f: {  	v0 =	vor.u32 v16, v4;
	v4 =	vand.u32 $0xFFFFFF80, v60;
	v60 =	vimm.f32 $1.406250000e-01;
	[tilespmem:v5+s10+$0x0] =	vst.idx.add.f32.msk $0xffff, v63  }
0x390: {  	[tilespmem:v22+s10+$0x0] =	vst.idx.add.f32.msk $0xffff, v60  }
0x391: {  	v62 =	vadd.s32 v47, v8;
	v56 =	vadd.s32 v47, v15;
	v4 =	vor.u32 v36, v4;
	v60 =	vld [tilespmem:$0x1FE40]  }
0x392: {  	v46 =	vadd.s32 v46, v8;
	v40 =	vand.u32 $0xFFFFFF80, v62;
	v22 =	vand.u32 $0xFFFFFF80, v56;
	v56 =	vld [tilespmem:$0x1FCB0]  }
0x393: {  	v8 =	vadd.s32 v28, v8;
	v46 =	vand.u32 $0xFFFFFF80, v46;
	v40 =	vor.u32 v16, v40;
	v3 =	vld.idx.msk [tilespmem:v3+s2+$0x0], $0xffff  }
0x394: {  	v8 =	vand.u32 $0xFFFFFF80, v8;
	v5 =	vor.u32 v36, v46;
	v17 =	vld.idx.msk [tilespmem:v17+s2+$0x0], $0xffff  }
0x395: {  	v7 =	vmul.u32 $0x500, v7;
	v8 =	vor.u32 v16, v8;
	v62 =	vadd.s32 v1, v15;
	[tilespmem:v0+s10+$0x0] =	vst.idx.add.f32.msk $0xffff, v9  }
0x396: {  	v63 =	vadd.s32 v28, v15;
	v0 =	vor.u32 v16, v22;
	v22 =	vand.u32 $0xFFFFFF80, v62;
	[tilespmem:v4+s10+$0x0] =	vst.idx.add.f32.msk $0xffff, v13  }
0x397: {  	v15 =	vadd.s32 v25, v15;
	v4 =	vor.u32 v38, v22;
	v22 =	vand.u32 $0xFFFFFF80, v63;
	v63 =	vld [tilespmem:$0x1FF10]  }
0x398: {  	v15 =	vand.u32 $0xFFFFFF80, v15;
	[tilespmem:v40+s10+$0x0] =	vst.idx.add.f32.msk $0xffff, v50;
	v22 =	vor.u32 v16, v22  }
0x399: {  	v47 =	vadd.s32 v47, v7;
	[tilespmem:v5+s10+$0x0] =	vst.idx.add.f32.msk $0xffff, v11;
	v5 =	vor.u32 v38, v15  }
0x39a: {  	v15 =	vand.u32 $0xFFFFFF80, v47;
	[tilespmem:v8+s10+$0x0] =	vst.idx.add.f32.msk $0xffff, v12  }
0x39b: {  	v8 =	vor.u32 v16, v15;
	[tilespmem:v0+s10+$0x0] =	vst.idx.add.f32.msk $0xffff, v50  }
0x39c: {  	v53 =	vadd.s32 v1, v7;
	[tilespmem:v4+s10+$0x0] =	vst.idx.add.f32.msk $0xffff, v13  }
0x39d: {  	v15 =	vand.u32 $0xFFFFFF80, v53;
	[tilespmem:v22+s10+$0x0] =	vst.idx.add.f32.msk $0xffff, v12  }
0x39e: {  	v28 =	vadd.s32 v28, v7;
	v0 =	vor.u32 v38, v15;
	[tilespmem:v5+s10+$0x0] =	vst.idx.add.f32.msk $0xffff, v11  }
0x39f: {  	v7 =	vadd.s32 v25, v7;
	v15 =	vand.u32 $0xFFFFFF80, v28;
	v22 =	vimm.f32 $3.906250000e-01;
	v5 =	vld [tilespmem:$0x1FEB0]  }
0x3a0: {  	v7 =	vand.u32 $0xFFFFFF80, v7;
	v4 =	vor.u32 v16, v15;
	[tilespmem:v8+s10+$0x0] =	vst.idx.add.f32.msk $0xffff, v22  }
0x3a1: {  	v7 =	vor.u32 v38, v7;
	v22 =	vld [tilespmem:$0x1FF10]  }
0x3a2: {  	v8 =	vld [tilespmem:$0x1FEC0]  }
0x3a3: {  	[tilespmem:v0+s10+$0x0] =	vst.idx.add.f32.msk $0xffff, v9  }
0x3a4: {  	v0 =	vld [tilespmem:$0x1FED0]  }
0x3a5: {  	v54 =	vimm.f32 $1.406250000e-01;
	v3 =	vmul.u32 $0x500, v3;
	v15 =	vadd.s32 v49, v43;
	[tilespmem:v4+s10+$0x0] =	vst.idx.add.f32.msk $0xffff, v9  }
0x3a6: {  	v15 =	vand.u32 $0xFFFFFF80, v15;
	[tilespmem:v7+s10+$0x0] =	vst.idx.add.f32.msk $0xffff, v54;
	v28 =	vor.u32 s17, v22  }
0x3a7: {  	v15 =	vor.u32 v58, v15;
	v22 =	vld [tilespmem:$0x1FF50];
	v62 =	vadd.s32 v28, v3  }
0x3a8: {  	v7 =	vor.u32 s30, v60;
	v47 =	vand.u32 $0xFFFFFF80, v62;
	v62 =	vld [tilespmem:$0x1FF10]  }
0x3a9: {  	v1 =	vld [tilespmem:$0x1FCC0];
	v55 =	vadd.s32 v56, v3  }
0x3aa: {  	v17 =	vmul.u32 $0x500, v17;
	v40 =	vand.u32 $0xFFFFFF80, v55;
	v55 =	vld [tilespmem:$0x1FFE0];
	v5 =	vor.u32 s14, v5  }
0x3ab: {  	v25 =	vor.u32 s17, v44;
	v46 =	vadd.s32 v27, v3;
	v4 =	vld [tilespmem:$0x1FEE0];
	v8 =	vor.u32 s14, v8  }
0x3ac: {  	v40 =	vor.u32 v63, v40;
	v63 =	vadd.s32 v56, v17;
	[tilespmem:v15+s10+$0x0] =	vst.idx.add.f32.msk $0xffff, v50;
	v0 =	vor.u32 s14, v0  }
0x3ad: {  	v7 =	vld.idx.msk [tilespmem:v7+s2+$0x0], $0xffff;
	v22 =	vor.u32 s30, v22;
	v47 =	vor.u32 v62, v47;
	v62 =	vadd.s32 v27, v17  }
0x3ae: {  	v46 =	vand.u32 $0xFFFFFF80, v46;
	v15 =	vand.u32 $0xFFFFFF80, v63;
	v63 =	vand.u32 $0xFFFFFF80, v62;
	v62 =	vld [tilespmem:$0x1FF10]  }
0x3af: {  	v46 =	vor.u32 v44, v46;
	v3 =	vadd.s32 v25, v3;
	v5 =	vld.idx.msk [tilespmem:v5+s2+$0x0], $0xffff  }
0x3b0: {  	v3 =	vand.u32 $0xFFFFFF80, v3;
	v8 =	vld.idx.msk [tilespmem:v8+s2+$0x0], $0xffff  }
0x3b1: {  	v3 =	vor.u32 v44, v3;
	v0 =	vld.idx.msk [tilespmem:v0+s2+$0x0], $0xffff  }
0x3b2: {  	v22 =	vld.idx.msk [tilespmem:v22+s2+$0x0], $0xffff  }
0x3b3: {  	[tilespmem:v40+s10+$0x0] =	vst.idx.add.f32.msk $0xffff, v12;
	v15 =	vor.u32 v62, v15  }
0x3b4: {  	v48 =	vor.u32 v44, v63;
	[tilespmem:v46+s10+$0x0] =	vst.idx.add.f32.msk $0xffff, v50  }
0x3b5: {  	[tilespmem:v47+s10+$0x0] =	vst.idx.add.f32.msk $0xffff, v11  }
0x3b6: {  	v5 =	vmul.u32 $0x500, v5;
	[tilespmem:v3+s10+$0x0] =	vst.idx.add.f32.msk $0xffff, v13  }
0x3b7: {  	v3 =	vld [tilespmem:$0x1FFE0]  }
0x3b8: {  	v53 =	vimm.f32 $3.906250000e-01;
	v63 =	vadd.s32 v1, v5;
	[tilespmem:v15+s10+$0x0] =	vst.idx.add.f32.msk $0xffff, v6  }
0x3b9: {  	v4 =	vor.u32 s14, v4;
	v62 =	vand.u32 $0xFFFFFF80, v63;
	v63 =	vadd.s32 v42, v5;
	[tilespmem:v48+s10+$0x0] =	vst.idx.add.f32.msk $0xffff, v20  }
0x3ba: {  	v40 =	vor.u32 v55, v62;
	v62 =	vand.u32 $0xFFFFFF80, v63;
	v63 =	vadd.s32 v41, v5;
	v48 =	vld [tilespmem:$0x1FFE0]  }
0x3bb: {  	v8 =	vmul.u32 $0x500, v8;
	v46 =	vor.u32 v23, v62;
	v62 =	vand.u32 $0xFFFFFF80, v63  }
0x3bc: {  	v0 =	vmul.u32 $0x500, v0;
	v5 =	vadd.s32 v26, v5;
	v3 =	vor.u32 v3, v62;
	v62 =	vld [tilespmem:$0x1FFE0]  }
0x3bd: {  	v47 =	vadd.s32 v42, v8;
	v5 =	vand.u32 $0xFFFFFF80, v5;
	v63 =	vadd.s32 v1, v8;
	v1 =	vld [tilespmem:$0x1FCD0]  }
0x3be: {  	v47 =	vand.u32 $0xFFFFFF80, v47;
	v5 =	vor.u32 v23, v5;
	v15 =	vand.u32 $0xFFFFFF80, v63  }
0x3bf: {  	v4 =	vld.idx.msk [tilespmem:v4+s2+$0x0], $0xffff;
	v41 =	vadd.s32 v41, v8;
	v8 =	vadd.s32 v26, v8;
	v15 =	vor.u32 v48, v15  }
0x3c0: {  	v41 =	vand.u32 $0xFFFFFF80, v41;
	v8 =	vand.u32 $0xFFFFFF80, v8;
	[tilespmem:v40+s10+$0x0] =	vst.idx.add.f32.msk $0xffff, v9;
	v40 =	vor.u32 v23, v47  }
0x3c1: {  	v63 =	vadd.s32 v42, v0;
	[tilespmem:v46+s10+$0x0] =	vst.idx.add.f32.msk $0xffff, v53;
	v41 =	vor.u32 v62, v41;
	v48 =	vimm.f32 $1.406250000e-01  }
0x3c2: {  	v53 =	vadd.s32 v1, v0;
	[tilespmem:v3+s10+$0x0] =	vst.idx.add.f32.msk $0xffff, v48;
	v3 =	vor.u32 v23, v8;
	v8 =	vand.u32 $0xFFFFFF80, v63  }
0x3c3: {  	v62 =	vadd.s32 v26, v0;
	[tilespmem:v5+s10+$0x0] =	vst.idx.add.f32.msk $0xffff, v9;
	v5 =	vor.u32 v23, v8;
	v8 =	vand.u32 $0xFFFFFF80, v53  }
0x3c4: {  	v8 =	vor.u32 v45, v8;
	[tilespmem:v15+s10+$0x0] =	vst.idx.add.f32.msk $0xffff, v13;
	v15 =	vand.u32 $0xFFFFFF80, v62  }
0x3c5: {  	[tilespmem:v40+s10+$0x0] =	vst.idx.add.f32.msk $0xffff, v50;
	v15 =	vor.u32 v23, v15  }
0x3c6: {  	v4 =	vmul.u32 $0x500, v4;
	[tilespmem:v41+s10+$0x0] =	vst.idx.add.f32.msk $0xffff, v11  }
0x3c7: {  	[tilespmem:v3+s10+$0x0] =	vst.idx.add.f32.msk $0xffff, v12  }
0x3c8: {  	v0 =	vadd.s32 v21, v0;
	v26 =	vadd.s32 v26, v4;
	[tilespmem:v5+s10+$0x0] =	vst.idx.add.f32.msk $0xffff, v50  }
0x3c9: {  	v63 =	vadd.s32 v42, v4;
	v53 =	vadd.s32 v1, v4;
	[tilespmem:v8+s10+$0x0] =	vst.idx.add.f32.msk $0xffff, v13  }
0x3ca: {  	v0 =	vand.u32 $0xFFFFFF80, v0;
	v4 =	vadd.s32 v21, v4;
	v21 =	vadd.s32 v28, v17;
	[tilespmem:v15+s10+$0x0] =	vst.idx.add.f32.msk $0xffff, v12  }
0x3cb: {  	v0 =	vor.u32 v45, v0;
	v40 =	vand.u32 $0xFFFFFF80, v63;
	v15 =	vand.u32 $0xFFFFFF80, v21;
	v21 =	vld [tilespmem:$0x1FF10]  }
0x3cc: {  	v63 =	vand.u32 $0xFFFFFF80, v53;
	v3 =	vor.u32 v23, v40  }
0x3cd: {  	v26 =	vand.u32 $0xFFFFFF80, v26;
	v5 =	vor.u32 v45, v63  }
0x3ce: {  	v46 =	vld [tilespmem:$0x1FDE0];
	v8 =	vor.u32 v23, v26  }
0x3cf: {  	v53 =	vld [tilespmem:$0x1FCE0]  }
0x3d0: {  	v26 =	vimm.f32 $3.906250000e-01;
	[tilespmem:v0+s10+$0x0] =	vst.idx.add.f32.msk $0xffff, v11;
	v15 =	vor.u32 v21, v15  }
0x3d1: {  	[tilespmem:v3+s10+$0x0] =	vst.idx.add.f32.msk $0xffff, v26  }
0x3d2: {  	[tilespmem:v5+s10+$0x0] =	vst.idx.add.f32.msk $0xffff, v9  }
0x3d3: {  	[tilespmem:v8+s10+$0x0] =	vst.idx.add.f32.msk $0xffff, v9  }
0x3d4: {  	v22 =	vmul.u32 $0x500, v22;
	v4 =	vand.u32 $0xFFFFFF80, v4;
	v8 =	vld [tilespmem:$0x1FF20]  }
0x3d5: {  	v17 =	vadd.s32 v25, v17;
	v4 =	vor.u32 v45, v4;
	[tilespmem:v15+s10+$0x0] =	vst.idx.add.f32.msk $0xffff, v18  }
0x3d6: {  	v17 =	vand.u32 $0xFFFFFF80, v17;
	v21 =	vadd.s32 v27, v22;
	v15 =	vld [tilespmem:$0x1FF20]  }
0x3d7: {  	v47 =	vld [tilespmem:$0x1FE00];
	v3 =	vor.u32 v44, v17;
	v17 =	vand.u32 $0xFFFFFF80, v21  }
0x3d8: {  	v48 =	vld [tilespmem:$0x1FDF0];
	v5 =	vor.u32 v44, v17  }
0x3d9: {  	v1 =	vld [tilespmem:$0x1FCF0];
	v17 =	vimm.f32 $1.406250000e-01;
	v21 =	vor.u32 s17, v8;
	v8 =	vadd.s32 v53, v22  }
0x3da: {  	[tilespmem:v4+s10+$0x0] =	vst.idx.add.f32.msk $0xffff, v17;
	v8 =	vand.u32 $0xFFFFFF80, v8  }
0x3db: {  	v0 =	vor.u32 s14, v46;
	v4 =	vld [tilespmem:$0x1FEF0];
	v8 =	vor.u32 v15, v8;
	v15 =	vadd.s32 v25, v22  }
0x3dc: {  	v7 =	vmul.u32 $0x500, v7;
	[tilespmem:v3+s10+$0x0] =	vst.idx.add.f32.msk $0xffff, v6;
	v3 =	vand.u32 $0xFFFFFF80, v15  }
0x3dd: {  	v63 =	vld [tilespmem:$0x1FF20];
	v3 =	vor.u32 v44, v3  }
0x3de: {  	[tilespmem:v5+s10+$0x0] =	vst.idx.add.f32.msk $0xffff, v20;
	v15 =	vadd.s32 v21, v22;
	v22 =	vadd.s32 v27, v7  }
0x3df: {  	v5 =	vand.u32 $0xFFFFFF80, v15;
	v15 =	vand.u32 $0xFFFFFF80, v22;
	v22 =	vld [tilespmem:$0x1FF20]  }
0x3e0: {  	v17 =	vor.u32 s14, v48;
	v0 =	vld.idx.msk [tilespmem:v0+s2+$0x0], $0xffff  }
0x3e1: {  	v4 =	vor.u32 s14, v4;
	[tilespmem:v8+s10+$0x0] =	vst.idx.add.f32.msk $0xffff, v6  }
0x3e2: {  	v26 =	vor.u32 s14, v47;
	[tilespmem:v3+s10+$0x0] =	vst.idx.add.f32.msk $0xffff, v6  }
0x3e3: {  	v3 =	vld [tilespmem:$0x1FF20]  }
0x3e4: {  	v14 =	vld [tilespmem:$0x1FF90];
	v48 =	vadd.s32 v25, v7;
	v5 =	vor.u32 v22, v5;
	v22 =	vadd.s32 v53, v7  }
0x3e5: {  	v40 =	vand.u32 $0xFFFFFF80, v48;
	v17 =	vld.idx.msk [tilespmem:v17+s2+$0x0], $0xffff;
	v15 =	vor.u32 v44, v15;
	v22 =	vand.u32 $0xFFFFFF80, v22  }
0x3e6: {  	v0 =	vmul.u32 $0x500, v0;
	v4 =	vld.idx.msk [tilespmem:v4+s2+$0x0], $0xffff;
	v7 =	vadd.s32 v21, v7;
	v22 =	vor.u32 v63, v22  }
0x3e7: {  	v26 =	vld.idx.msk [tilespmem:v26+s2+$0x0], $0xffff;
	v8 =	vor.u32 v44, v40;
	v7 =	vand.u32 $0xFFFFFF80, v7  }
0x3e8: {  	v46 =	vadd.s32 v1, v0;
	v3 =	vor.u32 v3, v7  }
0x3e9: {  	v7 =	vand.u32 $0xFFFFFF80, v46;
	[tilespmem:v5+s10+$0x0] =	vst.idx.add.f32.msk $0xffff, v18  }
0x3ea: {  	v7 =	vor.u32 v14, v7;
	[tilespmem:v15+s10+$0x0] =	vst.idx.add.f32.msk $0xffff, v50  }
0x3eb: {  	v4 =	vmul.u32 $0x500, v4;
	v15 =	vmul.u32 $0x500, v17;
	v17 =	vadd.s32 v35, v0;
	[tilespmem:v22+s10+$0x0] =	vst.idx.add.f32.msk $0xffff, v12  }
0x3ec: {  	v22 =	vmul.u32 $0x500, v26;
	v17 =	vand.u32 $0xFFFFFF80, v17;
	v26 =	vadd.s32 v39, v0;
	[tilespmem:v8+s10+$0x0] =	vst.idx.add.f32.msk $0xffff, v13  }
0x3ed: {  	v0 =	vadd.s32 v10, v0;
	v8 =	vor.u32 v30, v17;
	v17 =	vand.u32 $0xFFFFFF80, v26;
	[tilespmem:v3+s10+$0x0] =	vst.idx.add.f32.msk $0xffff, v11  }
0x3ee: {  	v0 =	vand.u32 $0xFFFFFF80, v0;
	v3 =	vor.u32 v14, v17;
	v17 =	vadd.s32 v1, v4;
	v1 =	vld [tilespmem:$0x1FD00]  }
0x3ef: {  	v0 =	vor.u32 v30, v0;
	[tilespmem:v7+s10+$0x0] =	vst.idx.add.f32.msk $0xffff, v9;
	v7 =	vand.u32 $0xFFFFFF80, v17  }
0x3f0: {  	v63 =	vimm.f32 $3.906250000e-01;
	v7 =	vor.u32 v14, v7  }
0x3f1: {  	v54 =	vld [tilespmem:$0x1FE10];
	v46 =	vimm.f32 $1.406250000e-01;
	v26 =	vadd.s32 v39, v4;
	v17 =	vadd.s32 v35, v4  }
0x3f2: {  	v26 =	vand.u32 $0xFFFFFF80, v26;
	v4 =	vadd.s32 v10, v4;
	v17 =	vand.u32 $0xFFFFFF80, v17;
	[tilespmem:v8+s10+$0x0] =	vst.idx.add.f32.msk $0xffff, v63  }
0x3f3: {  	v4 =	vand.u32 $0xFFFFFF80, v4;
	v8 =	vor.u32 v14, v26;
	v26 =	vadd.s32 v35, v15;
	[tilespmem:v3+s10+$0x0] =	vst.idx.add.f32.msk $0xffff, v46  }
0x3f4: {  	v3 =	vor.u32 v30, v4;
	v4 =	vand.u32 $0xFFFFFF80, v26;
	v26 =	vadd.s32 v1, v15;
	[tilespmem:v0+s10+$0x0] =	vst.idx.add.f32.msk $0xffff, v9  }
0x3f5: {  	v0 =	vor.u32 v30, v4;
	v4 =	vand.u32 $0xFFFFFF80, v26;
	v26 =	vadd.s32 v10, v15;
	[tilespmem:v7+s10+$0x0] =	vst.idx.add.f32.msk $0xffff, v13  }
0x3f6: {  	v17 =	vor.u32 v30, v17;
	v7 =	vand.u32 $0xFFFFFF80, v26;
	v26 =	vld [tilespmem:$0x1FD10]  }
0x3f7: {  	v55 =	vld [tilespmem:$0x1FF00]  }
0x3f8: {  	v42 =	vld [tilespmem:$0x1FE60]  }
0x3f9: {  	v48 =	vld [tilespmem:$0x1FE50]  }
0x3fa: {  	v46 =	vld [tilespmem:$0x1FD20]  }
0x3fb: {  	v4 =	vor.u32 v57, v4;
	[tilespmem:v17+s10+$0x0] =	vst.idx.add.f32.msk $0xffff, v50;
	v15 =	vadd.s32 v26, v15  }
0x3fc: {  	v7 =	vor.u32 v30, v7;
	v17 =	vadd.s32 v35, v22;
	[tilespmem:v8+s10+$0x0] =	vst.idx.add.f32.msk $0xffff, v11;
	v15 =	vand.u32 $0xFFFFFF80, v15  }
0x3fd: {  	[tilespmem:v3+s10+$0x0] =	vst.idx.add.f32.msk $0xffff, v12;
	v8 =	vor.u32 v57, v15;
	v15 =	vand.u32 $0xFFFFFF80, v17;
	v17 =	vadd.s32 v1, v22  }
0x3fe: {  	[tilespmem:v0+s10+$0x0] =	vst.idx.add.f32.msk $0xffff, v50;
	v3 =	vor.u32 v30, v15;
	v15 =	vand.u32 $0xFFFFFF80, v17  }
0x3ff: {  	v10 =	vadd.s32 v10, v22;
	v0 =	vor.u32 v57, v15;
	v15 =	vld [tilespmem:$0x1FE20]  }
0x400: {  	v5 =	vor.u32 s30, v48;
	v10 =	vand.u32 $0xFFFFFF80, v10;
	[tilespmem:v4+s10+$0x0] =	vst.idx.add.f32.msk $0xffff, v13;
	v1 =	vadd.s32 v26, v22  }
0x401: {  	v47 =	vor.u32 s30, v42;
	v4 =	vor.u32 v30, v10;
	[tilespmem:v7+s10+$0x0] =	vst.idx.add.f32.msk $0xffff, v12;
	v1 =	vand.u32 $0xFFFFFF80, v1  }
0x402: {  	v10 =	vimm.f32 $3.906250000e-01;
	v7 =	vor.u32 v57, v1;
	v1 =	vadd.s32 v46, v43;
	[tilespmem:v8+s10+$0x0] =	vst.idx.add.f32.msk $0xffff, v11  }
0x403: {  	v1 =	vand.u32 $0xFFFFFF80, v1;
	[tilespmem:v3+s10+$0x0] =	vst.idx.add.f32.msk $0xffff, v10  }
0x404: {  	v3 =	vor.u32 s14, v15;
	v15 =	vor.u32 v52, v1;
	v1 =	vld [tilespmem:$0x1FE30]  }
0x405: {  	v5 =	vld.idx.msk [tilespmem:v5+s2+$0x0], $0xffff  }
0x406: {  	v39 =	vld.idx.msk [tilespmem:v47+s2+$0x0], $0xffff  }
0x407: {  	[tilespmem:v0+s10+$0x0] =	vst.idx.add.f32.msk $0xffff, v9  }
0x408: {  	[tilespmem:v4+s10+$0x0] =	vst.idx.add.f32.msk $0xffff, v9  }
0x409: {  	v4 =	vor.u32 s14, v1;
	v1 =	vld [tilespmem:$0x1FF60]  }
0x40a: {  	v63 =	vld [tilespmem:$0x1FD30]  }
0x40b: {  	v43 =	vld [tilespmem:$0x1FE70]  }
0x40c: {  	v62 =	vmov v57;
	v57 =	vld [tilespmem:$0x1FF60]  }
0x40d: {  	v5 =	vmul.u32 $0x500, v5;
	v22 =	vimm.f32 $1.406250000e-01;
	v0 =	vor.u32 s14, v55;
	v55 =	vld [tilespmem:$0x1FE80]  }
0x40e: {  	[tilespmem:v7+s10+$0x0] =	vst.idx.add.f32.msk $0xffff, v22;
	v22 =	vmul.u32 $0x500, v39;
	v10 =	vor.u32 s17, v1  }
0x40f: {  	v8 =	vor.u32 s14, v54;
	[tilespmem:v15+s10+$0x0] =	vst.idx.add.f32.msk vm1, v12;
	v54 =	vadd.s32 v10, v5  }
0x410: {  	[tilespmem:v15+s10+$0x0] =	vst.idx.add.f32.msk $0x7fff, v12;
	v39 =	vand.u32 $0xFFFFFF80, v54;
	v54 =	vadd.s32 v63, v22  }
0x411: {  	v15 =	vand.u32 $0xFFFFFF80, v54;
	v54 =	vld [tilespmem:$0x1FF60];
	_ =	sdelay $0x2  }
0x412: {  	v47 =	vadd.s32 v61, v5;
	v26 =	vadd.s32 v63, v5;
	v17 =	vor.u32 s30, v43;
	v8 =	vld.idx.msk [tilespmem:v8+s2+$0x0], $0xffff  }
0x413: {  	v35 =	vand.u32 $0xFFFFFF80, v47;
	v47 =	vld [tilespmem:$0x1FF60];
	v26 =	vand.u32 $0xFFFFFF80, v26;
	v7 =	vor.u32 s30, v55  }
0x414: {  	v26 =	vor.u32 v57, v26;
	v15 =	vor.u32 v54, v15;
	v54 =	vld [tilespmem:$0x1FD40];
	_ =	sdelay $0x2  }
0x415: {  	v17 =	vld.idx.msk [tilespmem:v17+s2+$0x0], $0xffff;
	v8 =	vmul.u32 $0x500, v8  }
0x416: {  	v57 =	vadd.s32 v61, v22;
	v7 =	vld.idx.msk [tilespmem:v7+s2+$0x0], $0xffff  }
0x417: {  	[tilespmem:v26+s10+$0x0] =	vst.idx.add.f32.msk $0xffff, v12;
	v39 =	vor.u32 v47, v39;
	v47 =	vand.u32 $0xFFFFFF80, v57;
	v57 =	vadd.s32 v54, v8  }
0x418: {  	v35 =	vor.u32 v51, v35;
	v26 =	vand.u32 $0xFFFFFF80, v57;
	v57 =	vld [tilespmem:$0x1FFF0]  }
0x419: {  	v1 =	vor.u32 s17, v51  }
0x41a: {  	v5 =	vadd.s32 v1, v5  }
0x41b: {  	v3 =	vld.idx.msk [tilespmem:v3+s2+$0x0], $0xffff;
	v5 =	vand.u32 $0xFFFFFF80, v5  }
0x41c: {  	v0 =	vld.idx.msk [tilespmem:v0+s2+$0x0], $0xffff;
	v5 =	vor.u32 v51, v5;
	v40 =	vor.u32 v51, v47;
	v47 =	vadd.s32 v33, v8  }
0x41d: {  	[tilespmem:v35+s10+$0x0] =	vst.idx.add.f32.msk $0xffff, v50;
	v47 =	vand.u32 $0xFFFFFF80, v47;
	v26 =	vor.u32 v57, v26;
	v57 =	vadd.s32 v34, v8  }
0x41e: {  	v35 =	vor.u32 v37, v47;
	v47 =	vand.u32 $0xFFFFFF80, v57;
	v57 =	vld [tilespmem:$0x1FFF0]  }
0x41f: {  	v4 =	vld.idx.msk [tilespmem:v4+s2+$0x0], $0xffff  }
0x420: {  	v3 =	vmul.u32 $0x500, v3;
	[tilespmem:v39+s10+$0x0] =	vst.idx.add.f32.msk $0xffff, v11  }
0x421: {  	[tilespmem:v5+s10+$0x0] =	vst.idx.add.f32.msk $0xffff, v13  }
0x422: {  	v0 =	vmul.u32 $0x500, v0;
	v54 =	vadd.s32 v54, v3;
	[tilespmem:v15+s10+$0x0] =	vst.idx.add.f32.msk $0xffff, v6;
	v8 =	vadd.s32 v19, v8  }
0x423: {  	v15 =	vand.u32 $0xFFFFFF80, v54;
	[tilespmem:v40+s10+$0x0] =	vst.idx.add.f32.msk $0xffff, v20;
	v8 =	vand.u32 $0xFFFFFF80, v8;
	v5 =	vor.u32 v57, v47  }
0x424: {  	v40 =	vld [tilespmem:$0x1FD50];
	v34 =	vadd.s32 v34, v3;
	v8 =	vor.u32 v37, v8;
	v47 =	vadd.s32 v33, v3  }
0x425: {  	v34 =	vand.u32 $0xFFFFFF80, v34;
	v15 =	vor.u32 v57, v15;
	v39 =	vand.u32 $0xFFFFFF80, v47  }
0x426: {  	[tilespmem:v26+s10+$0x0] =	vst.idx.add.f32.msk $0xffff, v9;
	v3 =	vadd.s32 v19, v3;
	v47 =	vimm.f32 $3.906250000e-01;
	v26 =	vor.u32 v37, v39  }
0x427: {  	v34 =	vor.u32 v57, v34;
	v3 =	vand.u32 $0xFFFFFF80, v3;
	[tilespmem:v35+s10+$0x0] =	vst.idx.add.f32.msk $0xffff, v47;
	v47 =	vimm.f32 $1.406250000e-01  }
0x428: {  	v57 =	vadd.s32 v33, v0;
	v3 =	vor.u32 v37, v3;
	[tilespmem:v5+s10+$0x0] =	vst.idx.add.f32.msk $0xffff, v47  }
0x429: {  	v4 =	vmul.u32 $0x500, v4;
	v5 =	vand.u32 $0xFFFFFF80, v57;
	v57 =	vadd.s32 v40, v0;
	[tilespmem:v8+s10+$0x0] =	vst.idx.add.f32.msk $0xffff, v9  }
0x42a: {  	v47 =	vadd.s32 v19, v0;
	v5 =	vor.u32 v37, v5;
	v8 =	vand.u32 $0xFFFFFF80, v57;
	[tilespmem:v15+s10+$0x0] =	vst.idx.add.f32.msk $0xffff, v13  }
0x42b: {  	v0 =	vadd.s32 v32, v0;
	v8 =	vor.u32 v59, v8;
	v15 =	vand.u32 $0xFFFFFF80, v47;
	[tilespmem:v26+s10+$0x0] =	vst.idx.add.f32.msk $0xffff, v50  }
0x42c: {  	v15 =	vor.u32 v37, v15;
	v26 =	vadd.s32 v33, v4;
	[tilespmem:v34+s10+$0x0] =	vst.idx.add.f32.msk $0xffff, v11  }
0x42d: {  	v40 =	vadd.s32 v40, v4;
	v0 =	vand.u32 $0xFFFFFF80, v0;
	v26 =	vand.u32 $0xFFFFFF80, v26;
	[tilespmem:v3+s10+$0x0] =	vst.idx.add.f32.msk $0xffff, v12  }
0x42e: {  	v0 =	vor.u32 v59, v0;
	v3 =	vor.u32 v37, v26;
	v26 =	vand.u32 $0xFFFFFF80, v40;
	v40 =	vld [tilespmem:$0x1FD60]  }
0x42f: {  	v19 =	vadd.s32 v19, v4;
	[tilespmem:v5+s10+$0x0] =	vst.idx.add.f32.msk $0xffff, v50  }
0x430: {  	v5 =	vor.u32 v59, v26;
	v26 =	vand.u32 $0xFFFFFF80, v19;
	[tilespmem:v8+s10+$0x0] =	vst.idx.add.f32.msk $0xffff, v13  }
0x431: {  	v8 =	vor.u32 v37, v26;
	v26 =	vadd.s32 v10, v22;
	[tilespmem:v15+s10+$0x0] =	vst.idx.add.f32.msk $0xffff, v12  }
0x432: {  	v15 =	vand.u32 $0xFFFFFF80, v26;
	v26 =	vld [tilespmem:$0x1FF60]  }
0x433: {  	v47 =	vimm.f32 $3.906250000e-01;
	[tilespmem:v0+s10+$0x0] =	vst.idx.add.f32.msk $0xffff, v11  }
0x434: {  	[tilespmem:v3+s10+$0x0] =	vst.idx.add.f32.msk $0xffff, v47  }
0x435: {  	[tilespmem:v5+s10+$0x0] =	vst.idx.add.f32.msk $0xffff, v9  }
0x436: {  	v22 =	vadd.s32 v1, v22;
	[tilespmem:v8+s10+$0x0] =	vst.idx.add.f32.msk $0xffff, v9  }
0x437: {  	v17 =	vmul.u32 $0x500, v17;
	v22 =	vand.u32 $0xFFFFFF80, v22;
	v8 =	vld [tilespmem:$0x1FF70];
	v15 =	vor.u32 v26, v15  }
0x438: {  	v4 =	vadd.s32 v32, v4;
	v3 =	vor.u32 v51, v22  }
0x439: {  	v39 =	vld [tilespmem:$0x1FF40];
	v4 =	vand.u32 $0xFFFFFF80, v4;
	v26 =	vadd.s32 v61, v17  }
0x43a: {  	v57 =	vld [tilespmem:$0x1FF30];
	v4 =	vor.u32 v59, v4;
	v22 =	vand.u32 $0xFFFFFF80, v26;
	v26 =	vadd.s32 v40, v17  }
0x43b: {  	v19 =	vld [tilespmem:$0x1FF70];
	v5 =	vor.u32 v51, v22;
	v22 =	vand.u32 $0xFFFFFF80, v26  }
0x43c: {  	v8 =	vor.u32 v8, v22;
	[tilespmem:v15+s10+$0x0] =	vst.idx.add.f32.msk $0xffff, v18  }
0x43d: {  	v26 =	vadd.s32 v1, v17;
	[tilespmem:v3+s10+$0x0] =	vst.idx.add.f32.msk $0xffff, v6  }
0x43e: {  	v22 =	vand.u32 $0xFFFFFF80, v26;
	v26 =	vimm.f32 $1.406250000e-01;
	v3 =	vld [tilespmem:$0x1FF70]  }
0x43f: {  	[tilespmem:v4+s10+$0x0] =	vst.idx.add.f32.msk $0xffff, v26  }
0x440: {  	v7 =	vmul.u32 $0x500, v7;
	v19 =	vor.u32 s17, v19;
	[tilespmem:v5+s10+$0x0] =	vst.idx.add.f32.msk $0xffff, v20  }
0x441: {  	v0 =	vor.u32 s14, v57;
	v17 =	vadd.s32 v19, v17;
	[tilespmem:v8+s10+$0x0] =	vst.idx.add.f32.msk $0xffff, v6  }
0x442: {  	v4 =	vor.u32 v51, v22;
	v15 =	vand.u32 $0xFFFFFF80, v17;
	v17 =	vadd.s32 v61, v7;
	v8 =	vld [tilespmem:$0x1FF70]  }
0x443: {  	v41 =	vld [tilespmem:$0x1FF50];
	v3 =	vor.u32 v3, v15;
	v15 =	vand.u32 $0xFFFFFF80, v17  }
0x444: {  	v5 =	vor.u32 v51, v15  }
0x445: {  	v33 =	vld [tilespmem:$0x1FF10];
	v17 =	vadd.s32 v40, v7  }
0x446: {  	v22 =	vor.u32 s14, v39;
	v0 =	vld.idx.msk [tilespmem:v0+s2+$0x0], $0xffff;
	v15 =	vand.u32 $0xFFFFFF80, v17  }
0x447: {  	[tilespmem:v4+s10+$0x0] =	vst.idx.add.f32.msk $0xffff, v6;
	v8 =	vor.u32 v8, v15  }
0x448: {  	v4 =	vadd.s32 v1, v7;
	v15 =	vor.u32 s14, v41;
	[tilespmem:v3+s10+$0x0] =	vst.idx.add.f32.msk $0xffff, v18  }
0x449: {  	v4 =	vand.u32 $0xFFFFFF80, v4;
	[tilespmem:v5+s10+$0x0] =	vst.idx.add.f32.msk $0xffff, v50  }
0x44a: {  	v3 =	vor.u32 v51, v4;
	v5 =	vld [tilespmem:$0x1FF70]  }
0x44b: {  	v17 =	vld.idx.msk [tilespmem:v22+s2+$0x0], $0xffff  }
0x44c: {  	v0 =	vmul.u32 $0x500, v0;
	[tilespmem:v8+s10+$0x0] =	vst.idx.add.f32.msk $0xffff, v12  }
0x44d: {  	v7 =	vadd.s32 v19, v7;
	v8 =	vld.idx.msk [tilespmem:v15+s2+$0x0], $0xffff  }
0x44e: {  	v22 =	vor.u32 s14, v60;
	v4 =	vand.u32 $0xFFFFFF80, v7;
	v7 =	vadd.s32 v56, v0;
	v15 =	vld [tilespmem:$0x1FFA0]  }
0x44f: {  	[tilespmem:v3+s10+$0x0] =	vst.idx.add.f32.msk $0xffff, v13;
	v4 =	vor.u32 v5, v4;
	v5 =	vand.u32 $0xFFFFFF80, v7;
	v7 =	vadd.s32 v27, v0  }
0x450: {  	v3 =	vld [tilespmem:$0x1FFB0];
	v5 =	vor.u32 v33, v5;
	v7 =	vand.u32 $0xFFFFFF80, v7  }
0x451: {  	v34 =	vld [tilespmem:$0x1FF20];
	v7 =	vor.u32 v44, v7  }
0x452: {  	v57 =	vimm.f32 $3.906250000e-01;
	v39 =	vld [tilespmem:$0x1FD70];
	v26 =	vadd.s32 v28, v0;
	v17 =	vmul.u32 $0x500, v17  }
0x453: {  	v26 =	vand.u32 $0xFFFFFF80, v26;
	v22 =	vld.idx.msk [tilespmem:v22+s2+$0x0], $0xffff;
	v0 =	vadd.s32 v25, v0;
	v15 =	vor.u32 s30, v15  }
0x454: {  	v0 =	vand.u32 $0xFFFFFF80, v0;
	[tilespmem:v4+s10+$0x0] =	vst.idx.add.f32.msk $0xffff, v11;
	v4 =	vor.u32 v33, v26;
	v26 =	vadd.s32 v56, v17  }
0x455: {  	v0 =	vor.u32 v44, v0;
	v3 =	vor.u32 s30, v3;
	[tilespmem:v5+s10+$0x0] =	vst.idx.add.f32.msk $0xffff, v9;
	v26 =	vand.u32 $0xFFFFFF80, v26  }
0x456: {  	[tilespmem:v7+s10+$0x0] =	vst.idx.add.f32.msk $0xffff, v57;
	v7 =	vor.u32 v33, v26;
	v26 =	vadd.s32 v27, v17  }
0x457: {  	v60 =	vimm.f32 $1.406250000e-01;
	v28 =	vadd.s32 v28, v17;
	v5 =	vld [tilespmem:$0x1FFC0];
	v26 =	vand.u32 $0xFFFFFF80, v26  }
0x458: {  	v28 =	vand.u32 $0xFFFFFF80, v28;
	v8 =	vmul.u32 $0x500, v8;
	v15 =	vld.idx.msk [tilespmem:v15+s2+$0x0], $0xffff;
	v26 =	vor.u32 v44, v26  }
0x459: {  	v17 =	vadd.s32 v25, v17;
	[tilespmem:v4+s10+$0x0] =	vst.idx.add.f32.msk $0xffff, v60;
	v4 =	vor.u32 v33, v28  }
0x45a: {  	v22 =	vmul.u32 $0x500, v22;
	v17 =	vand.u32 $0xFFFFFF80, v17;
	v3 =	vld.idx.msk [tilespmem:v3+s2+$0x0], $0xffff;
	v28 =	vadd.s32 v27, v8  }
0x45b: {  	[tilespmem:v0+s10+$0x0] =	vst.idx.add.f32.msk $0xffff, v9;
	v0 =	vor.u32 v44, v17;
	v17 =	vand.u32 $0xFFFFFF80, v28;
	v28 =	vadd.s32 v53, v8  }
0x45c: {  	[tilespmem:v7+s10+$0x0] =	vst.idx.add.f32.msk $0xffff, v13;
	v7 =	vor.u32 v44, v17;
	v17 =	vand.u32 $0xFFFFFF80, v28;
	v28 =	vadd.s32 v25, v8  }
0x45d: {  	v8 =	vadd.s32 v21, v8;
	v17 =	vor.u32 v34, v17;
	v28 =	vand.u32 $0xFFFFFF80, v28;
	[tilespmem:v26+s10+$0x0] =	vst.idx.add.f32.msk $0xffff, v50  }
0x45e: {  	v27 =	vadd.s32 v27, v22;
	v8 =	vand.u32 $0xFFFFFF80, v8;
	v26 =	vor.u32 v44, v28;
	[tilespmem:v4+s10+$0x0] =	vst.idx.add.f32.msk $0xffff, v11  }
0x45f: {  	v4 =	vor.u32 v34, v8;
	v8 =	vand.u32 $0xFFFFFF80, v27;
	v27 =	vadd.s32 v53, v22;
	v53 =	vld [tilespmem:$0x1FFD0]  }
0x460: {  	[tilespmem:v0+s10+$0x0] =	vst.idx.add.f32.msk $0xffff, v12  }
0x461: {  	v0 =	vor.u32 v44, v8;
	[tilespmem:v7+s10+$0x0] =	vst.idx.add.f32.msk $0xffff, v50  }
0x462: {  	v25 =	vadd.s32 v25, v22;
	v21 =	vadd.s32 v21, v22;
	v8 =	vand.u32 $0xFFFFFF80, v27;
	[tilespmem:v17+s10+$0x0] =	vst.idx.add.f32.msk $0xffff, v13  }
0x463: {  	v7 =	vor.u32 v34, v8;
	v8 =	vand.u32 $0xFFFFFF80, v25;
	v17 =	vand.u32 $0xFFFFFF80, v21;
	v21 =	vld [tilespmem:$0x1FF80]  }
0x464: {  	v8 =	vor.u32 v44, v8;
	[tilespmem:v26+s10+$0x0] =	vst.idx.add.f32.msk $0xffff, v12  }
0x465: {  	v27 =	vimm.f32 $3.906250000e-01;
	v17 =	vor.u32 v34, v17;
	[tilespmem:v4+s10+$0x0] =	vst.idx.add.f32.msk $0xffff, v11  }
0x466: {  	[tilespmem:v0+s10+$0x0] =	vst.idx.add.f32.msk $0xffff, v27  }
0x467: {  	v0 =	vld [tilespmem:$0x1FF80]  }
0x468: {  	[tilespmem:v7+s10+$0x0] =	vst.idx.add.f32.msk $0xffff, v9  }
0x469: {  	v5 =	vor.u32 s30, v5;
	v15 =	vmul.u32 $0x500, v15;
	v28 =	vimm.f32 $1.406250000e-01;
	[tilespmem:v8+s10+$0x0] =	vst.idx.add.f32.msk $0xffff, v9  }
0x46a: {  	v4 =	vor.u32 s14, v48;
	[tilespmem:v17+s10+$0x0] =	vst.idx.add.f32.msk $0xffff, v28  }
0x46b: {  	v26 =	vadd.s32 v39, v15;
	v22 =	vor.u32 s30, v53;
	v17 =	vld [tilespmem:$0x1FF80]  }
0x46c: {  	v3 =	vmul.u32 $0x500, v3;
	v26 =	vand.u32 $0xFFFFFF80, v26;
	v7 =	vor.u32 s14, v42  }
0x46d: {  	v41 =	vld [tilespmem:$0x1FF80];
	v25 =	vor.u32 s17, v21;
	v0 =	vor.u32 v0, v26;
	v26 =	vadd.s32 v49, v15  }
0x46e: {  	v5 =	vld.idx.msk [tilespmem:v5+s2+$0x0], $0xffff;
	v21 =	vor.u32 s17, v58;
	v27 =	vadd.s32 v25, v15;
	v26 =	vand.u32 $0xFFFFFF80, v26  }
0x46f: {  	v27 =	vand.u32 $0xFFFFFF80, v27;
	v4 =	vld.idx.msk [tilespmem:v4+s2+$0x0], $0xffff;
	v15 =	vadd.s32 v21, v15;
	v26 =	vor.u32 v58, v26  }
0x470: {  	v22 =	vld.idx.msk [tilespmem:v22+s2+$0x0], $0xffff;
	v15 =	vand.u32 $0xFFFFFF80, v15;
	v17 =	vor.u32 v17, v27;
	v27 =	vadd.s32 v39, v3  }
0x471: {  	v28 =	vadd.s32 v49, v3;
	v7 =	vld.idx.msk [tilespmem:v7+s2+$0x0], $0xffff;
	v15 =	vor.u32 v58, v15;
	v27 =	vand.u32 $0xFFFFFF80, v27  }
0x472: {  	v28 =	vand.u32 $0xFFFFFF80, v28;
	v27 =	vor.u32 v41, v27;
	[tilespmem:v0+s10+$0x0] =	vst.idx.add.f32.msk $0xffff, v12  }
0x473: {  	v28 =	vor.u32 v58, v28;
	v0 =	vld [tilespmem:$0x1FF80]  }
0x474: {  	[tilespmem:v26+s10+$0x0] =	vst.idx.add.f32.msk $0xffff, v50  }
0x475: {  	[tilespmem:v17+s10+$0x0] =	vst.idx.add.f32.msk $0xffff, v11  }
0x476: {  	v5 =	vmul.u32 $0x500, v5;
	[tilespmem:v15+s10+$0x0] =	vst.idx.add.f32.msk $0xffff, v13  }
0x477: {  	[tilespmem:v27+s10+$0x0] =	vst.idx.add.f32.msk $0xffff, v6  }
0x478: {  	v8 =	vor.u32 s14, v43;
	v43 =	vadd.s32 v49, v5;
	v42 =	vadd.s32 v25, v3;
	[tilespmem:v28+s10+$0x0] =	vst.idx.add.f32.msk $0xffff, v20  }
0x479: {  	v32 =	vand.u32 $0xFFFFFF80, v42;
	v3 =	vadd.s32 v21, v3;
	v15 =	vor.u32 s14, v55;
	v28 =	vld [tilespmem:$0x1FF60]  }
0x47a: {  	v3 =	vand.u32 $0xFFFFFF80, v3;
	v4 =	vmul.u32 $0x500, v4;
	v0 =	vor.u32 v0, v32  }
0x47b: {  	v57 =	vld [tilespmem:$0x1FF60];
	v3 =	vor.u32 v58, v3;
	v26 =	vand.u32 $0xFFFFFF80, v43  }
0x47c: {  	v48 =	vadd.s32 v63, v4;
	v17 =	vor.u32 v58, v26  }
0x47d: {  	v8 =	vld.idx.msk [tilespmem:v8+s2+$0x0], $0xffff;
	v7 =	vmul.u32 $0x500, v7;
	v55 =	vadd.s32 v61, v4;
	v27 =	vand.u32 $0xFFFFFF80, v48  }
0x47e: {  	v56 =	vadd.s32 v10, v4;
	v15 =	vld.idx.msk [tilespmem:v15+s2+$0x0], $0xffff;
	v27 =	vor.u32 v28, v27;
	v28 =	vand.u32 $0xFFFFFF80, v55  }
0x47f: {  	[tilespmem:v0+s10+$0x0] =	vst.idx.add.f32.msk $0xffff, v18;
	v0 =	vor.u32 v51, v28;
	v28 =	vand.u32 $0xFFFFFF80, v56  }
0x480: {  	[tilespmem:v3+s10+$0x0] =	vst.idx.add.f32.msk $0xffff, v6;
	v3 =	vor.u32 v57, v28;
	v28 =	vadd.s32 v63, v7  }
0x481: {  	v4 =	vadd.s32 v1, v4;
	[tilespmem:v17+s10+$0x0] =	vst.idx.add.f32.msk $0xffff, v20;
	v17 =	vand.u32 $0xFFFFFF80, v28;
	v28 =	vadd.s32 v61, v7  }
0x482: {  	v4 =	vand.u32 $0xFFFFFF80, v4;
	v20 =	vld [tilespmem:$0x1FF70];
	v28 =	vand.u32 $0xFFFFFF80, v28  }
0x483: {  	v4 =	vor.u32 v51, v4;
	[tilespmem:v27+s10+$0x0] =	vst.idx.add.f32.msk $0xffff, v9;
	v27 =	vor.u32 v51, v28;
	v28 =	vimm.f32 $3.906250000e-01  }
0x484: {  	v17 =	vor.u32 v57, v17;
	[tilespmem:v0+s10+$0x0] =	vst.idx.add.f32.msk $0xffff, v28;
	v28 =	vimm.f32 $1.406250000e-01  }
0x485: {  	v47 =	vadd.s32 v46, v5;
	v10 =	vadd.s32 v10, v7;
	[tilespmem:v3+s10+$0x0] =	vst.idx.add.f32.msk $0xffff, v28  }
0x486: {  	v8 =	vmul.u32 $0x500, v8;
	v26 =	vand.u32 $0xFFFFFF80, v47;
	v10 =	vand.u32 $0xFFFFFF80, v10;
	v28 =	vld [tilespmem:$0x1FFC0]  }
0x487: {  	v7 =	vadd.s32 v1, v7;
	v0 =	vor.u32 v57, v10;
	v3 =	vor.u32 v52, v26;
	v26 =	vld [tilespmem:$0x1FF70]  }
0x488: {  	v7 =	vand.u32 $0xFFFFFF80, v7;
	v10 =	vadd.s32 v61, v8;
	[tilespmem:v4+s10+$0x0] =	vst.idx.add.f32.msk $0xffff, v9  }
0x489: {  	v7 =	vor.u32 v51, v7;
	v10 =	vand.u32 $0xFFFFFF80, v10;
	[tilespmem:v17+s10+$0x0] =	vst.idx.add.f32.msk $0xffff, v13  }
0x48a: {  	v4 =	vor.u32 v51, v10;
	v10 =	vadd.s32 v40, v8;
	[tilespmem:v27+s10+$0x0] =	vst.idx.add.f32.msk $0xffff, v50  }
0x48b: {  	v15 =	vmul.u32 $0x500, v15;
	v10 =	vand.u32 $0xFFFFFF80, v10;
	v17 =	vadd.s32 v1, v8;
	v27 =	vld [tilespmem:$0x1FFB0]  }
0x48c: {  	v8 =	vadd.s32 v19, v8;
	v17 =	vand.u32 $0xFFFFFF80, v17;
	[tilespmem:v0+s10+$0x0] =	vst.idx.add.f32.msk $0xffff, v11;
	v10 =	vor.u32 v26, v10  }
0x48d: {  	v8 =	vand.u32 $0xFFFFFF80, v8;
	v0 =	vor.u32 v51, v17;
	v17 =	vadd.s32 v61, v15;
	v26 =	vld [tilespmem:$0x1FFA0]  }
0x48e: {  	[tilespmem:v7+s10+$0x0] =	vst.idx.add.f32.msk $0xffff, v12;
	v7 =	vor.u32 v20, v8;
	v8 =	vand.u32 $0xFFFFFF80, v17;
	v17 =	vadd.s32 v40, v15  }
0x48f: {  	v1 =	vadd.s32 v1, v15;
	[tilespmem:v4+s10+$0x0] =	vst.idx.add.f32.msk $0xffff, v50;
	v4 =	vor.u32 v51, v8;
	v8 =	vand.u32 $0xFFFFFF80, v17  }
0x490: {  	v1 =	vand.u32 $0xFFFFFF80, v1;
	v15 =	vadd.s32 v19, v15;
	[tilespmem:v3+s10+$0x0] =	vst.idx.add.f32.msk vm1, v6;
	v8 =	vor.u32 v20, v8  }
0x491: {  	v1 =	vor.u32 v51, v1;
	[tilespmem:v10+s10+$0x0] =	vst.idx.add.f32.msk $0xffff, v13;
	v10 =	vand.u32 $0xFFFFFF80, v15  }
0x492: {  	[tilespmem:v0+s10+$0x0] =	vst.idx.add.f32.msk $0xffff, v12;
	v0 =	vor.u32 v20, v10  }
0x493: {  	v15 =	vimm.f32 $3.906250000e-01;
	v10 =	vor.u32 s17, v52;
	[tilespmem:v7+s10+$0x0] =	vst.idx.add.f32.msk $0xffff, v11  }
0x494: {  	v7 =	vor.u32 s14, v26;
	[tilespmem:v4+s10+$0x0] =	vst.idx.add.f32.msk $0xffff, v15;
	v4 =	vmul.u32 $0x500, v22;
	v15 =	vadd.s32 v21, v5  }
0x495: {  	v5 =	vadd.s32 v10, v5;
	[tilespmem:v8+s10+$0x0] =	vst.idx.add.f32.msk $0xffff, v9;
	v8 =	vor.u32 s14, v27;
	v15 =	vand.u32 $0xFFFFFF80, v15  }
0x496: {  	v17 =	vimm.f32 $1.406250000e-01;
	v5 =	vand.u32 $0xFFFFFF80, v5;
	[tilespmem:v1+s10+$0x0] =	vst.idx.add.f32.msk $0xffff, v9;
	v15 =	vor.u32 v58, v15  }
0x497: {  	[tilespmem:v0+s10+$0x0] =	vst.idx.add.f32.msk $0xffff, v17;
	v0 =	vor.u32 v52, v5;
	v5 =	vadd.s32 v49, v4  }
0x498: {  	[tilespmem:v3+s10+$0x0] =	vst.idx.add.f32.msk $0x7fff, v6;
	v3 =	vand.u32 $0xFFFFFF80, v5;
	v5 =	vadd.s32 v46, v4  }
0x499: {  	v7 =	vld.idx.msk [tilespmem:v7+s2+$0x0], $0xffff;
	v3 =	vor.u32 v58, v3;
	v5 =	vand.u32 $0xFFFFFF80, v5  }
0x49a: {  	v8 =	vld.idx.msk [tilespmem:v8+s2+$0x0], $0xffff;
	v5 =	vor.u32 v52, v5  }
0x49b: {  	[tilespmem:v15+s10+$0x0] =	vst.idx.add.f32.msk $0xffff, v6  }
0x49c: {  	[tilespmem:v0+s10+$0x0] =	vst.idx.add.f32.msk vm1, v18  }
0x49d: {  	[tilespmem:v0+s10+$0x0] =	vst.idx.add.f32.msk $0x7fff, v18  }
0x49e: {  	[tilespmem:v3+s10+$0x0] =	vst.idx.add.f32.msk $0xffff, v50  }
0x49f: {  	v17 =	vadd.s32 v21, v4;
	[tilespmem:v5+s10+$0x0] =	vst.idx.add.f32.msk vm1, v12  }
0x4a0: {  	v15 =	vand.u32 $0xFFFFFF80, v17;
	[tilespmem:v5+s10+$0x0] =	vst.idx.add.f32.msk $0x7fff, v12  }
0x4a1: {  	v15 =	vor.u32 v58, v15;
	v5 =	vld [tilespmem:$0x1FF80]  }
0x4a2: {  	v4 =	vadd.s32 v10, v4;
	v7 =	vmul.u32 $0x500, v7  }
0x4a3: {  	v4 =	vand.u32 $0xFFFFFF80, v4  }
0x4a4: {  	v0 =	vor.u32 v52, v4;
	v4 =	vmul.u32 $0x500, v8;
	v8 =	vadd.s32 v39, v7  }
0x4a5: {  	v54 =	vld [tilespmem:$0x1FEF0];
	v1 =	vor.u32 s14, v28;
	v17 =	vadd.s32 v49, v7;
	v8 =	vand.u32 $0xFFFFFF80, v8  }
0x4a6: {  	[tilespmem:v15+s10+$0x0] =	vst.idx.add.f32.msk $0xffff, v13;
	v5 =	vor.u32 v5, v8;
	v8 =	vand.u32 $0xFFFFFF80, v17;
	v17 =	vadd.s32 v25, v7  }
0x4a7: {  	v15 =	vand.u32 $0xFFFFFF80, v17;
	v17 =	vld [tilespmem:$0x1FF80]  }
0x4a8: {  	v43 =	vld [tilespmem:$0x1FFE0]  }
0x4a9: {  	v19 =	vld [tilespmem:$0x1FF80]  }
0x4aa: {  	v22 =	vld [tilespmem:$0x1FEE0];
	v3 =	vor.u32 s14, v53  }
0x4ab: {  	v1 =	vld.idx.msk [tilespmem:v1+s2+$0x0], $0xffff;
	v7 =	vadd.s32 v21, v7;
	v8 =	vor.u32 v58, v8  }
0x4ac: {  	[tilespmem:v0+s10+$0x0] =	vst.idx.add.f32.msk vm1, v11;
	v7 =	vand.u32 $0xFFFFFF80, v7;
	v15 =	vor.u32 v17, v15;
	v17 =	vadd.s32 v39, v4  }
0x4ad: {  	[tilespmem:v0+s10+$0x0] =	vst.idx.add.f32.msk $0x7fff, v11;
	v0 =	vor.u32 v58, v7;
	v7 =	vand.u32 $0xFFFFFF80, v17  }
0x4ae: {  	v17 =	vadd.s32 v49, v4;
	v7 =	vor.u32 v19, v7;
	v19 =	vadd.s32 v25, v4;
	v25 =	vld [tilespmem:$0x1FF80]  }
0x4af: {  	v3 =	vld.idx.msk [tilespmem:v3+s2+$0x0], $0xffff;
	v17 =	vand.u32 $0xFFFFFF80, v17  }
0x4b0: {  	[tilespmem:v5+s10+$0x0] =	vst.idx.add.f32.msk $0xffff, v9;
	v5 =	vor.u32 v58, v17;
	v17 =	vand.u32 $0xFFFFFF80, v19;
	v19 =	vimm.f32 $3.906250000e-01  }
0x4b1: {  	v1 =	vmul.u32 $0x500, v1;
	[tilespmem:v8+s10+$0x0] =	vst.idx.add.f32.msk $0xffff, v19;
	v19 =	vimm.f32 $1.406250000e-01  }
0x4b2: {  	v4 =	vadd.s32 v21, v4;
	[tilespmem:v15+s10+$0x0] =	vst.idx.add.f32.msk $0xffff, v19  }
0x4b3: {  	[tilespmem:v0+s10+$0x0] =	vst.idx.add.f32.msk $0xffff, v9;
	v8 =	vor.u32 v25, v17;
	v17 =	vadd.s32 v49, v1  }
0x4b4: {  	v4 =	vand.u32 $0xFFFFFF80, v4;
	[tilespmem:v7+s10+$0x0] =	vst.idx.add.f32.msk $0xffff, v13;
	v15 =	vand.u32 $0xFFFFFF80, v17;
	v17 =	vadd.s32 v46, v1  }
0x4b5: {  	v4 =	vor.u32 v58, v4;
	[tilespmem:v5+s10+$0x0] =	vst.idx.add.f32.msk $0xffff, v50;
	v0 =	vor.u32 v58, v15;
	v15 =	vand.u32 $0xFFFFFF80, v17  }
0x4b6: {  	v17 =	vld [tilespmem:$0x1FED0];
	v7 =	vor.u32 v52, v15;
	v15 =	vadd.s32 v21, v1  }
0x4b7: {  	v5 =	vand.u32 $0xFFFFFF80, v15;
	v15 =	vld [tilespmem:$0x1FEC0]  }
0x4b8: {  	v3 =	vmul.u32 $0x500, v3;
	v1 =	vadd.s32 v10, v1;
	[tilespmem:v8+s10+$0x0] =	vst.idx.add.f32.msk $0xffff, v11  }
0x4b9: {  	v1 =	vand.u32 $0xFFFFFF80, v1;
	v8 =	vld [tilespmem:$0x1FEB0];
	v5 =	vor.u32 v58, v5  }
0x4ba: {  	v1 =	vor.u32 v52, v1;
	[tilespmem:v4+s10+$0x0] =	vst.idx.add.f32.msk $0xffff, v12;
	v4 =	vadd.s32 v49, v3  }
0x4bb: {  	[tilespmem:v0+s10+$0x0] =	vst.idx.add.f32.msk $0xffff, v50;
	v0 =	vand.u32 $0xFFFFFF80, v4;
	v4 =	vadd.s32 v46, v3  }
0x4bc: {  	[tilespmem:v7+s10+$0x0] =	vst.idx.add.f32.msk vm1, v13;
	v0 =	vor.u32 v58, v0;
	v4 =	vand.u32 $0xFFFFFF80, v4  }
0x4bd: {  	[tilespmem:v7+s10+$0x0] =	vst.idx.add.f32.msk $0x7fff, v13;
	v4 =	vor.u32 v52, v4  }
0x4be: {  	v7 =	vadd.s32 v21, v3;
	v3 =	vadd.s32 v10, v3;
	[tilespmem:v5+s10+$0x0] =	vst.idx.add.f32.msk $0xffff, v12  }
0x4bf: {  	v5 =	vand.u32 $0xFFFFFF80, v7;
	v3 =	vand.u32 $0xFFFFFF80, v3;
	[tilespmem:v1+s10+$0x0] =	vst.idx.add.f32.msk vm1, v11  }
0x4c0: {  	v5 =	vor.u32 v58, v5;
	[tilespmem:v1+s10+$0x0] =	vst.idx.add.f32.msk $0x7fff, v11;
	v1 =	vor.u32 v52, v3;
	v3 =	vimm.f32 $3.906250000e-01  }
0x4c1: {  	s13 =	sadd.s32 $0x4, s13;
	[tilespmem:v0+s10+$0x0] =	vst.idx.add.f32.msk $0xffff, v3  }
0x4c2: {  	p0 =	slt.u32 s13, $0x1C;
	[tilespmem:v4+s10+$0x0] =	vst.idx.add.f32.msk vm1, v9  }
.Ltmp1:
0x4c3: {  	[tilespmem:v4+s10+$0x0] =	vst.idx.add.f32.msk $0x7fff, v9;
	(pc) =	sbr.rel @p0 .LBB2_4-.Ltmp1, $4  }
0x4c4: {  	v4 =	vld [tilespmem:$0x1FEA0]  }
0x4c5: {  	v0 =	vimm.f32 $1.406250000e-01;
	[tilespmem:v5+s10+$0x0] =	vst.idx.add.f32.msk $0xffff, v9  }
0x4c6: {  	[tilespmem:v1+s10+$0x0] =	vst.idx.add.f32.msk vm1, v0  }
0x4c7: {  	s16 =	sadd.s32 $0x1, s16;
	s15 =	sadd.s32 $0x80, s15;
	s14 =	sadd.s32 $0x800, s14;
	[tilespmem:v1+s10+$0x0] =	vst.idx.add.f32.msk $0x7fff, v0  }
0x4c8: {  	s12 =	sadd.s32 $0x1, s12  }
0x4c9: {  	p0 =	sne.s32 s12, s6  }
.Ltmp2:
0x4ca: {  	_ = 	snop;
	(pc) =	sbr.rel @p0 .LBB2_1-.Ltmp2, $4  }
0x4cb: {  	[hbm4b:s5+s7] =	stream.strided.scatter [tilespmem:s10], [sflag:$0x1], $0x6400, s11, s7, $0x38;
	[tilespmem:$0xA400] =	vst v63  }
0x4cc: {  	_ =	swait.ge [sflag:s9], $0x6400  }
0x4cd: {  	[sflag:s9] =	ssyncset.done $0x0  }
0x4ce: {  	[sflag:s9] =	ssyncadd.s32 $0xFFFF9C00  }
0x4cf: {  	_ =	sfence.sel $0x180000  }
0x4d0: {  	[bflag:$0x0] =	sbarrier.arrive $0xFFFF  }
0x4d1: {  	p0 =	sne.s32 s1, $0x0;
	_ =	strace $0x90000047  }
0x4d2: {  	s0 =	sadd.s32 @!p0 $0x100000, s0;
	[bflag:$0x2] =	sbarrier.arrive $0xFFFF  }
0x4d3: {  	[sflag:s0] =	ssyncadd.tile.s32 @!p0 $0x1;
	_ =	shalt  }
.Lfunc_end2:
_tile_overlayer_lowered:
.L_overlay_start_2:
0x4d4: {  	(tag) =	ssettag $0x2  }
0x4d5: {  	s0 =	rddreg [dreg:$0x0];
	s2 =	stileid.u32  }
0x4d6: {  	s1 =	rddreg [dreg:$0x1];
	p0 =	sne.s32 s2, $0x0  }
0x4d7: {  	s3 =	rddreg [dreg:$0x2];
	[bflag:$0x3] =	sbarrier.arrive $0xFFFF;
	s2 =	simm.s32 @!p0 $0x1C01  }
0x4d8: {  	[timem:s3], [sflag:s2] =	dma.local @!p0 [hbm:s0], s1  }
0x4d9: {  	s0 =	simm.s32 @!p0 $0x1  }
0x4da: {  	_ =	swait.ge @!p0 [sflag:s0], s1  }
0x4db: {  	s1 =	ssub.s32 @!p0 $0x0, s1;
	[sflag:s0] =	ssyncset.done @!p0 $0x0  }
0x4dc: {  	[sflag:s0] =	ssyncadd.s32 @!p0 s1  }
0x4dd: {  	[bflag:$0x3] =	sbarrier.arrive $0xFFFF  }
0x4de: {  	_ =	shalt  }

</sc_bundles>
